<compile_context>
chip_gen: v7x
topology: tpu7x:2x2x1
jax: 0.10.2.dev20260603
libtpu: 0.0.44.dev20260713+nightly
codegen_flags: <defaults>
</compile_context>

<pallas_src>
import functools
import jax
import jax.numpy as jnp
from jax import lax
from jax.experimental import pallas as pl
from jax.experimental.pallas import tpu as pltpu
from jax.experimental.pallas import tpu_sc as plsc

_B, _N, _NF = 8, 2048, 4096
_K, _FIN, _FOUT, _FOUT2 = 16, 128, 256, 256
_EPS = 1e-5
_M = _B * _N
_NE = 6 * _NF
_ROWS = 256
_STEPS = _M // _ROWS
_RG = 32



def _sc_topk_gather(edge_keys, x2):
    mesh = plsc.VectorSubcoreMesh(
        core_axis_name="c", subcore_axis_name="s", num_cores=2, num_subcores=16)

    @functools.partial(
        pl.kernel,
        out_type=[
            jax.ShapeDtypeStruct((_K * _M, _FIN), jnp.float32),
            jax.ShapeDtypeStruct((_M,), jnp.float32),
        ],
        mesh=mesh,
        compiler_params=pltpu.CompilerParams(needs_layout_passes=False),
        scratch_types=[
            pltpu.VMEM((_N * _RG,), jnp.float32),
            pltpu.VMEM((_NE,), jnp.int32),
            pltpu.VMEM((_RG * 17,), jnp.int32),
            pltpu.VMEM((_RG,), jnp.float32),
            pltpu.VMEM((_RG,), jnp.float32),
            pltpu.VMEM((512,), jnp.int32),
            pltpu.VMEM((_RG, _FIN), jnp.float32),
            pltpu.VMEM((_RG, _FIN), jnp.float32),
            pltpu.VMEM_SHARED((_N + 1, _FIN), jnp.float32),
            pltpu.SemaphoreType.DMA,
            pltpu.SemaphoreType.DMA,
        ],
    )
    def body(ek_hbm, x_hbm, g_hbm, v_hbm, mat, ekeys, nbrbuf, diagf, valbuf,
             gidx, gbufa, gbufb, xs, sema, semb):
        c = lax.axis_index("c")
        s = lax.axis_index("s")
        lanes = lax.iota(jnp.int32, 16)
        zero16 = jnp.zeros((16,), jnp.float32)
        one16 = jnp.ones((16,), jnp.float32)

        @plsc.parallel_loop(0, _N * _RG, 16, unroll=8)
        def _(i):
            mat[pl.ds(i, 16)] = zero16
        diagf[pl.ds(0, 16)] = zero16
        diagf[pl.ds(16, 16)] = zero16
        for kk in range(_FIN // 16):
            gbufa[0, pl.ds(kk * 16, 16)] = zero16
        pltpu.sync_copy(gbufa.at[pl.ds(0, 1)], xs.at[pl.ds(_N, 1)])

        def task(j, carry):
            b = 4 * c + j // 4
            rg = s + 16 * (j % 4)
            r0 = rg * _RG

            @pl.when((j % 4) == 0)
            def _():
                plsc.subcore_barrier()
                pltpu.sync_copy(ek_hbm.at[pl.ds(b * _NE, _NE)], ekeys)
                pltpu.sync_copy(x_hbm.at[pl.ds(b * _N + s * 128, 128)],
                                xs.at[pl.ds(s * 128, 128)])
                plsc.subcore_barrier()

            with jax.named_scope("ph_scatter"):
                @plsc.parallel_loop(0, _NE // 16, 1, unroll=4)
                def _(i):
                    k = ekeys[pl.ds(i * 16, 16)]
                    src = k >> 11
                    dst = k & 2047
                    m = (src >= r0) & (src < r0 + _RG)
                    isd = src == dst
                    addr = jnp.where(m, dst * _RG + (src - r0), 0)
                    val = jnp.where(isd, 0.0, 1.0).astype(jnp.float32)
                    plsc.store_scatter(mat, [addr], val, mask=m)
                    plsc.store_scatter(diagf, [jnp.where(m, src - r0, 0)],
                                       one16, mask=m & isd)

            for g in range(2):
                lrow = g * 16 + lanes
                prow = r0 + lrow
                nbase = lrow * 17
                dv = diagf[pl.ds(g * 16, 16)]

                with jax.named_scope("ph_scan"):
                    @plsc.parallel_loop(
                        0, _N, 1, unroll=8,
                        carry=jnp.zeros((16,), jnp.int32))
                    def cnt(cc, cnt):
                        w = mat[pl.ds(cc * _RG + g * 16, 16)]
                        m = w != 0.0
                        plsc.store_scatter(
                            nbrbuf, [nbase + jnp.minimum(cnt, 16)],
                            jnp.full((16,), cc, jnp.int32), mask=m)
                        return cnt + m.astype(jnp.int32)

                hd = (dv > 0.0).astype(jnp.int32)
                for t in range(_K):
                    tt = t - hd
                    nb = plsc.load_gather(nbrbuf, [nbase + jnp.maximum(tt, 0)])
                    one = (tt >= 0) & (tt < cnt)
                    if t == 0:
                        isd = hd == 1
                        vals_t = jnp.where(isd, 2.0,
                                           jnp.where(one, 1.0, 0.0))
                        idx_t = jnp.where(isd, prow, jnp.where(one, nb, _N))
                        plsc.store_scatter(valbuf, [lrow], vals_t)
                    else:
                        idx_t = jnp.where(one, nb, _N)
                    plsc.store_scatter(gidx, [t * _RG + lrow], idx_t)

            with jax.named_scope("ph_unscatter"):
                @plsc.parallel_loop(0, _NE // 16, 1, unroll=4)
                def _(i):
                    k = ekeys[pl.ds(i * 16, 16)]
                    src = k >> 11
                    dst = k & 2047
                    m = (src >= r0) & (src < r0 + _RG)
                    addr = jnp.where(m, dst * _RG + (src - r0), 0)
                    plsc.store_scatter(mat, [addr], zero16, mask=m)
                diagf[pl.ds(0, 16)] = zero16
                diagf[pl.ds(16, 16)] = zero16

            with jax.named_scope("ph_dma"):
                out0 = b * 2048 + r0
                bufs = (gbufa, gbufb)
                sems = (sema, semb)
                descs = [None, None]
                descs[0] = pltpu.async_copy(
                    xs.at[gidx.at[pl.ds(0, _RG)]], bufs[0], sems[0])
                for q in range(_K):
                    if q < _K - 1:
                        descs[(q + 1) % 2] = pltpu.async_copy(
                            xs.at[gidx.at[pl.ds((q + 1) * _RG, _RG)]],
                            bufs[(q + 1) % 2], sems[(q + 1) % 2])
                    descs[q % 2].wait()
                    pltpu.sync_copy(bufs[q % 2],
                                    g_hbm.at[pl.ds(q * _M + out0, _RG)])
                pltpu.sync_copy(valbuf, v_hbm.at[pl.ds(out0, _RG)])
            return carry

        lax.fori_loop(0, 16, task, 0)

    return body(edge_keys, x2)



def _conv1_body(x_ref, g_ref, v_ref, wa_ref, wb_ref, b_ref,
                h_ref, stat_ref, acc_ref):
    i = pl.program_id(0)

    @pl.when(i == 0)
    def _():
        acc_ref[...] = jnp.zeros_like(acc_ref)

    h = jnp.dot(x_ref[...], wa_ref[...], preferred_element_type=jnp.float32)
    h += jnp.dot(g_ref[0] * v_ref[...], wb_ref[0],
                 preferred_element_type=jnp.float32)
    for t in range(1, _K):
        h += jnp.dot(g_ref[t], wb_ref[t], preferred_element_type=jnp.float32)
    h = h + b_ref[...]
    h_ref[...] = h
    acc_ref[0, :] += h.sum(axis=0)
    acc_ref[1, :] += (h * h).sum(axis=0)

    @pl.when(i == _STEPS - 1)
    def _():
        stat_ref[...] = acc_ref[...]


def _bn_pool_body(h_ref, sc_ref, sh_ref, p_ref, stat_ref, acc_ref):
    i = pl.program_id(0)

    @pl.when(i == 0)
    def _():
        acc_ref[...] = jnp.zeros_like(acc_ref)

    a = jnp.maximum(h_ref[...] * sc_ref[...] + sh_ref[...], 0.0)
    p = a.reshape(_ROWS, _FOUT // _K, _K).max(axis=-1)
    p_ref[...] = p
    acc_ref[0:16, :] += jnp.dot(p.T, p, preferred_element_type=jnp.float32)
    acc_ref[16, :] += p.sum(axis=0)

    @pl.when(i == _STEPS - 1)
    def _():
        stat_ref[...] = acc_ref[...]


def _conv2_body(p_ref, w_ref, sc_ref, sh_ref, o_ref):
    h = jnp.dot(p_ref[...], w_ref[...], preferred_element_type=jnp.float32)
    o_ref[...] = jnp.maximum(h * sc_ref[...] + sh_ref[...], 0.0)


def _dense_chain(x2, g3, v3, W1a, W1b, b1, g1, be1, W2t, b2, g2, be2):
    h1, st1 = pl.pallas_call(
        _conv1_body,
        grid=(_STEPS,),
        in_specs=[
            pl.BlockSpec((_ROWS, _FIN), lambda i: (i, 0)),
            pl.BlockSpec((_K, _ROWS, _FIN), lambda i: (0, i, 0)),
            pl.BlockSpec((_ROWS, 1), lambda i: (i, 0)),
            pl.BlockSpec((_FIN, _FOUT), lambda i: (0, 0)),
            pl.BlockSpec((_K, _FIN, _FOUT), lambda i: (0, 0, 0)),
            pl.BlockSpec((1, _FOUT), lambda i: (0, 0)),
        ],
        out_specs=[
            pl.BlockSpec((_ROWS, _FOUT), lambda i: (i, 0)),
            pl.BlockSpec((2, _FOUT), lambda i: (0, 0)),
        ],
        out_shape=[
            jax.ShapeDtypeStruct((_M, _FOUT), jnp.float32),
            jax.ShapeDtypeStruct((2, _FOUT), jnp.float32),
        ],
        scratch_shapes=[pltpu.VMEM((2, _FOUT), jnp.float32)],
    )(x2, g3, v3, W1a, W1b, b1.reshape(1, _FOUT))

    mean1 = st1[0] / _M
    var1 = st1[1] / _M - mean1 * mean1
    sc1 = g1 / jnp.sqrt(var1 + _EPS)
    sh1 = be1 - mean1 * sc1

    pooled, st2 = pl.pallas_call(
        _bn_pool_body,
        grid=(_STEPS,),
        in_specs=[
            pl.BlockSpec((_ROWS, _FOUT), lambda i: (i, 0)),
            pl.BlockSpec((1, _FOUT), lambda i: (0, 0)),
            pl.BlockSpec((1, _FOUT), lambda i: (0, 0)),
        ],
        out_specs=[
            pl.BlockSpec((_ROWS, _FOUT // _K), lambda i: (i, 0)),
            pl.BlockSpec((17, _FOUT // _K), lambda i: (0, 0)),
        ],
        out_shape=[
            jax.ShapeDtypeStruct((_M, _FOUT // _K), jnp.float32),
            jax.ShapeDtypeStruct((17, _FOUT // _K), jnp.float32),
        ],
        scratch_shapes=[pltpu.VMEM((17, _FOUT // _K), jnp.float32)],
    )(h1, sc1.reshape(1, _FOUT), sh1.reshape(1, _FOUT))

    S = st2[0:16, :]
    meanp = st2[16, :] / _M
    cov = S / _M - meanp[:, None] * meanp[None, :]
    mean2 = W2t.T @ meanp + b2
    var2 = jnp.einsum("co,cd,do->o", W2t, cov, W2t)
    sc2 = g2 / jnp.sqrt(var2 + _EPS)
    sh2 = be2 - mean2 * sc2

    out = pl.pallas_call(
        _conv2_body,
        grid=(_STEPS,),
        in_specs=[
            pl.BlockSpec((_ROWS, _FOUT // _K), lambda i: (i, 0)),
            pl.BlockSpec((_FOUT // _K, _FOUT2), lambda i: (0, 0)),
            pl.BlockSpec((1, _FOUT2), lambda i: (0, 0)),
            pl.BlockSpec((1, _FOUT2), lambda i: (0, 0)),
        ],
        out_specs=pl.BlockSpec((_ROWS, _FOUT2), lambda i: (i, 0)),
        out_shape=jax.ShapeDtypeStruct((_M, _FOUT2), jnp.float32),
    )(pooled, W2t, sc2.reshape(1, _FOUT2), sh2.reshape(1, _FOUT2))
    return out.reshape(_B, _N, _FOUT2)


def _edge_keys(faces):
    f0, f1, f2 = faces[..., 0], faces[..., 1], faces[..., 2]
    mn = jnp.minimum(jnp.minimum(f0, f1), f2)
    mx = jnp.maximum(jnp.maximum(f0, f1), f2)
    md = f0 + f1 + f2 - mn - mx
    fi = jnp.arange(_NF, dtype=jnp.int32)
    first_bad = jnp.min(jnp.where(mn == md, fi, _NF), axis=-1)
    valid = fi[None, :] < first_bad[:, None]

    def enc(a, d):
        return jnp.where(valid, a * 2048 + d, -1)

    keys = jnp.stack(
        [enc(mn, md), enc(md, mn), enc(mn, mx),
         enc(mx, mn), enc(md, mx), enc(mx, md)], axis=1)
    return keys.reshape(_B * _NE).astype(jnp.int32)


def kernel(x, faces, W1, b1, g1, be1, W2, b2, g2, be2):
    x2 = x.reshape(_M, _FIN)
    ek = _edge_keys(faces)
    g, vals = _sc_topk_gather(ek, x2)
    g3 = g.reshape(_K, _M, _FIN)
    v3 = vals.reshape(_M, 1)

    W1full = jnp.transpose(W1[:, :, 0, :], (2, 1, 0))
    W1a = W1full[0]
    W1b = W1full[1:]
    W2t = W2[:, :, 0].T
    return _dense_chain(x2, g3, v3, W1a, W1b, b1, g1, be1, W2t, b2, g2, be2)

# --- scband reference (transcript-rebuilt; emitter-appended) ---
"""Pipeline reference for scband-graph-conv-87668872446777 (READ-ONLY COPY).

The authoritative reference and input builder live on the scoring server;
editing this copy changes nothing except your own understanding.
"""

import jax, jax.numpy as jnp
import numpy as np

B, NPOINTS, NFACES = 8, 2048, 4096
K, FIN, FOUT, FOUT2 = 16, 128, 256, 256
EPS = 1e-5

def setup_inputs(seed: int = 0):
    key = jax.random.key(seed)
    ks = jax.random.split(key, 10)
    x = jax.random.normal(ks[0], (B, NPOINTS, FIN), dtype=jnp.float32)
    faces = jax.random.randint(ks[1], (B, NFACES, 3), 0, NPOINTS, dtype=jnp.int32)
    W1 = jax.random.normal(ks[2], (FOUT, FIN, 1, 1 + K), dtype=jnp.float32) * 0.02
    b1 = jnp.zeros((FOUT,), dtype=jnp.float32)
    g1 = jnp.ones((FOUT,), dtype=jnp.float32)
    be1 = jnp.zeros((FOUT,), dtype=jnp.float32)
    W2 = jax.random.normal(ks[3], (FOUT2, FOUT // K, 1), dtype=jnp.float32) * 0.05
    b2 = jnp.zeros((FOUT2,), dtype=jnp.float32)
    g2 = jnp.ones((FOUT2,), dtype=jnp.float32)
    be2 = jnp.zeros((FOUT2,), dtype=jnp.float32)
    return {"x": x, "faces": faces, "W1": W1, "b1": b1, "g1": g1, "be1": be1, "W2": W2, "b2": b2, "g2": g2, "be2": be2}

def _build_adj(minv, midv, maxv, valid):
    adj = jnp.zeros((NPOINTS, NPOINTS), dtype=jnp.float32)
    adj = adj.at[minv, midv].max(valid)
    adj = adj.at[minv, maxv].max(valid)
    adj = adj.at[midv, maxv].max(valid)
    return adj + adj.T

def _forward(x, W1, b1, g1, be1, W2, b2, g2, be2, faces):
    s = jnp.sort(faces, axis=-1)  # torch.kthvalue(1/2/3) over last dim
    minv, midv, maxv = s[..., 0], s[..., 1], s[..., 2]
    # torch loop breaks at the first face with minv == midv; cumprod reproduces that mask
    valid = jnp.cumprod((minv != midv).astype(jnp.float32), axis=-1)
    adj = jax.vmap(_build_adj)(minv, midv, maxv, valid)  # (B, N, N)
    neighbor, ind = jax.lax.top_k(adj, K)  # (B, N, K)
    gathered = jax.vmap(lambda xb, ib: xb[ib])(x, ind)  # (B, N, K, FIN)
    out = neighbor[..., None] * gathered
    out = jnp.concatenate([x[:, :, None, :], out], axis=2)  # (B, N, 1+K, FIN)
    inp = jnp.transpose(out, (0, 3, 1, 2))  # (B, FIN, N, 1+K)
    # Conv2d(fin, fout, (1, 1+k)) -> (B, FOUT, N)
    h = jnp.einsum('bcpt,oct->bop', inp, W1[:, :, 0, :]) + b1[None, :, None]
    # BatchNorm2d (training-mode batch stats, biased var)
    mean = h.mean(axis=(0, 2), keepdims=True)
    var = ((h - mean) ** 2).mean(axis=(0, 2), keepdims=True)
    h = (h - mean) / jnp.sqrt(var + EPS) * g1[None, :, None] + be1[None, :, None]
    h = jax.nn.relu(h)
    h = jnp.transpose(h, (0, 2, 1))  # (B, N, FOUT)
    # MaxPool1d(k, stride=k) over last dim
    h = h.reshape(B, NPOINTS, FOUT // K, K).max(axis=-1)  # (B, N, FOUT//K)
    h = jnp.transpose(h, (0, 2, 1))  # (B, FOUT//K, N)
    # Conv1d(FOUT//K, FOUT2, 1)
    h = jnp.einsum('bcp,oc->bop', h, W2[:, :, 0]) + b2[None, :, None]
    # BatchNorm1d (training-mode batch stats)
    mean2 = h.mean(axis=(0, 2), keepdims=True)
    var2 = ((h - mean2) ** 2).mean(axis=(0, 2), keepdims=True)
    h = (h - mean2) / jnp.sqrt(var2 + EPS) * g2[None, :, None] + be2[None, :, None]
    h = jax.nn.relu(h)
    return jnp.transpose(h, (0, 2, 1))  # (B, N, FOUT2)

def reference(x, faces, W1, b1, g1, be1, W2, b2, g2, be2):
    return _forward(x, W1, b1, g1, be1, W2, b2, g2, be2, faces)

if __name__ == "__main__":
    import jax
    _d = setup_inputs()
    print(jax.jit(kernel)(*tuple(_d.values())))

</pallas_src>

<mosaic_0001>
#map = affine_map<(d0, d1) -> (0)>
#map1 = affine_map<(d0, d1) -> (0, 0)>
module attributes {stable_mosaic.version = 14 : i64} {
  func.func @body(%arg0: i32, %arg1: i32, %arg2: memref<196608xi32, #tpu.memory_space<hbm>>, %arg3: memref<16384x128xf32, #tpu.memory_space<hbm>>, %arg4: memref<262144x128xf32, #tpu.memory_space<hbm>>, %arg5: memref<16384xf32, #tpu.memory_space<hbm>>, %arg6: memref<65536xf32, #tpu.memory_space<vmem>>, %arg7: memref<24576xi32, #tpu.memory_space<vmem>>, %arg8: memref<544xi32, #tpu.memory_space<vmem>>, %arg9: memref<32xf32, #tpu.memory_space<vmem>>, %arg10: memref<32xf32, #tpu.memory_space<vmem>>, %arg11: memref<512xi32, #tpu.memory_space<vmem>>, %arg12: memref<32x128xf32, #tpu.memory_space<vmem>>, %arg13: memref<32x128xf32, #tpu.memory_space<vmem>>, %arg14: memref<2049x128xf32, #tpu.memory_space<vmem_shared>>, %arg15: memref<!tpu.dma_semaphore, #tpu.memory_space<semaphore_mem>>, %arg16: memref<!tpu.dma_semaphore, #tpu.memory_space<semaphore_mem>>) attributes {dimension_semantics = [#tpu.dimension_semantics<core_parallel>, #tpu.dimension_semantics<subcore_parallel>], iteration_bounds = array<i64: 2, 16>, scalar_prefetch = 0 : i64, scratch_operands = 11 : i64, tpu.core_type = #tpu.core_type<sc_vector_subcore>, window_params = [{transform_indices = #map}, {transform_indices = #map1}, {transform_indices = #map1}, {transform_indices = #map}]} {
    %iota3A = tpu.iota {dimensions = array<i32: 0>} : vector<16xi32>
    %broadcast_in_dim3A = arith.constant 0.000000e+00 : f32
    %broadcast_in_dim3A_0 = vector.broadcast %broadcast_in_dim3A : f32 to vector<16xf32>
    %broadcast_in_dim3A_1 = arith.constant 1.000000e+00 : f32
    %broadcast_in_dim3A_2 = vector.broadcast %broadcast_in_dim3A_1 : f32 to vector<16xf32>
    %parallel_loop3A = arith.constant 0 : i32
    %parallel_loop3A_3 = arith.constant 65536 : i32
    %parallel_loop3A_4 = arith.constant 16 : i32
    scf.for %parallel_loop3A_45 = %parallel_loop3A to %parallel_loop3A_3 step %parallel_loop3A_4  : i32 {
      %parallel_loop3A_46 = arith.index_cast %parallel_loop3A_45 : i32 to index
      %parallel_loop3A_47 = tpu.vector_load %arg6[%parallel_loop3A_46] {strides = array<i32>} : memref<65536xf32, #tpu.memory_space<vmem>>, vector<16xf32>,
      tpu.vector_store %arg6[%parallel_loop3A_46], %broadcast_in_dim3A_0 {strides = array<i32>} : memref<65536xf32, #tpu.memory_space<vmem>>, vector<16xf32>,
    } {sc.loop_unroll_factor = 8 : i64, sc.parallel_access}
    %swap3A = arith.constant 0 : index
    %swap3A_5 = tpu.vector_load %arg9[%swap3A] {strides = array<i32>} : memref<32xf32, #tpu.memory_space<vmem>>, vector<16xf32>,
    tpu.vector_store %arg9[%swap3A], %broadcast_in_dim3A_0 {strides = array<i32>} : memref<32xf32, #tpu.memory_space<vmem>>, vector<16xf32>,
    %swap3A_6 = arith.constant 16 : index
    %swap3A_7 = tpu.vector_load %arg9[%swap3A_6] {strides = array<i32>} : memref<32xf32, #tpu.memory_space<vmem>>, vector<16xf32>,
    tpu.vector_store %arg9[%swap3A_6], %broadcast_in_dim3A_0 {strides = array<i32>} : memref<32xf32, #tpu.memory_space<vmem>>, vector<16xf32>,
    %swap3A_8 = arith.constant 0 : i32
    %swap3A_9 = arith.index_cast %swap3A_8 : i32 to index
    %swap3A_10 = arith.constant 0 : index
    %swap3A_11 = tpu.vector_load %arg12[%swap3A_9, %swap3A_10] {strides = array<i32>} : memref<32x128xf32, #tpu.memory_space<vmem>>, vector<16xf32>,
    tpu.vector_store %arg12[%swap3A_9, %swap3A_10], %broadcast_in_dim3A_0 {strides = array<i32>} : memref<32x128xf32, #tpu.memory_space<vmem>>, vector<16xf32>,
    %swap3A_12 = arith.constant 0 : i32
    %swap3A_13 = arith.index_cast %swap3A_12 : i32 to index
    %swap3A_14 = arith.constant 16 : index
    %swap3A_15 = tpu.vector_load %arg12[%swap3A_13, %swap3A_14] {strides = array<i32>} : memref<32x128xf32, #tpu.memory_space<vmem>>, vector<16xf32>,
    tpu.vector_store %arg12[%swap3A_13, %swap3A_14], %broadcast_in_dim3A_0 {strides = array<i32>} : memref<32x128xf32, #tpu.memory_space<vmem>>, vector<16xf32>,
    %swap3A_16 = arith.constant 0 : i32
    %swap3A_17 = arith.index_cast %swap3A_16 : i32 to index
    %swap3A_18 = arith.constant 32 : index
    %swap3A_19 = tpu.vector_load %arg12[%swap3A_17, %swap3A_18] {strides = array<i32>} : memref<32x128xf32, #tpu.memory_space<vmem>>, vector<16xf32>,
    tpu.vector_store %arg12[%swap3A_17, %swap3A_18], %broadcast_in_dim3A_0 {strides = array<i32>} : memref<32x128xf32, #tpu.memory_space<vmem>>, vector<16xf32>,
    %swap3A_20 = arith.constant 0 : i32
    %swap3A_21 = arith.index_cast %swap3A_20 : i32 to index
    %swap3A_22 = arith.constant 48 : index
    %swap3A_23 = tpu.vector_load %arg12[%swap3A_21, %swap3A_22] {strides = array<i32>} : memref<32x128xf32, #tpu.memory_space<vmem>>, vector<16xf32>,
    tpu.vector_store %arg12[%swap3A_21, %swap3A_22], %broadcast_in_dim3A_0 {strides = array<i32>} : memref<32x128xf32, #tpu.memory_space<vmem>>, vector<16xf32>,
    %swap3A_24 = arith.constant 0 : i32
    %swap3A_25 = arith.index_cast %swap3A_24 : i32 to index
    %swap3A_26 = arith.constant 64 : index
    %swap3A_27 = tpu.vector_load %arg12[%swap3A_25, %swap3A_26] {strides = array<i32>} : memref<32x128xf32, #tpu.memory_space<vmem>>, vector<16xf32>,
    tpu.vector_store %arg12[%swap3A_25, %swap3A_26], %broadcast_in_dim3A_0 {strides = array<i32>} : memref<32x128xf32, #tpu.memory_space<vmem>>, vector<16xf32>,
    %swap3A_28 = arith.constant 0 : i32
    %swap3A_29 = arith.index_cast %swap3A_28 : i32 to index
    %swap3A_30 = arith.constant 80 : index
    %swap3A_31 = tpu.vector_load %arg12[%swap3A_29, %swap3A_30] {strides = array<i32>} : memref<32x128xf32, #tpu.memory_space<vmem>>, vector<16xf32>,
    tpu.vector_store %arg12[%swap3A_29, %swap3A_30], %broadcast_in_dim3A_0 {strides = array<i32>} : memref<32x128xf32, #tpu.memory_space<vmem>>, vector<16xf32>,
    %swap3A_32 = arith.constant 0 : i32
    %swap3A_33 = arith.index_cast %swap3A_32 : i32 to index
    %swap3A_34 = arith.constant 96 : index
    %swap3A_35 = tpu.vector_load %arg12[%swap3A_33, %swap3A_34] {strides = array<i32>} : memref<32x128xf32, #tpu.memory_space<vmem>>, vector<16xf32>,
    tpu.vector_store %arg12[%swap3A_33, %swap3A_34], %broadcast_in_dim3A_0 {strides = array<i32>} : memref<32x128xf32, #tpu.memory_space<vmem>>, vector<16xf32>,
    %swap3A_36 = arith.constant 0 : i32
    %swap3A_37 = arith.index_cast %swap3A_36 : i32 to index
    %swap3A_38 = arith.constant 112 : index
    %swap3A_39 = tpu.vector_load %arg12[%swap3A_37, %swap3A_38] {strides = array<i32>} : memref<32x128xf32, #tpu.memory_space<vmem>>, vector<16xf32>,
    tpu.vector_store %arg12[%swap3A_37, %swap3A_38], %broadcast_in_dim3A_0 {strides = array<i32>} : memref<32x128xf32, #tpu.memory_space<vmem>>, vector<16xf32>,
    "tpu.region"() ({
      %run_scoped3A = tpu.sem_alloc : memref<!tpu.dma_semaphore, #tpu.memory_space<semaphore_mem>>
      %dma_start3A = arith.constant 0 : i32
      %dma_start3A_45 = arith.constant 0 : i32
      %dma_start3A_46 = tpu.memref_slice %arg12[%dma_start3A, %dma_start3A_45] : memref<32x128xf32, #tpu.memory_space<vmem>> -> memref<1x128xf32, #tpu.memory_space<vmem>>
      %dma_start3A_47 = arith.constant 2048 : i32
      %dma_start3A_48 = arith.constant 0 : i32
      %dma_start3A_49 = tpu.memref_slice %arg14[%dma_start3A_47, %dma_start3A_48] : memref<2049x128xf32, #tpu.memory_space<vmem_shared>> -> memref<1x128xf32, #tpu.memory_space<vmem_shared>>
      %dma_start3A_50 = arith.constant 2048 : i32
      %dma_start3A_51 = arith.constant 0 : i32
      %dma_start3A_52 = tpu.memref_slice %arg14[%dma_start3A_50, %dma_start3A_51] : memref<2049x128xf32, #tpu.memory_space<vmem_shared>> -> memref<1x128xf32, #tpu.memory_space<vmem_shared>>
      %dma_start3A_53 = arith.constant 0 : i32
      %dma_start3A_54 = arith.constant 0 : i32
      %dma_start3A_55 = tpu.memref_slice %arg12[%dma_start3A_53, %dma_start3A_54] : memref<32x128xf32, #tpu.memory_space<vmem>> -> memref<1x128xf32, #tpu.memory_space<vmem>>
      tpu.enqueue_dma source(%dma_start3A_55 : memref<1x128xf32, #tpu.memory_space<vmem>>) target(%dma_start3A_52 : memref<1x128xf32, #tpu.memory_space<vmem_shared>>) target_semaphore(%run_scoped3A : memref<!tpu.dma_semaphore, #tpu.memory_space<semaphore_mem>>)
      %dma_wait3A = arith.constant 0 : i32
      %dma_wait3A_56 = arith.constant 0 : i32
      %dma_wait3A_57 = tpu.memref_slice %arg12[%dma_wait3A, %dma_wait3A_56] : memref<32x128xf32, #tpu.memory_space<vmem>> -> memref<1x128xf32, #tpu.memory_space<vmem>>
      %dma_wait3A_58 = arith.constant 2048 : i32
      %dma_wait3A_59 = arith.constant 0 : i32
      %dma_wait3A_60 = tpu.memref_slice %arg14[%dma_wait3A_58, %dma_wait3A_59] : memref<2049x128xf32, #tpu.memory_space<vmem_shared>> -> memref<1x128xf32, #tpu.memory_space<vmem_shared>>
      %dma_wait3A_61 = arith.constant 2048 : i32
      %dma_wait3A_62 = arith.constant 0 : i32
      %dma_wait3A_63 = tpu.memref_slice %arg14[%dma_wait3A_61, %dma_wait3A_62] : memref<2049x128xf32, #tpu.memory_space<vmem_shared>> -> memref<1x128xf32, #tpu.memory_space<vmem_shared>>
      %dma_wait3A_64 = arith.constant 0 : i32
      %dma_wait3A_65 = arith.constant 0 : i32
      %dma_wait3A_66 = tpu.memref_slice %arg12[%dma_wait3A_64, %dma_wait3A_65] : memref<32x128xf32, #tpu.memory_space<vmem>> -> memref<1x128xf32, #tpu.memory_space<vmem>>
      tpu.wait_dma2 semaphore(%run_scoped3A : memref<!tpu.dma_semaphore, #tpu.memory_space<semaphore_mem>>) src(%dma_wait3A_66 : memref<1x128xf32, #tpu.memory_space<vmem>>) dst(%dma_wait3A_63 : memref<1x128xf32, #tpu.memory_space<vmem_shared>>)
      tpu.yield
    }) : () -> ()
    %scan3A = arith.constant 0 : i32
    %scan3A_40 = arith.constant 0 : i32
    %scan3A_41 = arith.constant 16 : i32
    %scan3A_42 = arith.addi %scan3A_40, %scan3A_41 : i32
    %scan3A_43 = arith.constant 1 : i32
    scf.for %scan3A_45 = %scan3A_40 to %scan3A_42 step %scan3A_43  : i32 {
      %mul3A = arith.constant 4 : i32
      %mul3A_46 = arith.muli %mul3A, %arg0 : i32
      %jit3A = arith.constant 4 : i32
      %div3A = arith.divsi %scan3A_45, %jit3A : i32
      %sign3A = arith.constant 0 : i32
      %sign3A_47 = arith.cmpi sgt, %scan3A_45, %sign3A : i32
      %sign3A_48 = arith.extui %sign3A_47 : i1 to i32
      %sign3A_49 = arith.constant 0 : i32
      %sign3A_50 = arith.cmpi slt, %scan3A_45, %sign3A_49 : i32
      %sign3A_51 = arith.extui %sign3A_50 : i1 to i32
      %sign3A_52 = arith.subi %sign3A_48, %sign3A_51 : i32
      %sign3A_53 = arith.constant 0 : i32
      %sign3A_54 = arith.cmpi sgt, %jit3A, %sign3A_53 : i32
      %sign3A_55 = arith.extui %sign3A_54 : i1 to i32
      %sign3A_56 = arith.constant 0 : i32
      %sign3A_57 = arith.cmpi slt, %jit3A, %sign3A_56 : i32
      %sign3A_58 = arith.extui %sign3A_57 : i1 to i32
      %sign3A_59 = arith.subi %sign3A_55, %sign3A_58 : i32
      %ne3A = arith.cmpi ne, %sign3A_52, %sign3A_59 : i32
      %rem3A = arith.remsi %scan3A_45, %jit3A : i32
      %ne3A_60 = arith.constant 0 : i32
      %ne3A_61 = arith.cmpi ne, %rem3A, %ne3A_60 : i32
      %and3A = arith.andi %ne3A, %ne3A_61 : i1
      %sub3A = arith.constant 1 : i32
      %sub3A_62 = arith.subi %div3A, %sub3A : i32
      %select_n3A = arith.select %and3A, %sub3A_62, %div3A : i32
      %add3A = arith.addi %mul3A_46, %select_n3A : i32
      %jit3A_63 = arith.constant 4 : i32
      %eq3A = arith.constant 0 : i32
      %eq3A_64 = arith.cmpi eq, %jit3A_63, %eq3A : i32
      %jit3A_65 = arith.constant 1 : i32
      %select_n3A_66 = arith.select %eq3A_64, %jit3A_65, %jit3A_63 : i32
      %rem3A_67 = arith.remsi %scan3A_45, %select_n3A_66 : i32
      %ne3A_68 = arith.constant 0 : i32
      %ne3A_69 = arith.cmpi ne, %rem3A_67, %ne3A_68 : i32
      %lt3A = arith.constant 0 : i32
      %lt3A_70 = arith.cmpi slt, %rem3A_67, %lt3A : i32
      %lt3A_71 = arith.constant 0 : i32
      %lt3A_72 = arith.cmpi slt, %select_n3A_66, %lt3A_71 : i32
      %ne3A_73 = arith.xori %lt3A_70, %lt3A_72 : i1
      %and3A_74 = arith.andi %ne3A_73, %ne3A_69 : i1
      %add3A_75 = arith.addi %rem3A_67, %select_n3A_66 : i32
      %select_n3A_76 = arith.select %and3A_74, %add3A_75, %rem3A_67 : i32
      %mul3A_77 = arith.constant 16 : i32
      %mul3A_78 = arith.muli %mul3A_77, %select_n3A_76 : i32
      %add3A_79 = arith.addi %arg1, %mul3A_78 : i32
      %mul3A_80 = arith.constant 32 : i32
      %mul3A_81 = arith.muli %add3A_79, %mul3A_80 : i32
      %jit3A_82 = arith.constant 4 : i32
      %eq3A_83 = arith.constant 0 : i32
      %eq3A_84 = arith.cmpi eq, %jit3A_82, %eq3A_83 : i32
      %jit3A_85 = arith.constant 1 : i32
      %select_n3A_86 = arith.select %eq3A_84, %jit3A_85, %jit3A_82 : i32
      %rem3A_87 = arith.remsi %scan3A_45, %select_n3A_86 : i32
      %ne3A_88 = arith.constant 0 : i32
      %ne3A_89 = arith.cmpi ne, %rem3A_87, %ne3A_88 : i32
      %lt3A_90 = arith.constant 0 : i32
      %lt3A_91 = arith.cmpi slt, %rem3A_87, %lt3A_90 : i32
      %lt3A_92 = arith.constant 0 : i32
      %lt3A_93 = arith.cmpi slt, %select_n3A_86, %lt3A_92 : i32
      %ne3A_94 = arith.xori %lt3A_91, %lt3A_93 : i1
      %and3A_95 = arith.andi %ne3A_94, %ne3A_89 : i1
      %add3A_96 = arith.addi %rem3A_87, %select_n3A_86 : i32
      %select_n3A_97 = arith.select %and3A_95, %add3A_96, %rem3A_87 : i32
      %eq3A_98 = arith.constant 0 : i32
      %eq3A_99 = arith.cmpi eq, %select_n3A_97, %eq3A_98 : i32
      %convert_element_type3A = arith.extui %eq3A_99 : i1 to i32
      %cond3A = arith.constant 0 : i32
      %cond3A_100 = arith.cmpi ne, %convert_element_type3A, %cond3A : i32
      scf.if %cond3A_100 {
        %barrier3A = arith.constant 0 : index
        tpu.barrier barrier_id(%barrier3A)
        %mul3A_971 = arith.constant 24576 : i32
        %mul3A_972 = arith.muli %add3A, %mul3A_971 : i32
        "tpu.region"() ({
          %run_scoped3A = tpu.sem_alloc : memref<!tpu.dma_semaphore, #tpu.memory_space<semaphore_mem>>
          %dma_start3A_981 = tpu.memref_slice %arg2[%mul3A_972] : memref<196608xi32, #tpu.memory_space<hbm>> -> memref<24576xi32, #tpu.memory_space<hbm>>
          %dma_start3A_982 = tpu.memref_slice %arg2[%mul3A_972] : memref<196608xi32, #tpu.memory_space<hbm>> -> memref<24576xi32, #tpu.memory_space<hbm>>
          tpu.enqueue_dma source(%dma_start3A_982 : memref<24576xi32, #tpu.memory_space<hbm>>) target(%arg7 : memref<24576xi32, #tpu.memory_space<vmem>>) target_semaphore(%run_scoped3A : memref<!tpu.dma_semaphore, #tpu.memory_space<semaphore_mem>>)
          %dma_wait3A_983 = tpu.memref_slice %arg2[%mul3A_972] : memref<196608xi32, #tpu.memory_space<hbm>> -> memref<24576xi32, #tpu.memory_space<hbm>>
          %dma_wait3A_984 = tpu.memref_slice %arg2[%mul3A_972] : memref<196608xi32, #tpu.memory_space<hbm>> -> memref<24576xi32, #tpu.memory_space<hbm>>
          tpu.wait_dma2 semaphore(%run_scoped3A : memref<!tpu.dma_semaphore, #tpu.memory_space<semaphore_mem>>) src(%dma_wait3A_984 : memref<24576xi32, #tpu.memory_space<hbm>>) dst(%arg7 : memref<24576xi32, #tpu.memory_space<vmem>>)
          tpu.yield
        }) : () -> ()
        %mul3A_973 = arith.constant 2048 : i32
        %mul3A_974 = arith.muli %add3A, %mul3A_973 : i32
        %mul3A_975 = arith.constant 128 : i32
        %mul3A_976 = arith.muli %arg1, %mul3A_975 : i32
        %add3A_977 = arith.addi %mul3A_974, %mul3A_976 : i32
        %mul3A_978 = arith.constant 128 : i32
        %mul3A_979 = arith.muli %arg1, %mul3A_978 : i32
        "tpu.region"() ({
          %run_scoped3A = tpu.sem_alloc : memref<!tpu.dma_semaphore, #tpu.memory_space<semaphore_mem>>
          %dma_start3A_981 = arith.constant 0 : i32
          %dma_start3A_982 = tpu.memref_slice %arg14[%mul3A_979, %dma_start3A_981] : memref<2049x128xf32, #tpu.memory_space<vmem_shared>> -> memref<128x128xf32, #tpu.memory_space<vmem_shared>>
          %dma_start3A_983 = arith.constant 0 : i32
          %dma_start3A_984 = tpu.memref_slice %arg3[%add3A_977, %dma_start3A_983] : memref<16384x128xf32, #tpu.memory_space<hbm>> -> memref<128x128xf32, #tpu.memory_space<hbm>>
          tpu.enqueue_dma source(%dma_start3A_984 : memref<128x128xf32, #tpu.memory_space<hbm>>) target(%dma_start3A_982 : memref<128x128xf32, #tpu.memory_space<vmem_shared>>) target_semaphore(%run_scoped3A : memref<!tpu.dma_semaphore, #tpu.memory_space<semaphore_mem>>)
          %dma_wait3A_985 = arith.constant 0 : i32
          %dma_wait3A_986 = tpu.memref_slice %arg14[%mul3A_979, %dma_wait3A_985] : memref<2049x128xf32, #tpu.memory_space<vmem_shared>> -> memref<128x128xf32, #tpu.memory_space<vmem_shared>>
          %dma_wait3A_987 = arith.constant 0 : i32
          %dma_wait3A_988 = tpu.memref_slice %arg3[%add3A_977, %dma_wait3A_987] : memref<16384x128xf32, #tpu.memory_space<hbm>> -> memref<128x128xf32, #tpu.memory_space<hbm>>
          tpu.wait_dma2 semaphore(%run_scoped3A : memref<!tpu.dma_semaphore, #tpu.memory_space<semaphore_mem>>) src(%dma_wait3A_988 : memref<128x128xf32, #tpu.memory_space<hbm>>) dst(%dma_wait3A_986 : memref<128x128xf32, #tpu.memory_space<vmem_shared>>)
          tpu.yield
        }) : () -> ()
        %barrier3A_980 = arith.constant 0 : index
        tpu.barrier barrier_id(%barrier3A_980)
      } else {
      }
      %parallel_loop3A_101 = arith.constant 0 : i32
      %parallel_loop3A_102 = arith.constant 1536 : i32
      %parallel_loop3A_103 = arith.constant 1 : i32
      "tpu.trace_start"() <{level = 10 : i32, message = "ph_scatter"}> : () -> ()
      scf.for %parallel_loop3A_971 = %parallel_loop3A_101 to %parallel_loop3A_102 step %parallel_loop3A_103  : i32 {
        %parallel_loop3A_972 = arith.constant 16 : i32
        %parallel_loop3A_973 = arith.muli %parallel_loop3A_971, %parallel_loop3A_972 : i32
        %parallel_loop3A_974 = arith.index_cast %parallel_loop3A_973 : i32 to index
        %parallel_loop3A_975 = tpu.vector_load %arg7[%parallel_loop3A_974] {strides = array<i32>} : memref<24576xi32, #tpu.memory_space<vmem>>, vector<16xi32>,
        %parallel_loop3A_976 = arith.constant 11 : i32
        %parallel_loop3A_977 = vector.broadcast %parallel_loop3A_976 : i32 to vector<16xi32>
        %parallel_loop3A_978 = arith.shrsi %parallel_loop3A_975, %parallel_loop3A_977 : vector<16xi32>
        %parallel_loop3A_979 = arith.constant 2047 : i32
        %parallel_loop3A_980 = vector.broadcast %parallel_loop3A_979 : i32 to vector<16xi32>
        %parallel_loop3A_981 = arith.andi %parallel_loop3A_975, %parallel_loop3A_980 : vector<16xi32>
        %parallel_loop3A_982 = vector.broadcast %mul3A_81 : i32 to vector<16xi32>
        %parallel_loop3A_983 = arith.cmpi sge, %parallel_loop3A_978, %parallel_loop3A_982 : vector<16xi32>
        %parallel_loop3A_984 = arith.constant 32 : i32
        %parallel_loop3A_985 = arith.addi %mul3A_81, %parallel_loop3A_984 : i32
        %parallel_loop3A_986 = vector.broadcast %parallel_loop3A_985 : i32 to vector<16xi32>
        %parallel_loop3A_987 = arith.cmpi slt, %parallel_loop3A_978, %parallel_loop3A_986 : vector<16xi32>
        %parallel_loop3A_988 = arith.andi %parallel_loop3A_983, %parallel_loop3A_987 : vector<16xi1>
        %parallel_loop3A_989 = arith.cmpi eq, %parallel_loop3A_978, %parallel_loop3A_981 : vector<16xi32>
        %parallel_loop3A_990 = arith.constant 32 : i32
        %parallel_loop3A_991 = vector.broadcast %parallel_loop3A_990 : i32 to vector<16xi32>
        %parallel_loop3A_992 = arith.muli %parallel_loop3A_981, %parallel_loop3A_991 : vector<16xi32>
        %parallel_loop3A_993 = vector.broadcast %mul3A_81 : i32 to vector<16xi32>
        %parallel_loop3A_994 = arith.subi %parallel_loop3A_978, %parallel_loop3A_993 : vector<16xi32>
        %parallel_loop3A_995 = arith.addi %parallel_loop3A_992, %parallel_loop3A_994 : vector<16xi32>
        %parallel_loop3A_996 = arith.constant 0 : i32
        %parallel_loop3A_997 = vector.broadcast %parallel_loop3A_996 : i32 to vector<16xi32>
        %parallel_loop3A_998 = arith.select %parallel_loop3A_988, %parallel_loop3A_995, %parallel_loop3A_997 : vector<16xi1>, vector<16xi32>
        %parallel_loop3A_999 = arith.constant 0.000000e+00 : f32
        %parallel_loop3A_1000 = arith.constant 1.000000e+00 : f32
        %parallel_loop3A_1001 = vector.broadcast %parallel_loop3A_999 : f32 to vector<16xf32>
        %parallel_loop3A_1002 = vector.broadcast %parallel_loop3A_1000 : f32 to vector<16xf32>
        %parallel_loop3A_1003 = arith.select %parallel_loop3A_989, %parallel_loop3A_1001, %parallel_loop3A_1002 : vector<16xi1>, vector<16xf32>
        tpu.vector_store_idx %arg6[%parallel_loop3A_998], %parallel_loop3A_1003 masked %parallel_loop3A_988 : memref<65536xf32, #tpu.memory_space<vmem>>[vector<16xi32>], vector<16xf32>, vector<16xi1>
        %parallel_loop3A_1004 = vector.broadcast %mul3A_81 : i32 to vector<16xi32>
        %parallel_loop3A_1005 = arith.subi %parallel_loop3A_978, %parallel_loop3A_1004 : vector<16xi32>
        %parallel_loop3A_1006 = arith.constant 0 : i32
        %parallel_loop3A_1007 = vector.broadcast %parallel_loop3A_1006 : i32 to vector<16xi32>
        %parallel_loop3A_1008 = arith.select %parallel_loop3A_988, %parallel_loop3A_1005, %parallel_loop3A_1007 : vector<16xi1>, vector<16xi32>
        %parallel_loop3A_1009 = arith.andi %parallel_loop3A_988, %parallel_loop3A_989 : vector<16xi1>
        tpu.vector_store_idx %arg9[%parallel_loop3A_1008], %broadcast_in_dim3A_2 masked %parallel_loop3A_1009 : memref<32xf32, #tpu.memory_space<vmem>>[vector<16xi32>], vector<16xf32>, vector<16xi1>
      } {sc.loop_unroll_factor = 4 : i64, sc.parallel_access}
      "tpu.trace_stop"() : () -> ()
      %add3A_104 = arith.constant 0 : i32
      %add3A_105 = vector.broadcast %add3A_104 : i32 to vector<16xi32>
      %add3A_106 = arith.addi %add3A_105, %iota3A : vector<16xi32>
      %add3A_107 = vector.broadcast %mul3A_81 : i32 to vector<16xi32>
      %add3A_108 = arith.addi %add3A_107, %add3A_106 : vector<16xi32>
      %mul3A_109 = arith.constant 17 : i32
      %mul3A_110 = vector.broadcast %mul3A_109 : i32 to vector<16xi32>
      %mul3A_111 = arith.muli %add3A_106, %mul3A_110 : vector<16xi32>
      %get3A = arith.constant 0 : index
      %get3A_112 = tpu.vector_load %arg9[%get3A] {strides = array<i32>} : memref<32xf32, #tpu.memory_space<vmem>>, vector<16xf32>,
      %broadcast_in_dim3A_113 = arith.constant 0 : i32
      "tpu.trace_start"() <{level = 10 : i32, message = "ph_scan"}> : () -> ()
      %broadcast_in_dim3A_114 = vector.broadcast %broadcast_in_dim3A_113 : i32 to vector<16xi32>
      %parallel_loop3A_115 = arith.constant 0 : i32
      %parallel_loop3A_116 = arith.constant 2048 : i32
      %parallel_loop3A_117 = arith.constant 1 : i32
      %parallel_loop3A_118 = scf.for %parallel_loop3A_971 = %parallel_loop3A_115 to %parallel_loop3A_116 step %parallel_loop3A_117 iter_args(%parallel_loop3A_972 = %broadcast_in_dim3A_114) -> (vector<16xi32>)  : i32 {
        %parallel_loop3A_973 = arith.constant 32 : i32
        %parallel_loop3A_974 = arith.muli %parallel_loop3A_971, %parallel_loop3A_973 : i32
        %parallel_loop3A_975 = arith.constant 0 : i32
        %parallel_loop3A_976 = arith.addi %parallel_loop3A_974, %parallel_loop3A_975 : i32
        %parallel_loop3A_977 = arith.index_cast %parallel_loop3A_976 : i32 to index
        %parallel_loop3A_978 = tpu.vector_load %arg6[%parallel_loop3A_977] {strides = array<i32>} : memref<65536xf32, #tpu.memory_space<vmem>>, vector<16xf32>,
        %parallel_loop3A_979 = arith.constant 0.000000e+00 : f32
        %parallel_loop3A_980 = vector.broadcast %parallel_loop3A_979 : f32 to vector<16xf32>
        %parallel_loop3A_981 = arith.cmpf one, %parallel_loop3A_978, %parallel_loop3A_980 : vector<16xf32>
        %parallel_loop3A_982 = arith.constant 16 : i32
        %parallel_loop3A_983 = vector.broadcast %parallel_loop3A_982 : i32 to vector<16xi32>
        %parallel_loop3A_984 = arith.minsi %parallel_loop3A_972, %parallel_loop3A_983 : vector<16xi32>
        %parallel_loop3A_985 = arith.addi %mul3A_111, %parallel_loop3A_984 : vector<16xi32>
        %parallel_loop3A_986 = vector.broadcast %parallel_loop3A_971 : i32 to vector<16xi32>
        tpu.vector_store_idx %arg8[%parallel_loop3A_985], %parallel_loop3A_986 masked %parallel_loop3A_981 : memref<544xi32, #tpu.memory_space<vmem>>[vector<16xi32>], vector<16xi32>, vector<16xi1>
        %parallel_loop3A_987 = arith.extui %parallel_loop3A_981 : vector<16xi1> to vector<16xi32>
        %parallel_loop3A_988 = arith.addi %parallel_loop3A_972, %parallel_loop3A_987 : vector<16xi32>
        scf.yield %parallel_loop3A_988 : vector<16xi32>
      } {sc.loop_unroll_factor = 8 : i64, sc.parallel_access}
      %gt3A = arith.constant 0.000000e+00 : f32
      "tpu.trace_stop"() : () -> ()
      %gt3A_119 = vector.broadcast %gt3A : f32 to vector<16xf32>
      %gt3A_120 = arith.cmpf ogt, %get3A_112, %gt3A_119 : vector<16xf32>
      %convert_element_type3A_121 = arith.extui %gt3A_120 : vector<16xi1> to vector<16xi32>
      %sub3A_122 = arith.constant 0 : i32
      %sub3A_123 = vector.broadcast %sub3A_122 : i32 to vector<16xi32>
      %sub3A_124 = arith.subi %sub3A_123, %convert_element_type3A_121 : vector<16xi32>
      %max3A = arith.constant 0 : i32
      %max3A_125 = vector.broadcast %max3A : i32 to vector<16xi32>
      %max3A_126 = arith.maxsi %sub3A_124, %max3A_125 : vector<16xi32>
      %add3A_127 = arith.addi %mul3A_111, %max3A_126 : vector<16xi32>
      %gather3A = tpu.vector_load_idx %arg8[%add3A_127] : memref<544xi32, #tpu.memory_space<vmem>>[vector<16xi32>], vector<16xi32>,
      %ge3A = arith.constant 0 : i32
      %ge3A_128 = vector.broadcast %ge3A : i32 to vector<16xi32>
      %ge3A_129 = arith.cmpi sge, %sub3A_124, %ge3A_128 : vector<16xi32>
      %lt3A_130 = arith.cmpi slt, %sub3A_124, %parallel_loop3A_118 : vector<16xi32>
      %and3A_131 = arith.andi %ge3A_129, %lt3A_130 : vector<16xi1>
      %eq3A_132 = arith.constant 1 : i32
      %eq3A_133 = vector.broadcast %eq3A_132 : i32 to vector<16xi32>
      %eq3A_134 = arith.cmpi eq, %convert_element_type3A_121, %eq3A_133 : vector<16xi32>
      %jit3A_135 = arith.constant 1.000000e+00 : f32
      %jit3A_136 = arith.constant 0.000000e+00 : f32
      %broadcast_in_dim3A_137 = vector.broadcast %jit3A_135 : f32 to vector<16xf32>
      %broadcast_in_dim3A_138 = vector.broadcast %jit3A_136 : f32 to vector<16xf32>
      %select_n3A_139 = arith.select %and3A_131, %broadcast_in_dim3A_137, %broadcast_in_dim3A_138 : vector<16xi1>, vector<16xf32>
      %jit3A_140 = arith.constant 2.000000e+00 : f32
      %broadcast_in_dim3A_141 = vector.broadcast %jit3A_140 : f32 to vector<16xf32>
      %select_n3A_142 = arith.select %eq3A_134, %broadcast_in_dim3A_141, %select_n3A_139 : vector<16xi1>, vector<16xf32>
      %jit3A_143 = arith.constant 2048 : i32
      %broadcast_in_dim3A_144 = vector.broadcast %jit3A_143 : i32 to vector<16xi32>
      %select_n3A_145 = arith.select %and3A_131, %gather3A, %broadcast_in_dim3A_144 : vector<16xi1>, vector<16xi32>
      %select_n3A_146 = arith.select %eq3A_134, %add3A_108, %select_n3A_145 : vector<16xi1>, vector<16xi32>
      tpu.vector_store_idx %arg10[%add3A_106], %select_n3A_142 : memref<32xf32, #tpu.memory_space<vmem>>[vector<16xi32>], vector<16xf32>,
      %add3A_147 = arith.constant 0 : i32
      %add3A_148 = vector.broadcast %add3A_147 : i32 to vector<16xi32>
      %add3A_149 = arith.addi %add3A_148, %add3A_106 : vector<16xi32>
      tpu.vector_store_idx %arg11[%add3A_149], %select_n3A_146 : memref<512xi32, #tpu.memory_space<vmem>>[vector<16xi32>], vector<16xi32>,
      %sub3A_150 = arith.constant 1 : i32
      %sub3A_151 = vector.broadcast %sub3A_150 : i32 to vector<16xi32>
      %sub3A_152 = arith.subi %sub3A_151, %convert_element_type3A_121 : vector<16xi32>
      %max3A_153 = arith.constant 0 : i32
      %max3A_154 = vector.broadcast %max3A_153 : i32 to vector<16xi32>
      %max3A_155 = arith.maxsi %sub3A_152, %max3A_154 : vector<16xi32>
      %add3A_156 = arith.addi %mul3A_111, %max3A_155 : vector<16xi32>
      %gather3A_157 = tpu.vector_load_idx %arg8[%add3A_156] : memref<544xi32, #tpu.memory_space<vmem>>[vector<16xi32>], vector<16xi32>,
      %ge3A_158 = arith.constant 0 : i32
      %ge3A_159 = vector.broadcast %ge3A_158 : i32 to vector<16xi32>
      %ge3A_160 = arith.cmpi sge, %sub3A_152, %ge3A_159 : vector<16xi32>
      %lt3A_161 = arith.cmpi slt, %sub3A_152, %parallel_loop3A_118 : vector<16xi32>
      %and3A_162 = arith.andi %ge3A_160, %lt3A_161 : vector<16xi1>
      %jit3A_163 = arith.constant 2048 : i32
      %broadcast_in_dim3A_164 = vector.broadcast %jit3A_163 : i32 to vector<16xi32>
      %select_n3A_165 = arith.select %and3A_162, %gather3A_157, %broadcast_in_dim3A_164 : vector<16xi1>, vector<16xi32>
      %add3A_166 = arith.constant 32 : i32
      %add3A_167 = vector.broadcast %add3A_166 : i32 to vector<16xi32>
      %add3A_168 = arith.addi %add3A_167, %add3A_106 : vector<16xi32>
      tpu.vector_store_idx %arg11[%add3A_168], %select_n3A_165 : memref<512xi32, #tpu.memory_space<vmem>>[vector<16xi32>], vector<16xi32>,
      %sub3A_169 = arith.constant 2 : i32
      %sub3A_170 = vector.broadcast %sub3A_169 : i32 to vector<16xi32>
      %sub3A_171 = arith.subi %sub3A_170, %convert_element_type3A_121 : vector<16xi32>
      %max3A_172 = arith.constant 0 : i32
      %max3A_173 = vector.broadcast %max3A_172 : i32 to vector<16xi32>
      %max3A_174 = arith.maxsi %sub3A_171, %max3A_173 : vector<16xi32>
      %add3A_175 = arith.addi %mul3A_111, %max3A_174 : vector<16xi32>
      %gather3A_176 = tpu.vector_load_idx %arg8[%add3A_175] : memref<544xi32, #tpu.memory_space<vmem>>[vector<16xi32>], vector<16xi32>,
      %ge3A_177 = arith.constant 0 : i32
      %ge3A_178 = vector.broadcast %ge3A_177 : i32 to vector<16xi32>
      %ge3A_179 = arith.cmpi sge, %sub3A_171, %ge3A_178 : vector<16xi32>
      %lt3A_180 = arith.cmpi slt, %sub3A_171, %parallel_loop3A_118 : vector<16xi32>
      %and3A_181 = arith.andi %ge3A_179, %lt3A_180 : vector<16xi1>
      %jit3A_182 = arith.constant 2048 : i32
      %broadcast_in_dim3A_183 = vector.broadcast %jit3A_182 : i32 to vector<16xi32>
      %select_n3A_184 = arith.select %and3A_181, %gather3A_176, %broadcast_in_dim3A_183 : vector<16xi1>, vector<16xi32>
      %add3A_185 = arith.constant 64 : i32
      %add3A_186 = vector.broadcast %add3A_185 : i32 to vector<16xi32>
      %add3A_187 = arith.addi %add3A_186, %add3A_106 : vector<16xi32>
      tpu.vector_store_idx %arg11[%add3A_187], %select_n3A_184 : memref<512xi32, #tpu.memory_space<vmem>>[vector<16xi32>], vector<16xi32>,
      %sub3A_188 = arith.constant 3 : i32
      %sub3A_189 = vector.broadcast %sub3A_188 : i32 to vector<16xi32>
      %sub3A_190 = arith.subi %sub3A_189, %convert_element_type3A_121 : vector<16xi32>
      %max3A_191 = arith.constant 0 : i32
      %max3A_192 = vector.broadcast %max3A_191 : i32 to vector<16xi32>
      %max3A_193 = arith.maxsi %sub3A_190, %max3A_192 : vector<16xi32>
      %add3A_194 = arith.addi %mul3A_111, %max3A_193 : vector<16xi32>
      %gather3A_195 = tpu.vector_load_idx %arg8[%add3A_194] : memref<544xi32, #tpu.memory_space<vmem>>[vector<16xi32>], vector<16xi32>,
      %ge3A_196 = arith.constant 0 : i32
      %ge3A_197 = vector.broadcast %ge3A_196 : i32 to vector<16xi32>
      %ge3A_198 = arith.cmpi sge, %sub3A_190, %ge3A_197 : vector<16xi32>
      %lt3A_199 = arith.cmpi slt, %sub3A_190, %parallel_loop3A_118 : vector<16xi32>
      %and3A_200 = arith.andi %ge3A_198, %lt3A_199 : vector<16xi1>
      %jit3A_201 = arith.constant 2048 : i32
      %broadcast_in_dim3A_202 = vector.broadcast %jit3A_201 : i32 to vector<16xi32>
      %select_n3A_203 = arith.select %and3A_200, %gather3A_195, %broadcast_in_dim3A_202 : vector<16xi1>, vector<16xi32>
      %add3A_204 = arith.constant 96 : i32
      %add3A_205 = vector.broadcast %add3A_204 : i32 to vector<16xi32>
      %add3A_206 = arith.addi %add3A_205, %add3A_106 : vector<16xi32>
      tpu.vector_store_idx %arg11[%add3A_206], %select_n3A_203 : memref<512xi32, #tpu.memory_space<vmem>>[vector<16xi32>], vector<16xi32>,
      %sub3A_207 = arith.constant 4 : i32
      %sub3A_208 = vector.broadcast %sub3A_207 : i32 to vector<16xi32>
      %sub3A_209 = arith.subi %sub3A_208, %convert_element_type3A_121 : vector<16xi32>
      %max3A_210 = arith.constant 0 : i32
      %max3A_211 = vector.broadcast %max3A_210 : i32 to vector<16xi32>
      %max3A_212 = arith.maxsi %sub3A_209, %max3A_211 : vector<16xi32>
      %add3A_213 = arith.addi %mul3A_111, %max3A_212 : vector<16xi32>
      %gather3A_214 = tpu.vector_load_idx %arg8[%add3A_213] : memref<544xi32, #tpu.memory_space<vmem>>[vector<16xi32>], vector<16xi32>,
      %ge3A_215 = arith.constant 0 : i32
      %ge3A_216 = vector.broadcast %ge3A_215 : i32 to vector<16xi32>
      %ge3A_217 = arith.cmpi sge, %sub3A_209, %ge3A_216 : vector<16xi32>
      %lt3A_218 = arith.cmpi slt, %sub3A_209, %parallel_loop3A_118 : vector<16xi32>
      %and3A_219 = arith.andi %ge3A_217, %lt3A_218 : vector<16xi1>
      %jit3A_220 = arith.constant 2048 : i32
      %broadcast_in_dim3A_221 = vector.broadcast %jit3A_220 : i32 to vector<16xi32>
      %select_n3A_222 = arith.select %and3A_219, %gather3A_214, %broadcast_in_dim3A_221 : vector<16xi1>, vector<16xi32>
      %add3A_223 = arith.constant 128 : i32
      %add3A_224 = vector.broadcast %add3A_223 : i32 to vector<16xi32>
      %add3A_225 = arith.addi %add3A_224, %add3A_106 : vector<16xi32>
      tpu.vector_store_idx %arg11[%add3A_225], %select_n3A_222 : memref<512xi32, #tpu.memory_space<vmem>>[vector<16xi32>], vector<16xi32>,
      %sub3A_226 = arith.constant 5 : i32
      %sub3A_227 = vector.broadcast %sub3A_226 : i32 to vector<16xi32>
      %sub3A_228 = arith.subi %sub3A_227, %convert_element_type3A_121 : vector<16xi32>
      %max3A_229 = arith.constant 0 : i32
      %max3A_230 = vector.broadcast %max3A_229 : i32 to vector<16xi32>
      %max3A_231 = arith.maxsi %sub3A_228, %max3A_230 : vector<16xi32>
      %add3A_232 = arith.addi %mul3A_111, %max3A_231 : vector<16xi32>
      %gather3A_233 = tpu.vector_load_idx %arg8[%add3A_232] : memref<544xi32, #tpu.memory_space<vmem>>[vector<16xi32>], vector<16xi32>,
      %ge3A_234 = arith.constant 0 : i32
      %ge3A_235 = vector.broadcast %ge3A_234 : i32 to vector<16xi32>
      %ge3A_236 = arith.cmpi sge, %sub3A_228, %ge3A_235 : vector<16xi32>
      %lt3A_237 = arith.cmpi slt, %sub3A_228, %parallel_loop3A_118 : vector<16xi32>
      %and3A_238 = arith.andi %ge3A_236, %lt3A_237 : vector<16xi1>
      %jit3A_239 = arith.constant 2048 : i32
      %broadcast_in_dim3A_240 = vector.broadcast %jit3A_239 : i32 to vector<16xi32>
      %select_n3A_241 = arith.select %and3A_238, %gather3A_233, %broadcast_in_dim3A_240 : vector<16xi1>, vector<16xi32>
      %add3A_242 = arith.constant 160 : i32
      %add3A_243 = vector.broadcast %add3A_242 : i32 to vector<16xi32>
      %add3A_244 = arith.addi %add3A_243, %add3A_106 : vector<16xi32>
      tpu.vector_store_idx %arg11[%add3A_244], %select_n3A_241 : memref<512xi32, #tpu.memory_space<vmem>>[vector<16xi32>], vector<16xi32>,
      %sub3A_245 = arith.constant 6 : i32
      %sub3A_246 = vector.broadcast %sub3A_245 : i32 to vector<16xi32>
      %sub3A_247 = arith.subi %sub3A_246, %convert_element_type3A_121 : vector<16xi32>
      %max3A_248 = arith.constant 0 : i32
      %max3A_249 = vector.broadcast %max3A_248 : i32 to vector<16xi32>
      %max3A_250 = arith.maxsi %sub3A_247, %max3A_249 : vector<16xi32>
      %add3A_251 = arith.addi %mul3A_111, %max3A_250 : vector<16xi32>
      %gather3A_252 = tpu.vector_load_idx %arg8[%add3A_251] : memref<544xi32, #tpu.memory_space<vmem>>[vector<16xi32>], vector<16xi32>,
      %ge3A_253 = arith.constant 0 : i32
      %ge3A_254 = vector.broadcast %ge3A_253 : i32 to vector<16xi32>
      %ge3A_255 = arith.cmpi sge, %sub3A_247, %ge3A_254 : vector<16xi32>
      %lt3A_256 = arith.cmpi slt, %sub3A_247, %parallel_loop3A_118 : vector<16xi32>
      %and3A_257 = arith.andi %ge3A_255, %lt3A_256 : vector<16xi1>
      %jit3A_258 = arith.constant 2048 : i32
      %broadcast_in_dim3A_259 = vector.broadcast %jit3A_258 : i32 to vector<16xi32>
      %select_n3A_260 = arith.select %and3A_257, %gather3A_252, %broadcast_in_dim3A_259 : vector<16xi1>, vector<16xi32>
      %add3A_261 = arith.constant 192 : i32
      %add3A_262 = vector.broadcast %add3A_261 : i32 to vector<16xi32>
      %add3A_263 = arith.addi %add3A_262, %add3A_106 : vector<16xi32>
      tpu.vector_store_idx %arg11[%add3A_263], %select_n3A_260 : memref<512xi32, #tpu.memory_space<vmem>>[vector<16xi32>], vector<16xi32>,
      %sub3A_264 = arith.constant 7 : i32
      %sub3A_265 = vector.broadcast %sub3A_264 : i32 to vector<16xi32>
      %sub3A_266 = arith.subi %sub3A_265, %convert_element_type3A_121 : vector<16xi32>
      %max3A_267 = arith.constant 0 : i32
      %max3A_268 = vector.broadcast %max3A_267 : i32 to vector<16xi32>
      %max3A_269 = arith.maxsi %sub3A_266, %max3A_268 : vector<16xi32>
      %add3A_270 = arith.addi %mul3A_111, %max3A_269 : vector<16xi32>
      %gather3A_271 = tpu.vector_load_idx %arg8[%add3A_270] : memref<544xi32, #tpu.memory_space<vmem>>[vector<16xi32>], vector<16xi32>,
      %ge3A_272 = arith.constant 0 : i32
      %ge3A_273 = vector.broadcast %ge3A_272 : i32 to vector<16xi32>
      %ge3A_274 = arith.cmpi sge, %sub3A_266, %ge3A_273 : vector<16xi32>
      %lt3A_275 = arith.cmpi slt, %sub3A_266, %parallel_loop3A_118 : vector<16xi32>
      %and3A_276 = arith.andi %ge3A_274, %lt3A_275 : vector<16xi1>
      %jit3A_277 = arith.constant 2048 : i32
      %broadcast_in_dim3A_278 = vector.broadcast %jit3A_277 : i32 to vector<16xi32>
      %select_n3A_279 = arith.select %and3A_276, %gather3A_271, %broadcast_in_dim3A_278 : vector<16xi1>, vector<16xi32>
      %add3A_280 = arith.constant 224 : i32
      %add3A_281 = vector.broadcast %add3A_280 : i32 to vector<16xi32>
      %add3A_282 = arith.addi %add3A_281, %add3A_106 : vector<16xi32>
      tpu.vector_store_idx %arg11[%add3A_282], %select_n3A_279 : memref<512xi32, #tpu.memory_space<vmem>>[vector<16xi32>], vector<16xi32>,
      %sub3A_283 = arith.constant 8 : i32
      %sub3A_284 = vector.broadcast %sub3A_283 : i32 to vector<16xi32>
      %sub3A_285 = arith.subi %sub3A_284, %convert_element_type3A_121 : vector<16xi32>
      %max3A_286 = arith.constant 0 : i32
      %max3A_287 = vector.broadcast %max3A_286 : i32 to vector<16xi32>
      %max3A_288 = arith.maxsi %sub3A_285, %max3A_287 : vector<16xi32>
      %add3A_289 = arith.addi %mul3A_111, %max3A_288 : vector<16xi32>
      %gather3A_290 = tpu.vector_load_idx %arg8[%add3A_289] : memref<544xi32, #tpu.memory_space<vmem>>[vector<16xi32>], vector<16xi32>,
      %ge3A_291 = arith.constant 0 : i32
      %ge3A_292 = vector.broadcast %ge3A_291 : i32 to vector<16xi32>
      %ge3A_293 = arith.cmpi sge, %sub3A_285, %ge3A_292 : vector<16xi32>
      %lt3A_294 = arith.cmpi slt, %sub3A_285, %parallel_loop3A_118 : vector<16xi32>
      %and3A_295 = arith.andi %ge3A_293, %lt3A_294 : vector<16xi1>
      %jit3A_296 = arith.constant 2048 : i32
      %broadcast_in_dim3A_297 = vector.broadcast %jit3A_296 : i32 to vector<16xi32>
      %select_n3A_298 = arith.select %and3A_295, %gather3A_290, %broadcast_in_dim3A_297 : vector<16xi1>, vector<16xi32>
      %add3A_299 = arith.constant 256 : i32
      %add3A_300 = vector.broadcast %add3A_299 : i32 to vector<16xi32>
      %add3A_301 = arith.addi %add3A_300, %add3A_106 : vector<16xi32>
      tpu.vector_store_idx %arg11[%add3A_301], %select_n3A_298 : memref<512xi32, #tpu.memory_space<vmem>>[vector<16xi32>], vector<16xi32>,
      %sub3A_302 = arith.constant 9 : i32
      %sub3A_303 = vector.broadcast %sub3A_302 : i32 to vector<16xi32>
      %sub3A_304 = arith.subi %sub3A_303, %convert_element_type3A_121 : vector<16xi32>
      %max3A_305 = arith.constant 0 : i32
      %max3A_306 = vector.broadcast %max3A_305 : i32 to vector<16xi32>
      %max3A_307 = arith.maxsi %sub3A_304, %max3A_306 : vector<16xi32>
      %add3A_308 = arith.addi %mul3A_111, %max3A_307 : vector<16xi32>
      %gather3A_309 = tpu.vector_load_idx %arg8[%add3A_308] : memref<544xi32, #tpu.memory_space<vmem>>[vector<16xi32>], vector<16xi32>,
      %ge3A_310 = arith.constant 0 : i32
      %ge3A_311 = vector.broadcast %ge3A_310 : i32 to vector<16xi32>
      %ge3A_312 = arith.cmpi sge, %sub3A_304, %ge3A_311 : vector<16xi32>
      %lt3A_313 = arith.cmpi slt, %sub3A_304, %parallel_loop3A_118 : vector<16xi32>
      %and3A_314 = arith.andi %ge3A_312, %lt3A_313 : vector<16xi1>
      %jit3A_315 = arith.constant 2048 : i32
      %broadcast_in_dim3A_316 = vector.broadcast %jit3A_315 : i32 to vector<16xi32>
      %select_n3A_317 = arith.select %and3A_314, %gather3A_309, %broadcast_in_dim3A_316 : vector<16xi1>, vector<16xi32>
      %add3A_318 = arith.constant 288 : i32
      %add3A_319 = vector.broadcast %add3A_318 : i32 to vector<16xi32>
      %add3A_320 = arith.addi %add3A_319, %add3A_106 : vector<16xi32>
      tpu.vector_store_idx %arg11[%add3A_320], %select_n3A_317 : memref<512xi32, #tpu.memory_space<vmem>>[vector<16xi32>], vector<16xi32>,
      %sub3A_321 = arith.constant 10 : i32
      %sub3A_322 = vector.broadcast %sub3A_321 : i32 to vector<16xi32>
      %sub3A_323 = arith.subi %sub3A_322, %convert_element_type3A_121 : vector<16xi32>
      %max3A_324 = arith.constant 0 : i32
      %max3A_325 = vector.broadcast %max3A_324 : i32 to vector<16xi32>
      %max3A_326 = arith.maxsi %sub3A_323, %max3A_325 : vector<16xi32>
      %add3A_327 = arith.addi %mul3A_111, %max3A_326 : vector<16xi32>
      %gather3A_328 = tpu.vector_load_idx %arg8[%add3A_327] : memref<544xi32, #tpu.memory_space<vmem>>[vector<16xi32>], vector<16xi32>,
      %ge3A_329 = arith.constant 0 : i32
      %ge3A_330 = vector.broadcast %ge3A_329 : i32 to vector<16xi32>
      %ge3A_331 = arith.cmpi sge, %sub3A_323, %ge3A_330 : vector<16xi32>
      %lt3A_332 = arith.cmpi slt, %sub3A_323, %parallel_loop3A_118 : vector<16xi32>
      %and3A_333 = arith.andi %ge3A_331, %lt3A_332 : vector<16xi1>
      %jit3A_334 = arith.constant 2048 : i32
      %broadcast_in_dim3A_335 = vector.broadcast %jit3A_334 : i32 to vector<16xi32>
      %select_n3A_336 = arith.select %and3A_333, %gather3A_328, %broadcast_in_dim3A_335 : vector<16xi1>, vector<16xi32>
      %add3A_337 = arith.constant 320 : i32
      %add3A_338 = vector.broadcast %add3A_337 : i32 to vector<16xi32>
      %add3A_339 = arith.addi %add3A_338, %add3A_106 : vector<16xi32>
      tpu.vector_store_idx %arg11[%add3A_339], %select_n3A_336 : memref<512xi32, #tpu.memory_space<vmem>>[vector<16xi32>], vector<16xi32>,
      %sub3A_340 = arith.constant 11 : i32
      %sub3A_341 = vector.broadcast %sub3A_340 : i32 to vector<16xi32>
      %sub3A_342 = arith.subi %sub3A_341, %convert_element_type3A_121 : vector<16xi32>
      %max3A_343 = arith.constant 0 : i32
      %max3A_344 = vector.broadcast %max3A_343 : i32 to vector<16xi32>
      %max3A_345 = arith.maxsi %sub3A_342, %max3A_344 : vector<16xi32>
      %add3A_346 = arith.addi %mul3A_111, %max3A_345 : vector<16xi32>
      %gather3A_347 = tpu.vector_load_idx %arg8[%add3A_346] : memref<544xi32, #tpu.memory_space<vmem>>[vector<16xi32>], vector<16xi32>,
      %ge3A_348 = arith.constant 0 : i32
      %ge3A_349 = vector.broadcast %ge3A_348 : i32 to vector<16xi32>
      %ge3A_350 = arith.cmpi sge, %sub3A_342, %ge3A_349 : vector<16xi32>
      %lt3A_351 = arith.cmpi slt, %sub3A_342, %parallel_loop3A_118 : vector<16xi32>
      %and3A_352 = arith.andi %ge3A_350, %lt3A_351 : vector<16xi1>
      %jit3A_353 = arith.constant 2048 : i32
      %broadcast_in_dim3A_354 = vector.broadcast %jit3A_353 : i32 to vector<16xi32>
      %select_n3A_355 = arith.select %and3A_352, %gather3A_347, %broadcast_in_dim3A_354 : vector<16xi1>, vector<16xi32>
      %add3A_356 = arith.constant 352 : i32
      %add3A_357 = vector.broadcast %add3A_356 : i32 to vector<16xi32>
      %add3A_358 = arith.addi %add3A_357, %add3A_106 : vector<16xi32>
      tpu.vector_store_idx %arg11[%add3A_358], %select_n3A_355 : memref<512xi32, #tpu.memory_space<vmem>>[vector<16xi32>], vector<16xi32>,
      %sub3A_359 = arith.constant 12 : i32
      %sub3A_360 = vector.broadcast %sub3A_359 : i32 to vector<16xi32>
      %sub3A_361 = arith.subi %sub3A_360, %convert_element_type3A_121 : vector<16xi32>
      %max3A_362 = arith.constant 0 : i32
      %max3A_363 = vector.broadcast %max3A_362 : i32 to vector<16xi32>
      %max3A_364 = arith.maxsi %sub3A_361, %max3A_363 : vector<16xi32>
      %add3A_365 = arith.addi %mul3A_111, %max3A_364 : vector<16xi32>
      %gather3A_366 = tpu.vector_load_idx %arg8[%add3A_365] : memref<544xi32, #tpu.memory_space<vmem>>[vector<16xi32>], vector<16xi32>,
      %ge3A_367 = arith.constant 0 : i32
      %ge3A_368 = vector.broadcast %ge3A_367 : i32 to vector<16xi32>
      %ge3A_369 = arith.cmpi sge, %sub3A_361, %ge3A_368 : vector<16xi32>
      %lt3A_370 = arith.cmpi slt, %sub3A_361, %parallel_loop3A_118 : vector<16xi32>
      %and3A_371 = arith.andi %ge3A_369, %lt3A_370 : vector<16xi1>
      %jit3A_372 = arith.constant 2048 : i32
      %broadcast_in_dim3A_373 = vector.broadcast %jit3A_372 : i32 to vector<16xi32>
      %select_n3A_374 = arith.select %and3A_371, %gather3A_366, %broadcast_in_dim3A_373 : vector<16xi1>, vector<16xi32>
      %add3A_375 = arith.constant 384 : i32
      %add3A_376 = vector.broadcast %add3A_375 : i32 to vector<16xi32>
      %add3A_377 = arith.addi %add3A_376, %add3A_106 : vector<16xi32>
      tpu.vector_store_idx %arg11[%add3A_377], %select_n3A_374 : memref<512xi32, #tpu.memory_space<vmem>>[vector<16xi32>], vector<16xi32>,
      %sub3A_378 = arith.constant 13 : i32
      %sub3A_379 = vector.broadcast %sub3A_378 : i32 to vector<16xi32>
      %sub3A_380 = arith.subi %sub3A_379, %convert_element_type3A_121 : vector<16xi32>
      %max3A_381 = arith.constant 0 : i32
      %max3A_382 = vector.broadcast %max3A_381 : i32 to vector<16xi32>
      %max3A_383 = arith.maxsi %sub3A_380, %max3A_382 : vector<16xi32>
      %add3A_384 = arith.addi %mul3A_111, %max3A_383 : vector<16xi32>
      %gather3A_385 = tpu.vector_load_idx %arg8[%add3A_384] : memref<544xi32, #tpu.memory_space<vmem>>[vector<16xi32>], vector<16xi32>,
      %ge3A_386 = arith.constant 0 : i32
      %ge3A_387 = vector.broadcast %ge3A_386 : i32 to vector<16xi32>
      %ge3A_388 = arith.cmpi sge, %sub3A_380, %ge3A_387 : vector<16xi32>
      %lt3A_389 = arith.cmpi slt, %sub3A_380, %parallel_loop3A_118 : vector<16xi32>
      %and3A_390 = arith.andi %ge3A_388, %lt3A_389 : vector<16xi1>
      %jit3A_391 = arith.constant 2048 : i32
      %broadcast_in_dim3A_392 = vector.broadcast %jit3A_391 : i32 to vector<16xi32>
      %select_n3A_393 = arith.select %and3A_390, %gather3A_385, %broadcast_in_dim3A_392 : vector<16xi1>, vector<16xi32>
      %add3A_394 = arith.constant 416 : i32
      %add3A_395 = vector.broadcast %add3A_394 : i32 to vector<16xi32>
      %add3A_396 = arith.addi %add3A_395, %add3A_106 : vector<16xi32>
      tpu.vector_store_idx %arg11[%add3A_396], %select_n3A_393 : memref<512xi32, #tpu.memory_space<vmem>>[vector<16xi32>], vector<16xi32>,
      %sub3A_397 = arith.constant 14 : i32
      %sub3A_398 = vector.broadcast %sub3A_397 : i32 to vector<16xi32>
      %sub3A_399 = arith.subi %sub3A_398, %convert_element_type3A_121 : vector<16xi32>
      %max3A_400 = arith.constant 0 : i32
      %max3A_401 = vector.broadcast %max3A_400 : i32 to vector<16xi32>
      %max3A_402 = arith.maxsi %sub3A_399, %max3A_401 : vector<16xi32>
      %add3A_403 = arith.addi %mul3A_111, %max3A_402 : vector<16xi32>
      %gather3A_404 = tpu.vector_load_idx %arg8[%add3A_403] : memref<544xi32, #tpu.memory_space<vmem>>[vector<16xi32>], vector<16xi32>,
      %ge3A_405 = arith.constant 0 : i32
      %ge3A_406 = vector.broadcast %ge3A_405 : i32 to vector<16xi32>
      %ge3A_407 = arith.cmpi sge, %sub3A_399, %ge3A_406 : vector<16xi32>
      %lt3A_408 = arith.cmpi slt, %sub3A_399, %parallel_loop3A_118 : vector<16xi32>
      %and3A_409 = arith.andi %ge3A_407, %lt3A_408 : vector<16xi1>
      %jit3A_410 = arith.constant 2048 : i32
      %broadcast_in_dim3A_411 = vector.broadcast %jit3A_410 : i32 to vector<16xi32>
      %select_n3A_412 = arith.select %and3A_409, %gather3A_404, %broadcast_in_dim3A_411 : vector<16xi1>, vector<16xi32>
      %add3A_413 = arith.constant 448 : i32
      %add3A_414 = vector.broadcast %add3A_413 : i32 to vector<16xi32>
      %add3A_415 = arith.addi %add3A_414, %add3A_106 : vector<16xi32>
      tpu.vector_store_idx %arg11[%add3A_415], %select_n3A_412 : memref<512xi32, #tpu.memory_space<vmem>>[vector<16xi32>], vector<16xi32>,
      %sub3A_416 = arith.constant 15 : i32
      %sub3A_417 = vector.broadcast %sub3A_416 : i32 to vector<16xi32>
      %sub3A_418 = arith.subi %sub3A_417, %convert_element_type3A_121 : vector<16xi32>
      %max3A_419 = arith.constant 0 : i32
      %max3A_420 = vector.broadcast %max3A_419 : i32 to vector<16xi32>
      %max3A_421 = arith.maxsi %sub3A_418, %max3A_420 : vector<16xi32>
      %add3A_422 = arith.addi %mul3A_111, %max3A_421 : vector<16xi32>
      %gather3A_423 = tpu.vector_load_idx %arg8[%add3A_422] : memref<544xi32, #tpu.memory_space<vmem>>[vector<16xi32>], vector<16xi32>,
      %ge3A_424 = arith.constant 0 : i32
      %ge3A_425 = vector.broadcast %ge3A_424 : i32 to vector<16xi32>
      %ge3A_426 = arith.cmpi sge, %sub3A_418, %ge3A_425 : vector<16xi32>
      %lt3A_427 = arith.cmpi slt, %sub3A_418, %parallel_loop3A_118 : vector<16xi32>
      %and3A_428 = arith.andi %ge3A_426, %lt3A_427 : vector<16xi1>
      %jit3A_429 = arith.constant 2048 : i32
      %broadcast_in_dim3A_430 = vector.broadcast %jit3A_429 : i32 to vector<16xi32>
      %select_n3A_431 = arith.select %and3A_428, %gather3A_423, %broadcast_in_dim3A_430 : vector<16xi1>, vector<16xi32>
      %add3A_432 = arith.constant 480 : i32
      %add3A_433 = vector.broadcast %add3A_432 : i32 to vector<16xi32>
      %add3A_434 = arith.addi %add3A_433, %add3A_106 : vector<16xi32>
      tpu.vector_store_idx %arg11[%add3A_434], %select_n3A_431 : memref<512xi32, #tpu.memory_space<vmem>>[vector<16xi32>], vector<16xi32>,
      %add3A_435 = arith.constant 16 : i32
      %add3A_436 = vector.broadcast %add3A_435 : i32 to vector<16xi32>
      %add3A_437 = arith.addi %add3A_436, %iota3A : vector<16xi32>
      %add3A_438 = vector.broadcast %mul3A_81 : i32 to vector<16xi32>
      %add3A_439 = arith.addi %add3A_438, %add3A_437 : vector<16xi32>
      %mul3A_440 = arith.constant 17 : i32
      %mul3A_441 = vector.broadcast %mul3A_440 : i32 to vector<16xi32>
      %mul3A_442 = arith.muli %add3A_437, %mul3A_441 : vector<16xi32>
      %get3A_443 = arith.constant 16 : index
      %get3A_444 = tpu.vector_load %arg9[%get3A_443] {strides = array<i32>} : memref<32xf32, #tpu.memory_space<vmem>>, vector<16xf32>,
      %broadcast_in_dim3A_445 = arith.constant 0 : i32
      "tpu.trace_start"() <{level = 10 : i32, message = "ph_scan"}> : () -> ()
      %broadcast_in_dim3A_446 = vector.broadcast %broadcast_in_dim3A_445 : i32 to vector<16xi32>
      %parallel_loop3A_447 = arith.constant 0 : i32
      %parallel_loop3A_448 = arith.constant 2048 : i32
      %parallel_loop3A_449 = arith.constant 1 : i32
      %parallel_loop3A_450 = scf.for %parallel_loop3A_971 = %parallel_loop3A_447 to %parallel_loop3A_448 step %parallel_loop3A_449 iter_args(%parallel_loop3A_972 = %broadcast_in_dim3A_446) -> (vector<16xi32>)  : i32 {
        %parallel_loop3A_973 = arith.constant 32 : i32
        %parallel_loop3A_974 = arith.muli %parallel_loop3A_971, %parallel_loop3A_973 : i32
        %parallel_loop3A_975 = arith.constant 16 : i32
        %parallel_loop3A_976 = arith.addi %parallel_loop3A_974, %parallel_loop3A_975 : i32
        %parallel_loop3A_977 = arith.index_cast %parallel_loop3A_976 : i32 to index
        %parallel_loop3A_978 = tpu.vector_load %arg6[%parallel_loop3A_977] {strides = array<i32>} : memref<65536xf32, #tpu.memory_space<vmem>>, vector<16xf32>,
        %parallel_loop3A_979 = arith.constant 0.000000e+00 : f32
        %parallel_loop3A_980 = vector.broadcast %parallel_loop3A_979 : f32 to vector<16xf32>
        %parallel_loop3A_981 = arith.cmpf one, %parallel_loop3A_978, %parallel_loop3A_980 : vector<16xf32>
        %parallel_loop3A_982 = arith.constant 16 : i32
        %parallel_loop3A_983 = vector.broadcast %parallel_loop3A_982 : i32 to vector<16xi32>
        %parallel_loop3A_984 = arith.minsi %parallel_loop3A_972, %parallel_loop3A_983 : vector<16xi32>
        %parallel_loop3A_985 = arith.addi %mul3A_442, %parallel_loop3A_984 : vector<16xi32>
        %parallel_loop3A_986 = vector.broadcast %parallel_loop3A_971 : i32 to vector<16xi32>
        tpu.vector_store_idx %arg8[%parallel_loop3A_985], %parallel_loop3A_986 masked %parallel_loop3A_981 : memref<544xi32, #tpu.memory_space<vmem>>[vector<16xi32>], vector<16xi32>, vector<16xi1>
        %parallel_loop3A_987 = arith.extui %parallel_loop3A_981 : vector<16xi1> to vector<16xi32>
        %parallel_loop3A_988 = arith.addi %parallel_loop3A_972, %parallel_loop3A_987 : vector<16xi32>
        scf.yield %parallel_loop3A_988 : vector<16xi32>
      } {sc.loop_unroll_factor = 8 : i64, sc.parallel_access}
      %gt3A_451 = arith.constant 0.000000e+00 : f32
      "tpu.trace_stop"() : () -> ()
      %gt3A_452 = vector.broadcast %gt3A_451 : f32 to vector<16xf32>
      %gt3A_453 = arith.cmpf ogt, %get3A_444, %gt3A_452 : vector<16xf32>
      %convert_element_type3A_454 = arith.extui %gt3A_453 : vector<16xi1> to vector<16xi32>
      %sub3A_455 = arith.constant 0 : i32
      %sub3A_456 = vector.broadcast %sub3A_455 : i32 to vector<16xi32>
      %sub3A_457 = arith.subi %sub3A_456, %convert_element_type3A_454 : vector<16xi32>
      %max3A_458 = arith.constant 0 : i32
      %max3A_459 = vector.broadcast %max3A_458 : i32 to vector<16xi32>
      %max3A_460 = arith.maxsi %sub3A_457, %max3A_459 : vector<16xi32>
      %add3A_461 = arith.addi %mul3A_442, %max3A_460 : vector<16xi32>
      %gather3A_462 = tpu.vector_load_idx %arg8[%add3A_461] : memref<544xi32, #tpu.memory_space<vmem>>[vector<16xi32>], vector<16xi32>,
      %ge3A_463 = arith.constant 0 : i32
      %ge3A_464 = vector.broadcast %ge3A_463 : i32 to vector<16xi32>
      %ge3A_465 = arith.cmpi sge, %sub3A_457, %ge3A_464 : vector<16xi32>
      %lt3A_466 = arith.cmpi slt, %sub3A_457, %parallel_loop3A_450 : vector<16xi32>
      %and3A_467 = arith.andi %ge3A_465, %lt3A_466 : vector<16xi1>
      %eq3A_468 = arith.constant 1 : i32
      %eq3A_469 = vector.broadcast %eq3A_468 : i32 to vector<16xi32>
      %eq3A_470 = arith.cmpi eq, %convert_element_type3A_454, %eq3A_469 : vector<16xi32>
      %jit3A_471 = arith.constant 1.000000e+00 : f32
      %jit3A_472 = arith.constant 0.000000e+00 : f32
      %broadcast_in_dim3A_473 = vector.broadcast %jit3A_471 : f32 to vector<16xf32>
      %broadcast_in_dim3A_474 = vector.broadcast %jit3A_472 : f32 to vector<16xf32>
      %select_n3A_475 = arith.select %and3A_467, %broadcast_in_dim3A_473, %broadcast_in_dim3A_474 : vector<16xi1>, vector<16xf32>
      %jit3A_476 = arith.constant 2.000000e+00 : f32
      %broadcast_in_dim3A_477 = vector.broadcast %jit3A_476 : f32 to vector<16xf32>
      %select_n3A_478 = arith.select %eq3A_470, %broadcast_in_dim3A_477, %select_n3A_475 : vector<16xi1>, vector<16xf32>
      %jit3A_479 = arith.constant 2048 : i32
      %broadcast_in_dim3A_480 = vector.broadcast %jit3A_479 : i32 to vector<16xi32>
      %select_n3A_481 = arith.select %and3A_467, %gather3A_462, %broadcast_in_dim3A_480 : vector<16xi1>, vector<16xi32>
      %select_n3A_482 = arith.select %eq3A_470, %add3A_439, %select_n3A_481 : vector<16xi1>, vector<16xi32>
      tpu.vector_store_idx %arg10[%add3A_437], %select_n3A_478 : memref<32xf32, #tpu.memory_space<vmem>>[vector<16xi32>], vector<16xf32>,
      %add3A_483 = arith.constant 0 : i32
      %add3A_484 = vector.broadcast %add3A_483 : i32 to vector<16xi32>
      %add3A_485 = arith.addi %add3A_484, %add3A_437 : vector<16xi32>
      tpu.vector_store_idx %arg11[%add3A_485], %select_n3A_482 : memref<512xi32, #tpu.memory_space<vmem>>[vector<16xi32>], vector<16xi32>,
      %sub3A_486 = arith.constant 1 : i32
      %sub3A_487 = vector.broadcast %sub3A_486 : i32 to vector<16xi32>
      %sub3A_488 = arith.subi %sub3A_487, %convert_element_type3A_454 : vector<16xi32>
      %max3A_489 = arith.constant 0 : i32
      %max3A_490 = vector.broadcast %max3A_489 : i32 to vector<16xi32>
      %max3A_491 = arith.maxsi %sub3A_488, %max3A_490 : vector<16xi32>
      %add3A_492 = arith.addi %mul3A_442, %max3A_491 : vector<16xi32>
      %gather3A_493 = tpu.vector_load_idx %arg8[%add3A_492] : memref<544xi32, #tpu.memory_space<vmem>>[vector<16xi32>], vector<16xi32>,
      %ge3A_494 = arith.constant 0 : i32
      %ge3A_495 = vector.broadcast %ge3A_494 : i32 to vector<16xi32>
      %ge3A_496 = arith.cmpi sge, %sub3A_488, %ge3A_495 : vector<16xi32>
      %lt3A_497 = arith.cmpi slt, %sub3A_488, %parallel_loop3A_450 : vector<16xi32>
      %and3A_498 = arith.andi %ge3A_496, %lt3A_497 : vector<16xi1>
      %jit3A_499 = arith.constant 2048 : i32
      %broadcast_in_dim3A_500 = vector.broadcast %jit3A_499 : i32 to vector<16xi32>
      %select_n3A_501 = arith.select %and3A_498, %gather3A_493, %broadcast_in_dim3A_500 : vector<16xi1>, vector<16xi32>
      %add3A_502 = arith.constant 32 : i32
      %add3A_503 = vector.broadcast %add3A_502 : i32 to vector<16xi32>
      %add3A_504 = arith.addi %add3A_503, %add3A_437 : vector<16xi32>
      tpu.vector_store_idx %arg11[%add3A_504], %select_n3A_501 : memref<512xi32, #tpu.memory_space<vmem>>[vector<16xi32>], vector<16xi32>,
      %sub3A_505 = arith.constant 2 : i32
      %sub3A_506 = vector.broadcast %sub3A_505 : i32 to vector<16xi32>
      %sub3A_507 = arith.subi %sub3A_506, %convert_element_type3A_454 : vector<16xi32>
      %max3A_508 = arith.constant 0 : i32
      %max3A_509 = vector.broadcast %max3A_508 : i32 to vector<16xi32>
      %max3A_510 = arith.maxsi %sub3A_507, %max3A_509 : vector<16xi32>
      %add3A_511 = arith.addi %mul3A_442, %max3A_510 : vector<16xi32>
      %gather3A_512 = tpu.vector_load_idx %arg8[%add3A_511] : memref<544xi32, #tpu.memory_space<vmem>>[vector<16xi32>], vector<16xi32>,
      %ge3A_513 = arith.constant 0 : i32
      %ge3A_514 = vector.broadcast %ge3A_513 : i32 to vector<16xi32>
      %ge3A_515 = arith.cmpi sge, %sub3A_507, %ge3A_514 : vector<16xi32>
      %lt3A_516 = arith.cmpi slt, %sub3A_507, %parallel_loop3A_450 : vector<16xi32>
      %and3A_517 = arith.andi %ge3A_515, %lt3A_516 : vector<16xi1>
      %jit3A_518 = arith.constant 2048 : i32
      %broadcast_in_dim3A_519 = vector.broadcast %jit3A_518 : i32 to vector<16xi32>
      %select_n3A_520 = arith.select %and3A_517, %gather3A_512, %broadcast_in_dim3A_519 : vector<16xi1>, vector<16xi32>
      %add3A_521 = arith.constant 64 : i32
      %add3A_522 = vector.broadcast %add3A_521 : i32 to vector<16xi32>
      %add3A_523 = arith.addi %add3A_522, %add3A_437 : vector<16xi32>
      tpu.vector_store_idx %arg11[%add3A_523], %select_n3A_520 : memref<512xi32, #tpu.memory_space<vmem>>[vector<16xi32>], vector<16xi32>,
      %sub3A_524 = arith.constant 3 : i32
      %sub3A_525 = vector.broadcast %sub3A_524 : i32 to vector<16xi32>
      %sub3A_526 = arith.subi %sub3A_525, %convert_element_type3A_454 : vector<16xi32>
      %max3A_527 = arith.constant 0 : i32
      %max3A_528 = vector.broadcast %max3A_527 : i32 to vector<16xi32>
      %max3A_529 = arith.maxsi %sub3A_526, %max3A_528 : vector<16xi32>
      %add3A_530 = arith.addi %mul3A_442, %max3A_529 : vector<16xi32>
      %gather3A_531 = tpu.vector_load_idx %arg8[%add3A_530] : memref<544xi32, #tpu.memory_space<vmem>>[vector<16xi32>], vector<16xi32>,
      %ge3A_532 = arith.constant 0 : i32
      %ge3A_533 = vector.broadcast %ge3A_532 : i32 to vector<16xi32>
      %ge3A_534 = arith.cmpi sge, %sub3A_526, %ge3A_533 : vector<16xi32>
      %lt3A_535 = arith.cmpi slt, %sub3A_526, %parallel_loop3A_450 : vector<16xi32>
      %and3A_536 = arith.andi %ge3A_534, %lt3A_535 : vector<16xi1>
      %jit3A_537 = arith.constant 2048 : i32
      %broadcast_in_dim3A_538 = vector.broadcast %jit3A_537 : i32 to vector<16xi32>
      %select_n3A_539 = arith.select %and3A_536, %gather3A_531, %broadcast_in_dim3A_538 : vector<16xi1>, vector<16xi32>
      %add3A_540 = arith.constant 96 : i32
      %add3A_541 = vector.broadcast %add3A_540 : i32 to vector<16xi32>
      %add3A_542 = arith.addi %add3A_541, %add3A_437 : vector<16xi32>
      tpu.vector_store_idx %arg11[%add3A_542], %select_n3A_539 : memref<512xi32, #tpu.memory_space<vmem>>[vector<16xi32>], vector<16xi32>,
      %sub3A_543 = arith.constant 4 : i32
      %sub3A_544 = vector.broadcast %sub3A_543 : i32 to vector<16xi32>
      %sub3A_545 = arith.subi %sub3A_544, %convert_element_type3A_454 : vector<16xi32>
      %max3A_546 = arith.constant 0 : i32
      %max3A_547 = vector.broadcast %max3A_546 : i32 to vector<16xi32>
      %max3A_548 = arith.maxsi %sub3A_545, %max3A_547 : vector<16xi32>
      %add3A_549 = arith.addi %mul3A_442, %max3A_548 : vector<16xi32>
      %gather3A_550 = tpu.vector_load_idx %arg8[%add3A_549] : memref<544xi32, #tpu.memory_space<vmem>>[vector<16xi32>], vector<16xi32>,
      %ge3A_551 = arith.constant 0 : i32
      %ge3A_552 = vector.broadcast %ge3A_551 : i32 to vector<16xi32>
      %ge3A_553 = arith.cmpi sge, %sub3A_545, %ge3A_552 : vector<16xi32>
      %lt3A_554 = arith.cmpi slt, %sub3A_545, %parallel_loop3A_450 : vector<16xi32>
      %and3A_555 = arith.andi %ge3A_553, %lt3A_554 : vector<16xi1>
      %jit3A_556 = arith.constant 2048 : i32
      %broadcast_in_dim3A_557 = vector.broadcast %jit3A_556 : i32 to vector<16xi32>
      %select_n3A_558 = arith.select %and3A_555, %gather3A_550, %broadcast_in_dim3A_557 : vector<16xi1>, vector<16xi32>
      %add3A_559 = arith.constant 128 : i32
      %add3A_560 = vector.broadcast %add3A_559 : i32 to vector<16xi32>
      %add3A_561 = arith.addi %add3A_560, %add3A_437 : vector<16xi32>
      tpu.vector_store_idx %arg11[%add3A_561], %select_n3A_558 : memref<512xi32, #tpu.memory_space<vmem>>[vector<16xi32>], vector<16xi32>,
      %sub3A_562 = arith.constant 5 : i32
      %sub3A_563 = vector.broadcast %sub3A_562 : i32 to vector<16xi32>
      %sub3A_564 = arith.subi %sub3A_563, %convert_element_type3A_454 : vector<16xi32>
      %max3A_565 = arith.constant 0 : i32
      %max3A_566 = vector.broadcast %max3A_565 : i32 to vector<16xi32>
      %max3A_567 = arith.maxsi %sub3A_564, %max3A_566 : vector<16xi32>
      %add3A_568 = arith.addi %mul3A_442, %max3A_567 : vector<16xi32>
      %gather3A_569 = tpu.vector_load_idx %arg8[%add3A_568] : memref<544xi32, #tpu.memory_space<vmem>>[vector<16xi32>], vector<16xi32>,
      %ge3A_570 = arith.constant 0 : i32
      %ge3A_571 = vector.broadcast %ge3A_570 : i32 to vector<16xi32>
      %ge3A_572 = arith.cmpi sge, %sub3A_564, %ge3A_571 : vector<16xi32>
      %lt3A_573 = arith.cmpi slt, %sub3A_564, %parallel_loop3A_450 : vector<16xi32>
      %and3A_574 = arith.andi %ge3A_572, %lt3A_573 : vector<16xi1>
      %jit3A_575 = arith.constant 2048 : i32
      %broadcast_in_dim3A_576 = vector.broadcast %jit3A_575 : i32 to vector<16xi32>
      %select_n3A_577 = arith.select %and3A_574, %gather3A_569, %broadcast_in_dim3A_576 : vector<16xi1>, vector<16xi32>
      %add3A_578 = arith.constant 160 : i32
      %add3A_579 = vector.broadcast %add3A_578 : i32 to vector<16xi32>
      %add3A_580 = arith.addi %add3A_579, %add3A_437 : vector<16xi32>
      tpu.vector_store_idx %arg11[%add3A_580], %select_n3A_577 : memref<512xi32, #tpu.memory_space<vmem>>[vector<16xi32>], vector<16xi32>,
      %sub3A_581 = arith.constant 6 : i32
      %sub3A_582 = vector.broadcast %sub3A_581 : i32 to vector<16xi32>
      %sub3A_583 = arith.subi %sub3A_582, %convert_element_type3A_454 : vector<16xi32>
      %max3A_584 = arith.constant 0 : i32
      %max3A_585 = vector.broadcast %max3A_584 : i32 to vector<16xi32>
      %max3A_586 = arith.maxsi %sub3A_583, %max3A_585 : vector<16xi32>
      %add3A_587 = arith.addi %mul3A_442, %max3A_586 : vector<16xi32>
      %gather3A_588 = tpu.vector_load_idx %arg8[%add3A_587] : memref<544xi32, #tpu.memory_space<vmem>>[vector<16xi32>], vector<16xi32>,
      %ge3A_589 = arith.constant 0 : i32
      %ge3A_590 = vector.broadcast %ge3A_589 : i32 to vector<16xi32>
      %ge3A_591 = arith.cmpi sge, %sub3A_583, %ge3A_590 : vector<16xi32>
      %lt3A_592 = arith.cmpi slt, %sub3A_583, %parallel_loop3A_450 : vector<16xi32>
      %and3A_593 = arith.andi %ge3A_591, %lt3A_592 : vector<16xi1>
      %jit3A_594 = arith.constant 2048 : i32
      %broadcast_in_dim3A_595 = vector.broadcast %jit3A_594 : i32 to vector<16xi32>
      %select_n3A_596 = arith.select %and3A_593, %gather3A_588, %broadcast_in_dim3A_595 : vector<16xi1>, vector<16xi32>
      %add3A_597 = arith.constant 192 : i32
      %add3A_598 = vector.broadcast %add3A_597 : i32 to vector<16xi32>
      %add3A_599 = arith.addi %add3A_598, %add3A_437 : vector<16xi32>
      tpu.vector_store_idx %arg11[%add3A_599], %select_n3A_596 : memref<512xi32, #tpu.memory_space<vmem>>[vector<16xi32>], vector<16xi32>,
      %sub3A_600 = arith.constant 7 : i32
      %sub3A_601 = vector.broadcast %sub3A_600 : i32 to vector<16xi32>
      %sub3A_602 = arith.subi %sub3A_601, %convert_element_type3A_454 : vector<16xi32>
      %max3A_603 = arith.constant 0 : i32
      %max3A_604 = vector.broadcast %max3A_603 : i32 to vector<16xi32>
      %max3A_605 = arith.maxsi %sub3A_602, %max3A_604 : vector<16xi32>
      %add3A_606 = arith.addi %mul3A_442, %max3A_605 : vector<16xi32>
      %gather3A_607 = tpu.vector_load_idx %arg8[%add3A_606] : memref<544xi32, #tpu.memory_space<vmem>>[vector<16xi32>], vector<16xi32>,
      %ge3A_608 = arith.constant 0 : i32
      %ge3A_609 = vector.broadcast %ge3A_608 : i32 to vector<16xi32>
      %ge3A_610 = arith.cmpi sge, %sub3A_602, %ge3A_609 : vector<16xi32>
      %lt3A_611 = arith.cmpi slt, %sub3A_602, %parallel_loop3A_450 : vector<16xi32>
      %and3A_612 = arith.andi %ge3A_610, %lt3A_611 : vector<16xi1>
      %jit3A_613 = arith.constant 2048 : i32
      %broadcast_in_dim3A_614 = vector.broadcast %jit3A_613 : i32 to vector<16xi32>
      %select_n3A_615 = arith.select %and3A_612, %gather3A_607, %broadcast_in_dim3A_614 : vector<16xi1>, vector<16xi32>
      %add3A_616 = arith.constant 224 : i32
      %add3A_617 = vector.broadcast %add3A_616 : i32 to vector<16xi32>
      %add3A_618 = arith.addi %add3A_617, %add3A_437 : vector<16xi32>
      tpu.vector_store_idx %arg11[%add3A_618], %select_n3A_615 : memref<512xi32, #tpu.memory_space<vmem>>[vector<16xi32>], vector<16xi32>,
      %sub3A_619 = arith.constant 8 : i32
      %sub3A_620 = vector.broadcast %sub3A_619 : i32 to vector<16xi32>
      %sub3A_621 = arith.subi %sub3A_620, %convert_element_type3A_454 : vector<16xi32>
      %max3A_622 = arith.constant 0 : i32
      %max3A_623 = vector.broadcast %max3A_622 : i32 to vector<16xi32>
      %max3A_624 = arith.maxsi %sub3A_621, %max3A_623 : vector<16xi32>
      %add3A_625 = arith.addi %mul3A_442, %max3A_624 : vector<16xi32>
      %gather3A_626 = tpu.vector_load_idx %arg8[%add3A_625] : memref<544xi32, #tpu.memory_space<vmem>>[vector<16xi32>], vector<16xi32>,
      %ge3A_627 = arith.constant 0 : i32
      %ge3A_628 = vector.broadcast %ge3A_627 : i32 to vector<16xi32>
      %ge3A_629 = arith.cmpi sge, %sub3A_621, %ge3A_628 : vector<16xi32>
      %lt3A_630 = arith.cmpi slt, %sub3A_621, %parallel_loop3A_450 : vector<16xi32>
      %and3A_631 = arith.andi %ge3A_629, %lt3A_630 : vector<16xi1>
      %jit3A_632 = arith.constant 2048 : i32
      %broadcast_in_dim3A_633 = vector.broadcast %jit3A_632 : i32 to vector<16xi32>
      %select_n3A_634 = arith.select %and3A_631, %gather3A_626, %broadcast_in_dim3A_633 : vector<16xi1>, vector<16xi32>
      %add3A_635 = arith.constant 256 : i32
      %add3A_636 = vector.broadcast %add3A_635 : i32 to vector<16xi32>
      %add3A_637 = arith.addi %add3A_636, %add3A_437 : vector<16xi32>
      tpu.vector_store_idx %arg11[%add3A_637], %select_n3A_634 : memref<512xi32, #tpu.memory_space<vmem>>[vector<16xi32>], vector<16xi32>,
      %sub3A_638 = arith.constant 9 : i32
      %sub3A_639 = vector.broadcast %sub3A_638 : i32 to vector<16xi32>
      %sub3A_640 = arith.subi %sub3A_639, %convert_element_type3A_454 : vector<16xi32>
      %max3A_641 = arith.constant 0 : i32
      %max3A_642 = vector.broadcast %max3A_641 : i32 to vector<16xi32>
      %max3A_643 = arith.maxsi %sub3A_640, %max3A_642 : vector<16xi32>
      %add3A_644 = arith.addi %mul3A_442, %max3A_643 : vector<16xi32>
      %gather3A_645 = tpu.vector_load_idx %arg8[%add3A_644] : memref<544xi32, #tpu.memory_space<vmem>>[vector<16xi32>], vector<16xi32>,
      %ge3A_646 = arith.constant 0 : i32
      %ge3A_647 = vector.broadcast %ge3A_646 : i32 to vector<16xi32>
      %ge3A_648 = arith.cmpi sge, %sub3A_640, %ge3A_647 : vector<16xi32>
      %lt3A_649 = arith.cmpi slt, %sub3A_640, %parallel_loop3A_450 : vector<16xi32>
      %and3A_650 = arith.andi %ge3A_648, %lt3A_649 : vector<16xi1>
      %jit3A_651 = arith.constant 2048 : i32
      %broadcast_in_dim3A_652 = vector.broadcast %jit3A_651 : i32 to vector<16xi32>
      %select_n3A_653 = arith.select %and3A_650, %gather3A_645, %broadcast_in_dim3A_652 : vector<16xi1>, vector<16xi32>
      %add3A_654 = arith.constant 288 : i32
      %add3A_655 = vector.broadcast %add3A_654 : i32 to vector<16xi32>
      %add3A_656 = arith.addi %add3A_655, %add3A_437 : vector<16xi32>
      tpu.vector_store_idx %arg11[%add3A_656], %select_n3A_653 : memref<512xi32, #tpu.memory_space<vmem>>[vector<16xi32>], vector<16xi32>,
      %sub3A_657 = arith.constant 10 : i32
      %sub3A_658 = vector.broadcast %sub3A_657 : i32 to vector<16xi32>
      %sub3A_659 = arith.subi %sub3A_658, %convert_element_type3A_454 : vector<16xi32>
      %max3A_660 = arith.constant 0 : i32
      %max3A_661 = vector.broadcast %max3A_660 : i32 to vector<16xi32>
      %max3A_662 = arith.maxsi %sub3A_659, %max3A_661 : vector<16xi32>
      %add3A_663 = arith.addi %mul3A_442, %max3A_662 : vector<16xi32>
      %gather3A_664 = tpu.vector_load_idx %arg8[%add3A_663] : memref<544xi32, #tpu.memory_space<vmem>>[vector<16xi32>], vector<16xi32>,
      %ge3A_665 = arith.constant 0 : i32
      %ge3A_666 = vector.broadcast %ge3A_665 : i32 to vector<16xi32>
      %ge3A_667 = arith.cmpi sge, %sub3A_659, %ge3A_666 : vector<16xi32>
      %lt3A_668 = arith.cmpi slt, %sub3A_659, %parallel_loop3A_450 : vector<16xi32>
      %and3A_669 = arith.andi %ge3A_667, %lt3A_668 : vector<16xi1>
      %jit3A_670 = arith.constant 2048 : i32
      %broadcast_in_dim3A_671 = vector.broadcast %jit3A_670 : i32 to vector<16xi32>
      %select_n3A_672 = arith.select %and3A_669, %gather3A_664, %broadcast_in_dim3A_671 : vector<16xi1>, vector<16xi32>
      %add3A_673 = arith.constant 320 : i32
      %add3A_674 = vector.broadcast %add3A_673 : i32 to vector<16xi32>
      %add3A_675 = arith.addi %add3A_674, %add3A_437 : vector<16xi32>
      tpu.vector_store_idx %arg11[%add3A_675], %select_n3A_672 : memref<512xi32, #tpu.memory_space<vmem>>[vector<16xi32>], vector<16xi32>,
      %sub3A_676 = arith.constant 11 : i32
      %sub3A_677 = vector.broadcast %sub3A_676 : i32 to vector<16xi32>
      %sub3A_678 = arith.subi %sub3A_677, %convert_element_type3A_454 : vector<16xi32>
      %max3A_679 = arith.constant 0 : i32
      %max3A_680 = vector.broadcast %max3A_679 : i32 to vector<16xi32>
      %max3A_681 = arith.maxsi %sub3A_678, %max3A_680 : vector<16xi32>
      %add3A_682 = arith.addi %mul3A_442, %max3A_681 : vector<16xi32>
      %gather3A_683 = tpu.vector_load_idx %arg8[%add3A_682] : memref<544xi32, #tpu.memory_space<vmem>>[vector<16xi32>], vector<16xi32>,
      %ge3A_684 = arith.constant 0 : i32
      %ge3A_685 = vector.broadcast %ge3A_684 : i32 to vector<16xi32>
      %ge3A_686 = arith.cmpi sge, %sub3A_678, %ge3A_685 : vector<16xi32>
      %lt3A_687 = arith.cmpi slt, %sub3A_678, %parallel_loop3A_450 : vector<16xi32>
      %and3A_688 = arith.andi %ge3A_686, %lt3A_687 : vector<16xi1>
      %jit3A_689 = arith.constant 2048 : i32
      %broadcast_in_dim3A_690 = vector.broadcast %jit3A_689 : i32 to vector<16xi32>
      %select_n3A_691 = arith.select %and3A_688, %gather3A_683, %broadcast_in_dim3A_690 : vector<16xi1>, vector<16xi32>
      %add3A_692 = arith.constant 352 : i32
      %add3A_693 = vector.broadcast %add3A_692 : i32 to vector<16xi32>
      %add3A_694 = arith.addi %add3A_693, %add3A_437 : vector<16xi32>
      tpu.vector_store_idx %arg11[%add3A_694], %select_n3A_691 : memref<512xi32, #tpu.memory_space<vmem>>[vector<16xi32>], vector<16xi32>,
      %sub3A_695 = arith.constant 12 : i32
      %sub3A_696 = vector.broadcast %sub3A_695 : i32 to vector<16xi32>
      %sub3A_697 = arith.subi %sub3A_696, %convert_element_type3A_454 : vector<16xi32>
      %max3A_698 = arith.constant 0 : i32
      %max3A_699 = vector.broadcast %max3A_698 : i32 to vector<16xi32>
      %max3A_700 = arith.maxsi %sub3A_697, %max3A_699 : vector<16xi32>
      %add3A_701 = arith.addi %mul3A_442, %max3A_700 : vector<16xi32>
      %gather3A_702 = tpu.vector_load_idx %arg8[%add3A_701] : memref<544xi32, #tpu.memory_space<vmem>>[vector<16xi32>], vector<16xi32>,
      %ge3A_703 = arith.constant 0 : i32
      %ge3A_704 = vector.broadcast %ge3A_703 : i32 to vector<16xi32>
      %ge3A_705 = arith.cmpi sge, %sub3A_697, %ge3A_704 : vector<16xi32>
      %lt3A_706 = arith.cmpi slt, %sub3A_697, %parallel_loop3A_450 : vector<16xi32>
      %and3A_707 = arith.andi %ge3A_705, %lt3A_706 : vector<16xi1>
      %jit3A_708 = arith.constant 2048 : i32
      %broadcast_in_dim3A_709 = vector.broadcast %jit3A_708 : i32 to vector<16xi32>
      %select_n3A_710 = arith.select %and3A_707, %gather3A_702, %broadcast_in_dim3A_709 : vector<16xi1>, vector<16xi32>
      %add3A_711 = arith.constant 384 : i32
      %add3A_712 = vector.broadcast %add3A_711 : i32 to vector<16xi32>
      %add3A_713 = arith.addi %add3A_712, %add3A_437 : vector<16xi32>
      tpu.vector_store_idx %arg11[%add3A_713], %select_n3A_710 : memref<512xi32, #tpu.memory_space<vmem>>[vector<16xi32>], vector<16xi32>,
      %sub3A_714 = arith.constant 13 : i32
      %sub3A_715 = vector.broadcast %sub3A_714 : i32 to vector<16xi32>
      %sub3A_716 = arith.subi %sub3A_715, %convert_element_type3A_454 : vector<16xi32>
      %max3A_717 = arith.constant 0 : i32
      %max3A_718 = vector.broadcast %max3A_717 : i32 to vector<16xi32>
      %max3A_719 = arith.maxsi %sub3A_716, %max3A_718 : vector<16xi32>
      %add3A_720 = arith.addi %mul3A_442, %max3A_719 : vector<16xi32>
      %gather3A_721 = tpu.vector_load_idx %arg8[%add3A_720] : memref<544xi32, #tpu.memory_space<vmem>>[vector<16xi32>], vector<16xi32>,
      %ge3A_722 = arith.constant 0 : i32
      %ge3A_723 = vector.broadcast %ge3A_722 : i32 to vector<16xi32>
      %ge3A_724 = arith.cmpi sge, %sub3A_716, %ge3A_723 : vector<16xi32>
      %lt3A_725 = arith.cmpi slt, %sub3A_716, %parallel_loop3A_450 : vector<16xi32>
      %and3A_726 = arith.andi %ge3A_724, %lt3A_725 : vector<16xi1>
      %jit3A_727 = arith.constant 2048 : i32
      %broadcast_in_dim3A_728 = vector.broadcast %jit3A_727 : i32 to vector<16xi32>
      %select_n3A_729 = arith.select %and3A_726, %gather3A_721, %broadcast_in_dim3A_728 : vector<16xi1>, vector<16xi32>
      %add3A_730 = arith.constant 416 : i32
      %add3A_731 = vector.broadcast %add3A_730 : i32 to vector<16xi32>
      %add3A_732 = arith.addi %add3A_731, %add3A_437 : vector<16xi32>
      tpu.vector_store_idx %arg11[%add3A_732], %select_n3A_729 : memref<512xi32, #tpu.memory_space<vmem>>[vector<16xi32>], vector<16xi32>,
      %sub3A_733 = arith.constant 14 : i32
      %sub3A_734 = vector.broadcast %sub3A_733 : i32 to vector<16xi32>
      %sub3A_735 = arith.subi %sub3A_734, %convert_element_type3A_454 : vector<16xi32>
      %max3A_736 = arith.constant 0 : i32
      %max3A_737 = vector.broadcast %max3A_736 : i32 to vector<16xi32>
      %max3A_738 = arith.maxsi %sub3A_735, %max3A_737 : vector<16xi32>
      %add3A_739 = arith.addi %mul3A_442, %max3A_738 : vector<16xi32>
      %gather3A_740 = tpu.vector_load_idx %arg8[%add3A_739] : memref<544xi32, #tpu.memory_space<vmem>>[vector<16xi32>], vector<16xi32>,
      %ge3A_741 = arith.constant 0 : i32
      %ge3A_742 = vector.broadcast %ge3A_741 : i32 to vector<16xi32>
      %ge3A_743 = arith.cmpi sge, %sub3A_735, %ge3A_742 : vector<16xi32>
      %lt3A_744 = arith.cmpi slt, %sub3A_735, %parallel_loop3A_450 : vector<16xi32>
      %and3A_745 = arith.andi %ge3A_743, %lt3A_744 : vector<16xi1>
      %jit3A_746 = arith.constant 2048 : i32
      %broadcast_in_dim3A_747 = vector.broadcast %jit3A_746 : i32 to vector<16xi32>
      %select_n3A_748 = arith.select %and3A_745, %gather3A_740, %broadcast_in_dim3A_747 : vector<16xi1>, vector<16xi32>
      %add3A_749 = arith.constant 448 : i32
      %add3A_750 = vector.broadcast %add3A_749 : i32 to vector<16xi32>
      %add3A_751 = arith.addi %add3A_750, %add3A_437 : vector<16xi32>
      tpu.vector_store_idx %arg11[%add3A_751], %select_n3A_748 : memref<512xi32, #tpu.memory_space<vmem>>[vector<16xi32>], vector<16xi32>,
      %sub3A_752 = arith.constant 15 : i32
      %sub3A_753 = vector.broadcast %sub3A_752 : i32 to vector<16xi32>
      %sub3A_754 = arith.subi %sub3A_753, %convert_element_type3A_454 : vector<16xi32>
      %max3A_755 = arith.constant 0 : i32
      %max3A_756 = vector.broadcast %max3A_755 : i32 to vector<16xi32>
      %max3A_757 = arith.maxsi %sub3A_754, %max3A_756 : vector<16xi32>
      %add3A_758 = arith.addi %mul3A_442, %max3A_757 : vector<16xi32>
      %gather3A_759 = tpu.vector_load_idx %arg8[%add3A_758] : memref<544xi32, #tpu.memory_space<vmem>>[vector<16xi32>], vector<16xi32>,
      %ge3A_760 = arith.constant 0 : i32
      %ge3A_761 = vector.broadcast %ge3A_760 : i32 to vector<16xi32>
      %ge3A_762 = arith.cmpi sge, %sub3A_754, %ge3A_761 : vector<16xi32>
      %lt3A_763 = arith.cmpi slt, %sub3A_754, %parallel_loop3A_450 : vector<16xi32>
      %and3A_764 = arith.andi %ge3A_762, %lt3A_763 : vector<16xi1>
      %jit3A_765 = arith.constant 2048 : i32
      %broadcast_in_dim3A_766 = vector.broadcast %jit3A_765 : i32 to vector<16xi32>
      %select_n3A_767 = arith.select %and3A_764, %gather3A_759, %broadcast_in_dim3A_766 : vector<16xi1>, vector<16xi32>
      %add3A_768 = arith.constant 480 : i32
      %add3A_769 = vector.broadcast %add3A_768 : i32 to vector<16xi32>
      %add3A_770 = arith.addi %add3A_769, %add3A_437 : vector<16xi32>
      tpu.vector_store_idx %arg11[%add3A_770], %select_n3A_767 : memref<512xi32, #tpu.memory_space<vmem>>[vector<16xi32>], vector<16xi32>,
      %parallel_loop3A_771 = arith.constant 0 : i32
      %parallel_loop3A_772 = arith.constant 1536 : i32
      %parallel_loop3A_773 = arith.constant 1 : i32
      "tpu.trace_start"() <{level = 10 : i32, message = "ph_unscatter"}> : () -> ()
      scf.for %parallel_loop3A_971 = %parallel_loop3A_771 to %parallel_loop3A_772 step %parallel_loop3A_773  : i32 {
        %parallel_loop3A_972 = arith.constant 16 : i32
        %parallel_loop3A_973 = arith.muli %parallel_loop3A_971, %parallel_loop3A_972 : i32
        %parallel_loop3A_974 = arith.index_cast %parallel_loop3A_973 : i32 to index
        %parallel_loop3A_975 = tpu.vector_load %arg7[%parallel_loop3A_974] {strides = array<i32>} : memref<24576xi32, #tpu.memory_space<vmem>>, vector<16xi32>,
        %parallel_loop3A_976 = arith.constant 11 : i32
        %parallel_loop3A_977 = vector.broadcast %parallel_loop3A_976 : i32 to vector<16xi32>
        %parallel_loop3A_978 = arith.shrsi %parallel_loop3A_975, %parallel_loop3A_977 : vector<16xi32>
        %parallel_loop3A_979 = arith.constant 2047 : i32
        %parallel_loop3A_980 = vector.broadcast %parallel_loop3A_979 : i32 to vector<16xi32>
        %parallel_loop3A_981 = arith.andi %parallel_loop3A_975, %parallel_loop3A_980 : vector<16xi32>
        %parallel_loop3A_982 = vector.broadcast %mul3A_81 : i32 to vector<16xi32>
        %parallel_loop3A_983 = arith.cmpi sge, %parallel_loop3A_978, %parallel_loop3A_982 : vector<16xi32>
        %parallel_loop3A_984 = arith.constant 32 : i32
        %parallel_loop3A_985 = arith.addi %mul3A_81, %parallel_loop3A_984 : i32
        %parallel_loop3A_986 = vector.broadcast %parallel_loop3A_985 : i32 to vector<16xi32>
        %parallel_loop3A_987 = arith.cmpi slt, %parallel_loop3A_978, %parallel_loop3A_986 : vector<16xi32>
        %parallel_loop3A_988 = arith.andi %parallel_loop3A_983, %parallel_loop3A_987 : vector<16xi1>
        %parallel_loop3A_989 = arith.constant 32 : i32
        %parallel_loop3A_990 = vector.broadcast %parallel_loop3A_989 : i32 to vector<16xi32>
        %parallel_loop3A_991 = arith.muli %parallel_loop3A_981, %parallel_loop3A_990 : vector<16xi32>
        %parallel_loop3A_992 = vector.broadcast %mul3A_81 : i32 to vector<16xi32>
        %parallel_loop3A_993 = arith.subi %parallel_loop3A_978, %parallel_loop3A_992 : vector<16xi32>
        %parallel_loop3A_994 = arith.addi %parallel_loop3A_991, %parallel_loop3A_993 : vector<16xi32>
        %parallel_loop3A_995 = arith.constant 0 : i32
        %parallel_loop3A_996 = vector.broadcast %parallel_loop3A_995 : i32 to vector<16xi32>
        %parallel_loop3A_997 = arith.select %parallel_loop3A_988, %parallel_loop3A_994, %parallel_loop3A_996 : vector<16xi1>, vector<16xi32>
        tpu.vector_store_idx %arg6[%parallel_loop3A_997], %broadcast_in_dim3A_0 masked %parallel_loop3A_988 : memref<65536xf32, #tpu.memory_space<vmem>>[vector<16xi32>], vector<16xf32>, vector<16xi1>
      } {sc.loop_unroll_factor = 4 : i64, sc.parallel_access}
      %swap3A_774 = arith.constant 0 : index
      %swap3A_775 = tpu.vector_load %arg9[%swap3A_774] {strides = array<i32>} : memref<32xf32, #tpu.memory_space<vmem>>, vector<16xf32>,
      tpu.vector_store %arg9[%swap3A_774], %broadcast_in_dim3A_0 {strides = array<i32>} : memref<32xf32, #tpu.memory_space<vmem>>, vector<16xf32>,
      %swap3A_776 = arith.constant 16 : index
      %swap3A_777 = tpu.vector_load %arg9[%swap3A_776] {strides = array<i32>} : memref<32xf32, #tpu.memory_space<vmem>>, vector<16xf32>,
      tpu.vector_store %arg9[%swap3A_776], %broadcast_in_dim3A_0 {strides = array<i32>} : memref<32xf32, #tpu.memory_space<vmem>>, vector<16xf32>,
      "tpu.trace_stop"() : () -> ()
      "tpu.trace_start"() <{level = 10 : i32, message = "ph_dma"}> : () -> ()
      %mul3A_778 = arith.constant 2048 : i32
      %mul3A_779 = arith.muli %add3A, %mul3A_778 : i32
      %add3A_780 = arith.addi %mul3A_779, %mul3A_81 : i32
      %dma_start3A = arith.constant 0 : i32
      %dma_start3A_781 = tpu.memref_slice %arg11[%dma_start3A] : memref<512xi32, #tpu.memory_space<vmem>> -> memref<32xi32, #tpu.memory_space<vmem>>
      %dma_start3A_782 = arith.constant 0 : i32
      %dma_start3A_783 = arith.constant 0 : i32
      %dma_start3A_784 = tpu.memref_slice %arg14[%dma_start3A_782, %dma_start3A_783] : memref<2049x128xf32, #tpu.memory_space<vmem_shared>> -> memref<2049x128xf32, #tpu.memory_space<vmem_shared>>
      tpu.enqueue_indirect_dma source(%dma_start3A_784 : memref<2049x128xf32, #tpu.memory_space<vmem_shared>>) target(%arg12 : memref<32x128xf32, #tpu.memory_space<vmem>>) offsets(%dma_start3A_781 : memref<32xi32, #tpu.memory_space<vmem>>) semaphore(%arg15 : memref<!tpu.dma_semaphore, #tpu.memory_space<semaphore_mem>>)
      %dma_start3A_785 = arith.constant 32 : i32
      %dma_start3A_786 = tpu.memref_slice %arg11[%dma_start3A_785] : memref<512xi32, #tpu.memory_space<vmem>> -> memref<32xi32, #tpu.memory_space<vmem>>
      %dma_start3A_787 = arith.constant 0 : i32
      %dma_start3A_788 = arith.constant 0 : i32
      %dma_start3A_789 = tpu.memref_slice %arg14[%dma_start3A_787, %dma_start3A_788] : memref<2049x128xf32, #tpu.memory_space<vmem_shared>> -> memref<2049x128xf32, #tpu.memory_space<vmem_shared>>
      tpu.enqueue_indirect_dma source(%dma_start3A_789 : memref<2049x128xf32, #tpu.memory_space<vmem_shared>>) target(%arg13 : memref<32x128xf32, #tpu.memory_space<vmem>>) offsets(%dma_start3A_786 : memref<32xi32, #tpu.memory_space<vmem>>) semaphore(%arg16 : memref<!tpu.dma_semaphore, #tpu.memory_space<semaphore_mem>>)
      %dma_wait3A = arith.constant 0 : i32
      %dma_wait3A_790 = tpu.memref_slice %arg11[%dma_wait3A] : memref<512xi32, #tpu.memory_space<vmem>> -> memref<32xi32, #tpu.memory_space<vmem>>
      %dma_wait3A_791 = arith.constant 0 : i32
      %dma_wait3A_792 = arith.constant 0 : i32
      %dma_wait3A_793 = tpu.memref_slice %arg14[%dma_wait3A_791, %dma_wait3A_792] : memref<2049x128xf32, #tpu.memory_space<vmem_shared>> -> memref<2049x128xf32, #tpu.memory_space<vmem_shared>>
      tpu.wait_indirect_dma semaphore(%arg15 : memref<!tpu.dma_semaphore, #tpu.memory_space<semaphore_mem>>) src(%dma_wait3A_793 : memref<2049x128xf32, #tpu.memory_space<vmem_shared>>) dst(%arg12 : memref<32x128xf32, #tpu.memory_space<vmem>>)
      %add3A_794 = arith.constant 0 : i32
      %add3A_795 = arith.addi %add3A_794, %add3A_780 : i32
      "tpu.region"() ({
        %run_scoped3A = tpu.sem_alloc : memref<!tpu.dma_semaphore, #tpu.memory_space<semaphore_mem>>
        %dma_start3A_971 = arith.constant 0 : i32
        %dma_start3A_972 = tpu.memref_slice %arg4[%add3A_795, %dma_start3A_971] : memref<262144x128xf32, #tpu.memory_space<hbm>> -> memref<32x128xf32, #tpu.memory_space<hbm>>
        %dma_start3A_973 = arith.constant 0 : i32
        %dma_start3A_974 = tpu.memref_slice %arg4[%add3A_795, %dma_start3A_973] : memref<262144x128xf32, #tpu.memory_space<hbm>> -> memref<32x128xf32, #tpu.memory_space<hbm>>
        tpu.enqueue_dma source(%arg12 : memref<32x128xf32, #tpu.memory_space<vmem>>) target(%dma_start3A_974 : memref<32x128xf32, #tpu.memory_space<hbm>>) target_semaphore(%run_scoped3A : memref<!tpu.dma_semaphore, #tpu.memory_space<semaphore_mem>>)
        %dma_wait3A_975 = arith.constant 0 : i32
        %dma_wait3A_976 = tpu.memref_slice %arg4[%add3A_795, %dma_wait3A_975] : memref<262144x128xf32, #tpu.memory_space<hbm>> -> memref<32x128xf32, #tpu.memory_space<hbm>>
        %dma_wait3A_977 = arith.constant 0 : i32
        %dma_wait3A_978 = tpu.memref_slice %arg4[%add3A_795, %dma_wait3A_977] : memref<262144x128xf32, #tpu.memory_space<hbm>> -> memref<32x128xf32, #tpu.memory_space<hbm>>
        tpu.wait_dma2 semaphore(%run_scoped3A : memref<!tpu.dma_semaphore, #tpu.memory_space<semaphore_mem>>) src(%arg12 : memref<32x128xf32, #tpu.memory_space<vmem>>) dst(%dma_wait3A_978 : memref<32x128xf32, #tpu.memory_space<hbm>>)
        tpu.yield
      }) : () -> ()
      %dma_start3A_796 = arith.constant 64 : i32
      %dma_start3A_797 = tpu.memref_slice %arg11[%dma_start3A_796] : memref<512xi32, #tpu.memory_space<vmem>> -> memref<32xi32, #tpu.memory_space<vmem>>
      %dma_start3A_798 = arith.constant 0 : i32
      %dma_start3A_799 = arith.constant 0 : i32
      %dma_start3A_800 = tpu.memref_slice %arg14[%dma_start3A_798, %dma_start3A_799] : memref<2049x128xf32, #tpu.memory_space<vmem_shared>> -> memref<2049x128xf32, #tpu.memory_space<vmem_shared>>
      tpu.enqueue_indirect_dma source(%dma_start3A_800 : memref<2049x128xf32, #tpu.memory_space<vmem_shared>>) target(%arg12 : memref<32x128xf32, #tpu.memory_space<vmem>>) offsets(%dma_start3A_797 : memref<32xi32, #tpu.memory_space<vmem>>) semaphore(%arg15 : memref<!tpu.dma_semaphore, #tpu.memory_space<semaphore_mem>>)
      %dma_wait3A_801 = arith.constant 32 : i32
      %dma_wait3A_802 = tpu.memref_slice %arg11[%dma_wait3A_801] : memref<512xi32, #tpu.memory_space<vmem>> -> memref<32xi32, #tpu.memory_space<vmem>>
      %dma_wait3A_803 = arith.constant 0 : i32
      %dma_wait3A_804 = arith.constant 0 : i32
      %dma_wait3A_805 = tpu.memref_slice %arg14[%dma_wait3A_803, %dma_wait3A_804] : memref<2049x128xf32, #tpu.memory_space<vmem_shared>> -> memref<2049x128xf32, #tpu.memory_space<vmem_shared>>
      tpu.wait_indirect_dma semaphore(%arg16 : memref<!tpu.dma_semaphore, #tpu.memory_space<semaphore_mem>>) src(%dma_wait3A_805 : memref<2049x128xf32, #tpu.memory_space<vmem_shared>>) dst(%arg13 : memref<32x128xf32, #tpu.memory_space<vmem>>)
      %add3A_806 = arith.constant 16384 : i32
      %add3A_807 = arith.addi %add3A_806, %add3A_780 : i32
      "tpu.region"() ({
        %run_scoped3A = tpu.sem_alloc : memref<!tpu.dma_semaphore, #tpu.memory_space<semaphore_mem>>
        %dma_start3A_971 = arith.constant 0 : i32
        %dma_start3A_972 = tpu.memref_slice %arg4[%add3A_807, %dma_start3A_971] : memref<262144x128xf32, #tpu.memory_space<hbm>> -> memref<32x128xf32, #tpu.memory_space<hbm>>
        %dma_start3A_973 = arith.constant 0 : i32
        %dma_start3A_974 = tpu.memref_slice %arg4[%add3A_807, %dma_start3A_973] : memref<262144x128xf32, #tpu.memory_space<hbm>> -> memref<32x128xf32, #tpu.memory_space<hbm>>
        tpu.enqueue_dma source(%arg13 : memref<32x128xf32, #tpu.memory_space<vmem>>) target(%dma_start3A_974 : memref<32x128xf32, #tpu.memory_space<hbm>>) target_semaphore(%run_scoped3A : memref<!tpu.dma_semaphore, #tpu.memory_space<semaphore_mem>>)
        %dma_wait3A_975 = arith.constant 0 : i32
        %dma_wait3A_976 = tpu.memref_slice %arg4[%add3A_807, %dma_wait3A_975] : memref<262144x128xf32, #tpu.memory_space<hbm>> -> memref<32x128xf32, #tpu.memory_space<hbm>>
        %dma_wait3A_977 = arith.constant 0 : i32
        %dma_wait3A_978 = tpu.memref_slice %arg4[%add3A_807, %dma_wait3A_977] : memref<262144x128xf32, #tpu.memory_space<hbm>> -> memref<32x128xf32, #tpu.memory_space<hbm>>
        tpu.wait_dma2 semaphore(%run_scoped3A : memref<!tpu.dma_semaphore, #tpu.memory_space<semaphore_mem>>) src(%arg13 : memref<32x128xf32, #tpu.memory_space<vmem>>) dst(%dma_wait3A_978 : memref<32x128xf32, #tpu.memory_space<hbm>>)
        tpu.yield
      }) : () -> ()
      %dma_start3A_808 = arith.constant 96 : i32
      %dma_start3A_809 = tpu.memref_slice %arg11[%dma_start3A_808] : memref<512xi32, #tpu.memory_space<vmem>> -> memref<32xi32, #tpu.memory_space<vmem>>
      %dma_start3A_810 = arith.constant 0 : i32
      %dma_start3A_811 = arith.constant 0 : i32
      %dma_start3A_812 = tpu.memref_slice %arg14[%dma_start3A_810, %dma_start3A_811] : memref<2049x128xf32, #tpu.memory_space<vmem_shared>> -> memref<2049x128xf32, #tpu.memory_space<vmem_shared>>
      tpu.enqueue_indirect_dma source(%dma_start3A_812 : memref<2049x128xf32, #tpu.memory_space<vmem_shared>>) target(%arg13 : memref<32x128xf32, #tpu.memory_space<vmem>>) offsets(%dma_start3A_809 : memref<32xi32, #tpu.memory_space<vmem>>) semaphore(%arg16 : memref<!tpu.dma_semaphore, #tpu.memory_space<semaphore_mem>>)
      %dma_wait3A_813 = arith.constant 64 : i32
      %dma_wait3A_814 = tpu.memref_slice %arg11[%dma_wait3A_813] : memref<512xi32, #tpu.memory_space<vmem>> -> memref<32xi32, #tpu.memory_space<vmem>>
      %dma_wait3A_815 = arith.constant 0 : i32
      %dma_wait3A_816 = arith.constant 0 : i32
      %dma_wait3A_817 = tpu.memref_slice %arg14[%dma_wait3A_815, %dma_wait3A_816] : memref<2049x128xf32, #tpu.memory_space<vmem_shared>> -> memref<2049x128xf32, #tpu.memory_space<vmem_shared>>
      tpu.wait_indirect_dma semaphore(%arg15 : memref<!tpu.dma_semaphore, #tpu.memory_space<semaphore_mem>>) src(%dma_wait3A_817 : memref<2049x128xf32, #tpu.memory_space<vmem_shared>>) dst(%arg12 : memref<32x128xf32, #tpu.memory_space<vmem>>)
      %add3A_818 = arith.constant 32768 : i32
      %add3A_819 = arith.addi %add3A_818, %add3A_780 : i32
      "tpu.region"() ({
        %run_scoped3A = tpu.sem_alloc : memref<!tpu.dma_semaphore, #tpu.memory_space<semaphore_mem>>
        %dma_start3A_971 = arith.constant 0 : i32
        %dma_start3A_972 = tpu.memref_slice %arg4[%add3A_819, %dma_start3A_971] : memref<262144x128xf32, #tpu.memory_space<hbm>> -> memref<32x128xf32, #tpu.memory_space<hbm>>
        %dma_start3A_973 = arith.constant 0 : i32
        %dma_start3A_974 = tpu.memref_slice %arg4[%add3A_819, %dma_start3A_973] : memref<262144x128xf32, #tpu.memory_space<hbm>> -> memref<32x128xf32, #tpu.memory_space<hbm>>
        tpu.enqueue_dma source(%arg12 : memref<32x128xf32, #tpu.memory_space<vmem>>) target(%dma_start3A_974 : memref<32x128xf32, #tpu.memory_space<hbm>>) target_semaphore(%run_scoped3A : memref<!tpu.dma_semaphore, #tpu.memory_space<semaphore_mem>>)
        %dma_wait3A_975 = arith.constant 0 : i32
        %dma_wait3A_976 = tpu.memref_slice %arg4[%add3A_819, %dma_wait3A_975] : memref<262144x128xf32, #tpu.memory_space<hbm>> -> memref<32x128xf32, #tpu.memory_space<hbm>>
        %dma_wait3A_977 = arith.constant 0 : i32
        %dma_wait3A_978 = tpu.memref_slice %arg4[%add3A_819, %dma_wait3A_977] : memref<262144x128xf32, #tpu.memory_space<hbm>> -> memref<32x128xf32, #tpu.memory_space<hbm>>
        tpu.wait_dma2 semaphore(%run_scoped3A : memref<!tpu.dma_semaphore, #tpu.memory_space<semaphore_mem>>) src(%arg12 : memref<32x128xf32, #tpu.memory_space<vmem>>) dst(%dma_wait3A_978 : memref<32x128xf32, #tpu.memory_space<hbm>>)
        tpu.yield
      }) : () -> ()
      %dma_start3A_820 = arith.constant 128 : i32
      %dma_start3A_821 = tpu.memref_slice %arg11[%dma_start3A_820] : memref<512xi32, #tpu.memory_space<vmem>> -> memref<32xi32, #tpu.memory_space<vmem>>
      %dma_start3A_822 = arith.constant 0 : i32
      %dma_start3A_823 = arith.constant 0 : i32
      %dma_start3A_824 = tpu.memref_slice %arg14[%dma_start3A_822, %dma_start3A_823] : memref<2049x128xf32, #tpu.memory_space<vmem_shared>> -> memref<2049x128xf32, #tpu.memory_space<vmem_shared>>
      tpu.enqueue_indirect_dma source(%dma_start3A_824 : memref<2049x128xf32, #tpu.memory_space<vmem_shared>>) target(%arg12 : memref<32x128xf32, #tpu.memory_space<vmem>>) offsets(%dma_start3A_821 : memref<32xi32, #tpu.memory_space<vmem>>) semaphore(%arg15 : memref<!tpu.dma_semaphore, #tpu.memory_space<semaphore_mem>>)
      %dma_wait3A_825 = arith.constant 96 : i32
      %dma_wait3A_826 = tpu.memref_slice %arg11[%dma_wait3A_825] : memref<512xi32, #tpu.memory_space<vmem>> -> memref<32xi32, #tpu.memory_space<vmem>>
      %dma_wait3A_827 = arith.constant 0 : i32
      %dma_wait3A_828 = arith.constant 0 : i32
      %dma_wait3A_829 = tpu.memref_slice %arg14[%dma_wait3A_827, %dma_wait3A_828] : memref<2049x128xf32, #tpu.memory_space<vmem_shared>> -> memref<2049x128xf32, #tpu.memory_space<vmem_shared>>
      tpu.wait_indirect_dma semaphore(%arg16 : memref<!tpu.dma_semaphore, #tpu.memory_space<semaphore_mem>>) src(%dma_wait3A_829 : memref<2049x128xf32, #tpu.memory_space<vmem_shared>>) dst(%arg13 : memref<32x128xf32, #tpu.memory_space<vmem>>)
      %add3A_830 = arith.constant 49152 : i32
      %add3A_831 = arith.addi %add3A_830, %add3A_780 : i32
      "tpu.region"() ({
        %run_scoped3A = tpu.sem_alloc : memref<!tpu.dma_semaphore, #tpu.memory_space<semaphore_mem>>
        %dma_start3A_971 = arith.constant 0 : i32
        %dma_start3A_972 = tpu.memref_slice %arg4[%add3A_831, %dma_start3A_971] : memref<262144x128xf32, #tpu.memory_space<hbm>> -> memref<32x128xf32, #tpu.memory_space<hbm>>
        %dma_start3A_973 = arith.constant 0 : i32
        %dma_start3A_974 = tpu.memref_slice %arg4[%add3A_831, %dma_start3A_973] : memref<262144x128xf32, #tpu.memory_space<hbm>> -> memref<32x128xf32, #tpu.memory_space<hbm>>
        tpu.enqueue_dma source(%arg13 : memref<32x128xf32, #tpu.memory_space<vmem>>) target(%dma_start3A_974 : memref<32x128xf32, #tpu.memory_space<hbm>>) target_semaphore(%run_scoped3A : memref<!tpu.dma_semaphore, #tpu.memory_space<semaphore_mem>>)
        %dma_wait3A_975 = arith.constant 0 : i32
        %dma_wait3A_976 = tpu.memref_slice %arg4[%add3A_831, %dma_wait3A_975] : memref<262144x128xf32, #tpu.memory_space<hbm>> -> memref<32x128xf32, #tpu.memory_space<hbm>>
        %dma_wait3A_977 = arith.constant 0 : i32
        %dma_wait3A_978 = tpu.memref_slice %arg4[%add3A_831, %dma_wait3A_977] : memref<262144x128xf32, #tpu.memory_space<hbm>> -> memref<32x128xf32, #tpu.memory_space<hbm>>
        tpu.wait_dma2 semaphore(%run_scoped3A : memref<!tpu.dma_semaphore, #tpu.memory_space<semaphore_mem>>) src(%arg13 : memref<32x128xf32, #tpu.memory_space<vmem>>) dst(%dma_wait3A_978 : memref<32x128xf32, #tpu.memory_space<hbm>>)
        tpu.yield
      }) : () -> ()
      %dma_start3A_832 = arith.constant 160 : i32
      %dma_start3A_833 = tpu.memref_slice %arg11[%dma_start3A_832] : memref<512xi32, #tpu.memory_space<vmem>> -> memref<32xi32, #tpu.memory_space<vmem>>
      %dma_start3A_834 = arith.constant 0 : i32
      %dma_start3A_835 = arith.constant 0 : i32
      %dma_start3A_836 = tpu.memref_slice %arg14[%dma_start3A_834, %dma_start3A_835] : memref<2049x128xf32, #tpu.memory_space<vmem_shared>> -> memref<2049x128xf32, #tpu.memory_space<vmem_shared>>
      tpu.enqueue_indirect_dma source(%dma_start3A_836 : memref<2049x128xf32, #tpu.memory_space<vmem_shared>>) target(%arg13 : memref<32x128xf32, #tpu.memory_space<vmem>>) offsets(%dma_start3A_833 : memref<32xi32, #tpu.memory_space<vmem>>) semaphore(%arg16 : memref<!tpu.dma_semaphore, #tpu.memory_space<semaphore_mem>>)
      %dma_wait3A_837 = arith.constant 128 : i32
      %dma_wait3A_838 = tpu.memref_slice %arg11[%dma_wait3A_837] : memref<512xi32, #tpu.memory_space<vmem>> -> memref<32xi32, #tpu.memory_space<vmem>>
      %dma_wait3A_839 = arith.constant 0 : i32
      %dma_wait3A_840 = arith.constant 0 : i32
      %dma_wait3A_841 = tpu.memref_slice %arg14[%dma_wait3A_839, %dma_wait3A_840] : memref<2049x128xf32, #tpu.memory_space<vmem_shared>> -> memref<2049x128xf32, #tpu.memory_space<vmem_shared>>
      tpu.wait_indirect_dma semaphore(%arg15 : memref<!tpu.dma_semaphore, #tpu.memory_space<semaphore_mem>>) src(%dma_wait3A_841 : memref<2049x128xf32, #tpu.memory_space<vmem_shared>>) dst(%arg12 : memref<32x128xf32, #tpu.memory_space<vmem>>)
      %add3A_842 = arith.constant 65536 : i32
      %add3A_843 = arith.addi %add3A_842, %add3A_780 : i32
      "tpu.region"() ({
        %run_scoped3A = tpu.sem_alloc : memref<!tpu.dma_semaphore, #tpu.memory_space<semaphore_mem>>
        %dma_start3A_971 = arith.constant 0 : i32
        %dma_start3A_972 = tpu.memref_slice %arg4[%add3A_843, %dma_start3A_971] : memref<262144x128xf32, #tpu.memory_space<hbm>> -> memref<32x128xf32, #tpu.memory_space<hbm>>
        %dma_start3A_973 = arith.constant 0 : i32
        %dma_start3A_974 = tpu.memref_slice %arg4[%add3A_843, %dma_start3A_973] : memref<262144x128xf32, #tpu.memory_space<hbm>> -> memref<32x128xf32, #tpu.memory_space<hbm>>
        tpu.enqueue_dma source(%arg12 : memref<32x128xf32, #tpu.memory_space<vmem>>) target(%dma_start3A_974 : memref<32x128xf32, #tpu.memory_space<hbm>>) target_semaphore(%run_scoped3A : memref<!tpu.dma_semaphore, #tpu.memory_space<semaphore_mem>>)
        %dma_wait3A_975 = arith.constant 0 : i32
        %dma_wait3A_976 = tpu.memref_slice %arg4[%add3A_843, %dma_wait3A_975] : memref<262144x128xf32, #tpu.memory_space<hbm>> -> memref<32x128xf32, #tpu.memory_space<hbm>>
        %dma_wait3A_977 = arith.constant 0 : i32
        %dma_wait3A_978 = tpu.memref_slice %arg4[%add3A_843, %dma_wait3A_977] : memref<262144x128xf32, #tpu.memory_space<hbm>> -> memref<32x128xf32, #tpu.memory_space<hbm>>
        tpu.wait_dma2 semaphore(%run_scoped3A : memref<!tpu.dma_semaphore, #tpu.memory_space<semaphore_mem>>) src(%arg12 : memref<32x128xf32, #tpu.memory_space<vmem>>) dst(%dma_wait3A_978 : memref<32x128xf32, #tpu.memory_space<hbm>>)
        tpu.yield
      }) : () -> ()
      %dma_start3A_844 = arith.constant 192 : i32
      %dma_start3A_845 = tpu.memref_slice %arg11[%dma_start3A_844] : memref<512xi32, #tpu.memory_space<vmem>> -> memref<32xi32, #tpu.memory_space<vmem>>
      %dma_start3A_846 = arith.constant 0 : i32
      %dma_start3A_847 = arith.constant 0 : i32
      %dma_start3A_848 = tpu.memref_slice %arg14[%dma_start3A_846, %dma_start3A_847] : memref<2049x128xf32, #tpu.memory_space<vmem_shared>> -> memref<2049x128xf32, #tpu.memory_space<vmem_shared>>
      tpu.enqueue_indirect_dma source(%dma_start3A_848 : memref<2049x128xf32, #tpu.memory_space<vmem_shared>>) target(%arg12 : memref<32x128xf32, #tpu.memory_space<vmem>>) offsets(%dma_start3A_845 : memref<32xi32, #tpu.memory_space<vmem>>) semaphore(%arg15 : memref<!tpu.dma_semaphore, #tpu.memory_space<semaphore_mem>>)
      %dma_wait3A_849 = arith.constant 160 : i32
      %dma_wait3A_850 = tpu.memref_slice %arg11[%dma_wait3A_849] : memref<512xi32, #tpu.memory_space<vmem>> -> memref<32xi32, #tpu.memory_space<vmem>>
      %dma_wait3A_851 = arith.constant 0 : i32
      %dma_wait3A_852 = arith.constant 0 : i32
      %dma_wait3A_853 = tpu.memref_slice %arg14[%dma_wait3A_851, %dma_wait3A_852] : memref<2049x128xf32, #tpu.memory_space<vmem_shared>> -> memref<2049x128xf32, #tpu.memory_space<vmem_shared>>
      tpu.wait_indirect_dma semaphore(%arg16 : memref<!tpu.dma_semaphore, #tpu.memory_space<semaphore_mem>>) src(%dma_wait3A_853 : memref<2049x128xf32, #tpu.memory_space<vmem_shared>>) dst(%arg13 : memref<32x128xf32, #tpu.memory_space<vmem>>)
      %add3A_854 = arith.constant 81920 : i32
      %add3A_855 = arith.addi %add3A_854, %add3A_780 : i32
      "tpu.region"() ({
        %run_scoped3A = tpu.sem_alloc : memref<!tpu.dma_semaphore, #tpu.memory_space<semaphore_mem>>
        %dma_start3A_971 = arith.constant 0 : i32
        %dma_start3A_972 = tpu.memref_slice %arg4[%add3A_855, %dma_start3A_971] : memref<262144x128xf32, #tpu.memory_space<hbm>> -> memref<32x128xf32, #tpu.memory_space<hbm>>
        %dma_start3A_973 = arith.constant 0 : i32
        %dma_start3A_974 = tpu.memref_slice %arg4[%add3A_855, %dma_start3A_973] : memref<262144x128xf32, #tpu.memory_space<hbm>> -> memref<32x128xf32, #tpu.memory_space<hbm>>
        tpu.enqueue_dma source(%arg13 : memref<32x128xf32, #tpu.memory_space<vmem>>) target(%dma_start3A_974 : memref<32x128xf32, #tpu.memory_space<hbm>>) target_semaphore(%run_scoped3A : memref<!tpu.dma_semaphore, #tpu.memory_space<semaphore_mem>>)
        %dma_wait3A_975 = arith.constant 0 : i32
        %dma_wait3A_976 = tpu.memref_slice %arg4[%add3A_855, %dma_wait3A_975] : memref<262144x128xf32, #tpu.memory_space<hbm>> -> memref<32x128xf32, #tpu.memory_space<hbm>>
        %dma_wait3A_977 = arith.constant 0 : i32
        %dma_wait3A_978 = tpu.memref_slice %arg4[%add3A_855, %dma_wait3A_977] : memref<262144x128xf32, #tpu.memory_space<hbm>> -> memref<32x128xf32, #tpu.memory_space<hbm>>
        tpu.wait_dma2 semaphore(%run_scoped3A : memref<!tpu.dma_semaphore, #tpu.memory_space<semaphore_mem>>) src(%arg13 : memref<32x128xf32, #tpu.memory_space<vmem>>) dst(%dma_wait3A_978 : memref<32x128xf32, #tpu.memory_space<hbm>>)
        tpu.yield
      }) : () -> ()
      %dma_start3A_856 = arith.constant 224 : i32
      %dma_start3A_857 = tpu.memref_slice %arg11[%dma_start3A_856] : memref<512xi32, #tpu.memory_space<vmem>> -> memref<32xi32, #tpu.memory_space<vmem>>
      %dma_start3A_858 = arith.constant 0 : i32
      %dma_start3A_859 = arith.constant 0 : i32
      %dma_start3A_860 = tpu.memref_slice %arg14[%dma_start3A_858, %dma_start3A_859] : memref<2049x128xf32, #tpu.memory_space<vmem_shared>> -> memref<2049x128xf32, #tpu.memory_space<vmem_shared>>
      tpu.enqueue_indirect_dma source(%dma_start3A_860 : memref<2049x128xf32, #tpu.memory_space<vmem_shared>>) target(%arg13 : memref<32x128xf32, #tpu.memory_space<vmem>>) offsets(%dma_start3A_857 : memref<32xi32, #tpu.memory_space<vmem>>) semaphore(%arg16 : memref<!tpu.dma_semaphore, #tpu.memory_space<semaphore_mem>>)
      %dma_wait3A_861 = arith.constant 192 : i32
      %dma_wait3A_862 = tpu.memref_slice %arg11[%dma_wait3A_861] : memref<512xi32, #tpu.memory_space<vmem>> -> memref<32xi32, #tpu.memory_space<vmem>>
      %dma_wait3A_863 = arith.constant 0 : i32
      %dma_wait3A_864 = arith.constant 0 : i32
      %dma_wait3A_865 = tpu.memref_slice %arg14[%dma_wait3A_863, %dma_wait3A_864] : memref<2049x128xf32, #tpu.memory_space<vmem_shared>> -> memref<2049x128xf32, #tpu.memory_space<vmem_shared>>
      tpu.wait_indirect_dma semaphore(%arg15 : memref<!tpu.dma_semaphore, #tpu.memory_space<semaphore_mem>>) src(%dma_wait3A_865 : memref<2049x128xf32, #tpu.memory_space<vmem_shared>>) dst(%arg12 : memref<32x128xf32, #tpu.memory_space<vmem>>)
      %add3A_866 = arith.constant 98304 : i32
      %add3A_867 = arith.addi %add3A_866, %add3A_780 : i32
      "tpu.region"() ({
        %run_scoped3A = tpu.sem_alloc : memref<!tpu.dma_semaphore, #tpu.memory_space<semaphore_mem>>
        %dma_start3A_971 = arith.constant 0 : i32
        %dma_start3A_972 = tpu.memref_slice %arg4[%add3A_867, %dma_start3A_971] : memref<262144x128xf32, #tpu.memory_space<hbm>> -> memref<32x128xf32, #tpu.memory_space<hbm>>
        %dma_start3A_973 = arith.constant 0 : i32
        %dma_start3A_974 = tpu.memref_slice %arg4[%add3A_867, %dma_start3A_973] : memref<262144x128xf32, #tpu.memory_space<hbm>> -> memref<32x128xf32, #tpu.memory_space<hbm>>
        tpu.enqueue_dma source(%arg12 : memref<32x128xf32, #tpu.memory_space<vmem>>) target(%dma_start3A_974 : memref<32x128xf32, #tpu.memory_space<hbm>>) target_semaphore(%run_scoped3A : memref<!tpu.dma_semaphore, #tpu.memory_space<semaphore_mem>>)
        %dma_wait3A_975 = arith.constant 0 : i32
        %dma_wait3A_976 = tpu.memref_slice %arg4[%add3A_867, %dma_wait3A_975] : memref<262144x128xf32, #tpu.memory_space<hbm>> -> memref<32x128xf32, #tpu.memory_space<hbm>>
        %dma_wait3A_977 = arith.constant 0 : i32
        %dma_wait3A_978 = tpu.memref_slice %arg4[%add3A_867, %dma_wait3A_977] : memref<262144x128xf32, #tpu.memory_space<hbm>> -> memref<32x128xf32, #tpu.memory_space<hbm>>
        tpu.wait_dma2 semaphore(%run_scoped3A : memref<!tpu.dma_semaphore, #tpu.memory_space<semaphore_mem>>) src(%arg12 : memref<32x128xf32, #tpu.memory_space<vmem>>) dst(%dma_wait3A_978 : memref<32x128xf32, #tpu.memory_space<hbm>>)
        tpu.yield
      }) : () -> ()
      %dma_start3A_868 = arith.constant 256 : i32
      %dma_start3A_869 = tpu.memref_slice %arg11[%dma_start3A_868] : memref<512xi32, #tpu.memory_space<vmem>> -> memref<32xi32, #tpu.memory_space<vmem>>
      %dma_start3A_870 = arith.constant 0 : i32
      %dma_start3A_871 = arith.constant 0 : i32
      %dma_start3A_872 = tpu.memref_slice %arg14[%dma_start3A_870, %dma_start3A_871] : memref<2049x128xf32, #tpu.memory_space<vmem_shared>> -> memref<2049x128xf32, #tpu.memory_space<vmem_shared>>
      tpu.enqueue_indirect_dma source(%dma_start3A_872 : memref<2049x128xf32, #tpu.memory_space<vmem_shared>>) target(%arg12 : memref<32x128xf32, #tpu.memory_space<vmem>>) offsets(%dma_start3A_869 : memref<32xi32, #tpu.memory_space<vmem>>) semaphore(%arg15 : memref<!tpu.dma_semaphore, #tpu.memory_space<semaphore_mem>>)
      %dma_wait3A_873 = arith.constant 224 : i32
      %dma_wait3A_874 = tpu.memref_slice %arg11[%dma_wait3A_873] : memref<512xi32, #tpu.memory_space<vmem>> -> memref<32xi32, #tpu.memory_space<vmem>>
      %dma_wait3A_875 = arith.constant 0 : i32
      %dma_wait3A_876 = arith.constant 0 : i32
      %dma_wait3A_877 = tpu.memref_slice %arg14[%dma_wait3A_875, %dma_wait3A_876] : memref<2049x128xf32, #tpu.memory_space<vmem_shared>> -> memref<2049x128xf32, #tpu.memory_space<vmem_shared>>
      tpu.wait_indirect_dma semaphore(%arg16 : memref<!tpu.dma_semaphore, #tpu.memory_space<semaphore_mem>>) src(%dma_wait3A_877 : memref<2049x128xf32, #tpu.memory_space<vmem_shared>>) dst(%arg13 : memref<32x128xf32, #tpu.memory_space<vmem>>)
      %add3A_878 = arith.constant 114688 : i32
      %add3A_879 = arith.addi %add3A_878, %add3A_780 : i32
      "tpu.region"() ({
        %run_scoped3A = tpu.sem_alloc : memref<!tpu.dma_semaphore, #tpu.memory_space<semaphore_mem>>
        %dma_start3A_971 = arith.constant 0 : i32
        %dma_start3A_972 = tpu.memref_slice %arg4[%add3A_879, %dma_start3A_971] : memref<262144x128xf32, #tpu.memory_space<hbm>> -> memref<32x128xf32, #tpu.memory_space<hbm>>
        %dma_start3A_973 = arith.constant 0 : i32
        %dma_start3A_974 = tpu.memref_slice %arg4[%add3A_879, %dma_start3A_973] : memref<262144x128xf32, #tpu.memory_space<hbm>> -> memref<32x128xf32, #tpu.memory_space<hbm>>
        tpu.enqueue_dma source(%arg13 : memref<32x128xf32, #tpu.memory_space<vmem>>) target(%dma_start3A_974 : memref<32x128xf32, #tpu.memory_space<hbm>>) target_semaphore(%run_scoped3A : memref<!tpu.dma_semaphore, #tpu.memory_space<semaphore_mem>>)
        %dma_wait3A_975 = arith.constant 0 : i32
        %dma_wait3A_976 = tpu.memref_slice %arg4[%add3A_879, %dma_wait3A_975] : memref<262144x128xf32, #tpu.memory_space<hbm>> -> memref<32x128xf32, #tpu.memory_space<hbm>>
        %dma_wait3A_977 = arith.constant 0 : i32
        %dma_wait3A_978 = tpu.memref_slice %arg4[%add3A_879, %dma_wait3A_977] : memref<262144x128xf32, #tpu.memory_space<hbm>> -> memref<32x128xf32, #tpu.memory_space<hbm>>
        tpu.wait_dma2 semaphore(%run_scoped3A : memref<!tpu.dma_semaphore, #tpu.memory_space<semaphore_mem>>) src(%arg13 : memref<32x128xf32, #tpu.memory_space<vmem>>) dst(%dma_wait3A_978 : memref<32x128xf32, #tpu.memory_space<hbm>>)
        tpu.yield
      }) : () -> ()
      %dma_start3A_880 = arith.constant 288 : i32
      %dma_start3A_881 = tpu.memref_slice %arg11[%dma_start3A_880] : memref<512xi32, #tpu.memory_space<vmem>> -> memref<32xi32, #tpu.memory_space<vmem>>
      %dma_start3A_882 = arith.constant 0 : i32
      %dma_start3A_883 = arith.constant 0 : i32
      %dma_start3A_884 = tpu.memref_slice %arg14[%dma_start3A_882, %dma_start3A_883] : memref<2049x128xf32, #tpu.memory_space<vmem_shared>> -> memref<2049x128xf32, #tpu.memory_space<vmem_shared>>
      tpu.enqueue_indirect_dma source(%dma_start3A_884 : memref<2049x128xf32, #tpu.memory_space<vmem_shared>>) target(%arg13 : memref<32x128xf32, #tpu.memory_space<vmem>>) offsets(%dma_start3A_881 : memref<32xi32, #tpu.memory_space<vmem>>) semaphore(%arg16 : memref<!tpu.dma_semaphore, #tpu.memory_space<semaphore_mem>>)
      %dma_wait3A_885 = arith.constant 256 : i32
      %dma_wait3A_886 = tpu.memref_slice %arg11[%dma_wait3A_885] : memref<512xi32, #tpu.memory_space<vmem>> -> memref<32xi32, #tpu.memory_space<vmem>>
      %dma_wait3A_887 = arith.constant 0 : i32
      %dma_wait3A_888 = arith.constant 0 : i32
      %dma_wait3A_889 = tpu.memref_slice %arg14[%dma_wait3A_887, %dma_wait3A_888] : memref<2049x128xf32, #tpu.memory_space<vmem_shared>> -> memref<2049x128xf32, #tpu.memory_space<vmem_shared>>
      tpu.wait_indirect_dma semaphore(%arg15 : memref<!tpu.dma_semaphore, #tpu.memory_space<semaphore_mem>>) src(%dma_wait3A_889 : memref<2049x128xf32, #tpu.memory_space<vmem_shared>>) dst(%arg12 : memref<32x128xf32, #tpu.memory_space<vmem>>)
      %add3A_890 = arith.constant 131072 : i32
      %add3A_891 = arith.addi %add3A_890, %add3A_780 : i32
      "tpu.region"() ({
        %run_scoped3A = tpu.sem_alloc : memref<!tpu.dma_semaphore, #tpu.memory_space<semaphore_mem>>
        %dma_start3A_971 = arith.constant 0 : i32
        %dma_start3A_972 = tpu.memref_slice %arg4[%add3A_891, %dma_start3A_971] : memref<262144x128xf32, #tpu.memory_space<hbm>> -> memref<32x128xf32, #tpu.memory_space<hbm>>
        %dma_start3A_973 = arith.constant 0 : i32
        %dma_start3A_974 = tpu.memref_slice %arg4[%add3A_891, %dma_start3A_973] : memref<262144x128xf32, #tpu.memory_space<hbm>> -> memref<32x128xf32, #tpu.memory_space<hbm>>
        tpu.enqueue_dma source(%arg12 : memref<32x128xf32, #tpu.memory_space<vmem>>) target(%dma_start3A_974 : memref<32x128xf32, #tpu.memory_space<hbm>>) target_semaphore(%run_scoped3A : memref<!tpu.dma_semaphore, #tpu.memory_space<semaphore_mem>>)
        %dma_wait3A_975 = arith.constant 0 : i32
        %dma_wait3A_976 = tpu.memref_slice %arg4[%add3A_891, %dma_wait3A_975] : memref<262144x128xf32, #tpu.memory_space<hbm>> -> memref<32x128xf32, #tpu.memory_space<hbm>>
        %dma_wait3A_977 = arith.constant 0 : i32
        %dma_wait3A_978 = tpu.memref_slice %arg4[%add3A_891, %dma_wait3A_977] : memref<262144x128xf32, #tpu.memory_space<hbm>> -> memref<32x128xf32, #tpu.memory_space<hbm>>
        tpu.wait_dma2 semaphore(%run_scoped3A : memref<!tpu.dma_semaphore, #tpu.memory_space<semaphore_mem>>) src(%arg12 : memref<32x128xf32, #tpu.memory_space<vmem>>) dst(%dma_wait3A_978 : memref<32x128xf32, #tpu.memory_space<hbm>>)
        tpu.yield
      }) : () -> ()
      %dma_start3A_892 = arith.constant 320 : i32
      %dma_start3A_893 = tpu.memref_slice %arg11[%dma_start3A_892] : memref<512xi32, #tpu.memory_space<vmem>> -> memref<32xi32, #tpu.memory_space<vmem>>
      %dma_start3A_894 = arith.constant 0 : i32
      %dma_start3A_895 = arith.constant 0 : i32
      %dma_start3A_896 = tpu.memref_slice %arg14[%dma_start3A_894, %dma_start3A_895] : memref<2049x128xf32, #tpu.memory_space<vmem_shared>> -> memref<2049x128xf32, #tpu.memory_space<vmem_shared>>
      tpu.enqueue_indirect_dma source(%dma_start3A_896 : memref<2049x128xf32, #tpu.memory_space<vmem_shared>>) target(%arg12 : memref<32x128xf32, #tpu.memory_space<vmem>>) offsets(%dma_start3A_893 : memref<32xi32, #tpu.memory_space<vmem>>) semaphore(%arg15 : memref<!tpu.dma_semaphore, #tpu.memory_space<semaphore_mem>>)
      %dma_wait3A_897 = arith.constant 288 : i32
      %dma_wait3A_898 = tpu.memref_slice %arg11[%dma_wait3A_897] : memref<512xi32, #tpu.memory_space<vmem>> -> memref<32xi32, #tpu.memory_space<vmem>>
      %dma_wait3A_899 = arith.constant 0 : i32
      %dma_wait3A_900 = arith.constant 0 : i32
      %dma_wait3A_901 = tpu.memref_slice %arg14[%dma_wait3A_899, %dma_wait3A_900] : memref<2049x128xf32, #tpu.memory_space<vmem_shared>> -> memref<2049x128xf32, #tpu.memory_space<vmem_shared>>
      tpu.wait_indirect_dma semaphore(%arg16 : memref<!tpu.dma_semaphore, #tpu.memory_space<semaphore_mem>>) src(%dma_wait3A_901 : memref<2049x128xf32, #tpu.memory_space<vmem_shared>>) dst(%arg13 : memref<32x128xf32, #tpu.memory_space<vmem>>)
      %add3A_902 = arith.constant 147456 : i32
      %add3A_903 = arith.addi %add3A_902, %add3A_780 : i32
      "tpu.region"() ({
        %run_scoped3A = tpu.sem_alloc : memref<!tpu.dma_semaphore, #tpu.memory_space<semaphore_mem>>
        %dma_start3A_971 = arith.constant 0 : i32
        %dma_start3A_972 = tpu.memref_slice %arg4[%add3A_903, %dma_start3A_971] : memref<262144x128xf32, #tpu.memory_space<hbm>> -> memref<32x128xf32, #tpu.memory_space<hbm>>
        %dma_start3A_973 = arith.constant 0 : i32
        %dma_start3A_974 = tpu.memref_slice %arg4[%add3A_903, %dma_start3A_973] : memref<262144x128xf32, #tpu.memory_space<hbm>> -> memref<32x128xf32, #tpu.memory_space<hbm>>
        tpu.enqueue_dma source(%arg13 : memref<32x128xf32, #tpu.memory_space<vmem>>) target(%dma_start3A_974 : memref<32x128xf32, #tpu.memory_space<hbm>>) target_semaphore(%run_scoped3A : memref<!tpu.dma_semaphore, #tpu.memory_space<semaphore_mem>>)
        %dma_wait3A_975 = arith.constant 0 : i32
        %dma_wait3A_976 = tpu.memref_slice %arg4[%add3A_903, %dma_wait3A_975] : memref<262144x128xf32, #tpu.memory_space<hbm>> -> memref<32x128xf32, #tpu.memory_space<hbm>>
        %dma_wait3A_977 = arith.constant 0 : i32
        %dma_wait3A_978 = tpu.memref_slice %arg4[%add3A_903, %dma_wait3A_977] : memref<262144x128xf32, #tpu.memory_space<hbm>> -> memref<32x128xf32, #tpu.memory_space<hbm>>
        tpu.wait_dma2 semaphore(%run_scoped3A : memref<!tpu.dma_semaphore, #tpu.memory_space<semaphore_mem>>) src(%arg13 : memref<32x128xf32, #tpu.memory_space<vmem>>) dst(%dma_wait3A_978 : memref<32x128xf32, #tpu.memory_space<hbm>>)
        tpu.yield
      }) : () -> ()
      %dma_start3A_904 = arith.constant 352 : i32
      %dma_start3A_905 = tpu.memref_slice %arg11[%dma_start3A_904] : memref<512xi32, #tpu.memory_space<vmem>> -> memref<32xi32, #tpu.memory_space<vmem>>
      %dma_start3A_906 = arith.constant 0 : i32
      %dma_start3A_907 = arith.constant 0 : i32
      %dma_start3A_908 = tpu.memref_slice %arg14[%dma_start3A_906, %dma_start3A_907] : memref<2049x128xf32, #tpu.memory_space<vmem_shared>> -> memref<2049x128xf32, #tpu.memory_space<vmem_shared>>
      tpu.enqueue_indirect_dma source(%dma_start3A_908 : memref<2049x128xf32, #tpu.memory_space<vmem_shared>>) target(%arg13 : memref<32x128xf32, #tpu.memory_space<vmem>>) offsets(%dma_start3A_905 : memref<32xi32, #tpu.memory_space<vmem>>) semaphore(%arg16 : memref<!tpu.dma_semaphore, #tpu.memory_space<semaphore_mem>>)
      %dma_wait3A_909 = arith.constant 320 : i32
      %dma_wait3A_910 = tpu.memref_slice %arg11[%dma_wait3A_909] : memref<512xi32, #tpu.memory_space<vmem>> -> memref<32xi32, #tpu.memory_space<vmem>>
      %dma_wait3A_911 = arith.constant 0 : i32
      %dma_wait3A_912 = arith.constant 0 : i32
      %dma_wait3A_913 = tpu.memref_slice %arg14[%dma_wait3A_911, %dma_wait3A_912] : memref<2049x128xf32, #tpu.memory_space<vmem_shared>> -> memref<2049x128xf32, #tpu.memory_space<vmem_shared>>
      tpu.wait_indirect_dma semaphore(%arg15 : memref<!tpu.dma_semaphore, #tpu.memory_space<semaphore_mem>>) src(%dma_wait3A_913 : memref<2049x128xf32, #tpu.memory_space<vmem_shared>>) dst(%arg12 : memref<32x128xf32, #tpu.memory_space<vmem>>)
      %add3A_914 = arith.constant 163840 : i32
      %add3A_915 = arith.addi %add3A_914, %add3A_780 : i32
      "tpu.region"() ({
        %run_scoped3A = tpu.sem_alloc : memref<!tpu.dma_semaphore, #tpu.memory_space<semaphore_mem>>
        %dma_start3A_971 = arith.constant 0 : i32
        %dma_start3A_972 = tpu.memref_slice %arg4[%add3A_915, %dma_start3A_971] : memref<262144x128xf32, #tpu.memory_space<hbm>> -> memref<32x128xf32, #tpu.memory_space<hbm>>
        %dma_start3A_973 = arith.constant 0 : i32
        %dma_start3A_974 = tpu.memref_slice %arg4[%add3A_915, %dma_start3A_973] : memref<262144x128xf32, #tpu.memory_space<hbm>> -> memref<32x128xf32, #tpu.memory_space<hbm>>
        tpu.enqueue_dma source(%arg12 : memref<32x128xf32, #tpu.memory_space<vmem>>) target(%dma_start3A_974 : memref<32x128xf32, #tpu.memory_space<hbm>>) target_semaphore(%run_scoped3A : memref<!tpu.dma_semaphore, #tpu.memory_space<semaphore_mem>>)
        %dma_wait3A_975 = arith.constant 0 : i32
        %dma_wait3A_976 = tpu.memref_slice %arg4[%add3A_915, %dma_wait3A_975] : memref<262144x128xf32, #tpu.memory_space<hbm>> -> memref<32x128xf32, #tpu.memory_space<hbm>>
        %dma_wait3A_977 = arith.constant 0 : i32
        %dma_wait3A_978 = tpu.memref_slice %arg4[%add3A_915, %dma_wait3A_977] : memref<262144x128xf32, #tpu.memory_space<hbm>> -> memref<32x128xf32, #tpu.memory_space<hbm>>
        tpu.wait_dma2 semaphore(%run_scoped3A : memref<!tpu.dma_semaphore, #tpu.memory_space<semaphore_mem>>) src(%arg12 : memref<32x128xf32, #tpu.memory_space<vmem>>) dst(%dma_wait3A_978 : memref<32x128xf32, #tpu.memory_space<hbm>>)
        tpu.yield
      }) : () -> ()
      %dma_start3A_916 = arith.constant 384 : i32
      %dma_start3A_917 = tpu.memref_slice %arg11[%dma_start3A_916] : memref<512xi32, #tpu.memory_space<vmem>> -> memref<32xi32, #tpu.memory_space<vmem>>
      %dma_start3A_918 = arith.constant 0 : i32
      %dma_start3A_919 = arith.constant 0 : i32
      %dma_start3A_920 = tpu.memref_slice %arg14[%dma_start3A_918, %dma_start3A_919] : memref<2049x128xf32, #tpu.memory_space<vmem_shared>> -> memref<2049x128xf32, #tpu.memory_space<vmem_shared>>
      tpu.enqueue_indirect_dma source(%dma_start3A_920 : memref<2049x128xf32, #tpu.memory_space<vmem_shared>>) target(%arg12 : memref<32x128xf32, #tpu.memory_space<vmem>>) offsets(%dma_start3A_917 : memref<32xi32, #tpu.memory_space<vmem>>) semaphore(%arg15 : memref<!tpu.dma_semaphore, #tpu.memory_space<semaphore_mem>>)
      %dma_wait3A_921 = arith.constant 352 : i32
      %dma_wait3A_922 = tpu.memref_slice %arg11[%dma_wait3A_921] : memref<512xi32, #tpu.memory_space<vmem>> -> memref<32xi32, #tpu.memory_space<vmem>>
      %dma_wait3A_923 = arith.constant 0 : i32
      %dma_wait3A_924 = arith.constant 0 : i32
      %dma_wait3A_925 = tpu.memref_slice %arg14[%dma_wait3A_923, %dma_wait3A_924] : memref<2049x128xf32, #tpu.memory_space<vmem_shared>> -> memref<2049x128xf32, #tpu.memory_space<vmem_shared>>
      tpu.wait_indirect_dma semaphore(%arg16 : memref<!tpu.dma_semaphore, #tpu.memory_space<semaphore_mem>>) src(%dma_wait3A_925 : memref<2049x128xf32, #tpu.memory_space<vmem_shared>>) dst(%arg13 : memref<32x128xf32, #tpu.memory_space<vmem>>)
      %add3A_926 = arith.constant 180224 : i32
      %add3A_927 = arith.addi %add3A_926, %add3A_780 : i32
      "tpu.region"() ({
        %run_scoped3A = tpu.sem_alloc : memref<!tpu.dma_semaphore, #tpu.memory_space<semaphore_mem>>
        %dma_start3A_971 = arith.constant 0 : i32
        %dma_start3A_972 = tpu.memref_slice %arg4[%add3A_927, %dma_start3A_971] : memref<262144x128xf32, #tpu.memory_space<hbm>> -> memref<32x128xf32, #tpu.memory_space<hbm>>
        %dma_start3A_973 = arith.constant 0 : i32
        %dma_start3A_974 = tpu.memref_slice %arg4[%add3A_927, %dma_start3A_973] : memref<262144x128xf32, #tpu.memory_space<hbm>> -> memref<32x128xf32, #tpu.memory_space<hbm>>
        tpu.enqueue_dma source(%arg13 : memref<32x128xf32, #tpu.memory_space<vmem>>) target(%dma_start3A_974 : memref<32x128xf32, #tpu.memory_space<hbm>>) target_semaphore(%run_scoped3A : memref<!tpu.dma_semaphore, #tpu.memory_space<semaphore_mem>>)
        %dma_wait3A_975 = arith.constant 0 : i32
        %dma_wait3A_976 = tpu.memref_slice %arg4[%add3A_927, %dma_wait3A_975] : memref<262144x128xf32, #tpu.memory_space<hbm>> -> memref<32x128xf32, #tpu.memory_space<hbm>>
        %dma_wait3A_977 = arith.constant 0 : i32
        %dma_wait3A_978 = tpu.memref_slice %arg4[%add3A_927, %dma_wait3A_977] : memref<262144x128xf32, #tpu.memory_space<hbm>> -> memref<32x128xf32, #tpu.memory_space<hbm>>
        tpu.wait_dma2 semaphore(%run_scoped3A : memref<!tpu.dma_semaphore, #tpu.memory_space<semaphore_mem>>) src(%arg13 : memref<32x128xf32, #tpu.memory_space<vmem>>) dst(%dma_wait3A_978 : memref<32x128xf32, #tpu.memory_space<hbm>>)
        tpu.yield
      }) : () -> ()
      %dma_start3A_928 = arith.constant 416 : i32
      %dma_start3A_929 = tpu.memref_slice %arg11[%dma_start3A_928] : memref<512xi32, #tpu.memory_space<vmem>> -> memref<32xi32, #tpu.memory_space<vmem>>
      %dma_start3A_930 = arith.constant 0 : i32
      %dma_start3A_931 = arith.constant 0 : i32
      %dma_start3A_932 = tpu.memref_slice %arg14[%dma_start3A_930, %dma_start3A_931] : memref<2049x128xf32, #tpu.memory_space<vmem_shared>> -> memref<2049x128xf32, #tpu.memory_space<vmem_shared>>
      tpu.enqueue_indirect_dma source(%dma_start3A_932 : memref<2049x128xf32, #tpu.memory_space<vmem_shared>>) target(%arg13 : memref<32x128xf32, #tpu.memory_space<vmem>>) offsets(%dma_start3A_929 : memref<32xi32, #tpu.memory_space<vmem>>) semaphore(%arg16 : memref<!tpu.dma_semaphore, #tpu.memory_space<semaphore_mem>>)
      %dma_wait3A_933 = arith.constant 384 : i32
      %dma_wait3A_934 = tpu.memref_slice %arg11[%dma_wait3A_933] : memref<512xi32, #tpu.memory_space<vmem>> -> memref<32xi32, #tpu.memory_space<vmem>>
      %dma_wait3A_935 = arith.constant 0 : i32
      %dma_wait3A_936 = arith.constant 0 : i32
      %dma_wait3A_937 = tpu.memref_slice %arg14[%dma_wait3A_935, %dma_wait3A_936] : memref<2049x128xf32, #tpu.memory_space<vmem_shared>> -> memref<2049x128xf32, #tpu.memory_space<vmem_shared>>
      tpu.wait_indirect_dma semaphore(%arg15 : memref<!tpu.dma_semaphore, #tpu.memory_space<semaphore_mem>>) src(%dma_wait3A_937 : memref<2049x128xf32, #tpu.memory_space<vmem_shared>>) dst(%arg12 : memref<32x128xf32, #tpu.memory_space<vmem>>)
      %add3A_938 = arith.constant 196608 : i32
      %add3A_939 = arith.addi %add3A_938, %add3A_780 : i32
      "tpu.region"() ({
        %run_scoped3A = tpu.sem_alloc : memref<!tpu.dma_semaphore, #tpu.memory_space<semaphore_mem>>
        %dma_start3A_971 = arith.constant 0 : i32
        %dma_start3A_972 = tpu.memref_slice %arg4[%add3A_939, %dma_start3A_971] : memref<262144x128xf32, #tpu.memory_space<hbm>> -> memref<32x128xf32, #tpu.memory_space<hbm>>
        %dma_start3A_973 = arith.constant 0 : i32
        %dma_start3A_974 = tpu.memref_slice %arg4[%add3A_939, %dma_start3A_973] : memref<262144x128xf32, #tpu.memory_space<hbm>> -> memref<32x128xf32, #tpu.memory_space<hbm>>
        tpu.enqueue_dma source(%arg12 : memref<32x128xf32, #tpu.memory_space<vmem>>) target(%dma_start3A_974 : memref<32x128xf32, #tpu.memory_space<hbm>>) target_semaphore(%run_scoped3A : memref<!tpu.dma_semaphore, #tpu.memory_space<semaphore_mem>>)
        %dma_wait3A_975 = arith.constant 0 : i32
        %dma_wait3A_976 = tpu.memref_slice %arg4[%add3A_939, %dma_wait3A_975] : memref<262144x128xf32, #tpu.memory_space<hbm>> -> memref<32x128xf32, #tpu.memory_space<hbm>>
        %dma_wait3A_977 = arith.constant 0 : i32
        %dma_wait3A_978 = tpu.memref_slice %arg4[%add3A_939, %dma_wait3A_977] : memref<262144x128xf32, #tpu.memory_space<hbm>> -> memref<32x128xf32, #tpu.memory_space<hbm>>
        tpu.wait_dma2 semaphore(%run_scoped3A : memref<!tpu.dma_semaphore, #tpu.memory_space<semaphore_mem>>) src(%arg12 : memref<32x128xf32, #tpu.memory_space<vmem>>) dst(%dma_wait3A_978 : memref<32x128xf32, #tpu.memory_space<hbm>>)
        tpu.yield
      }) : () -> ()
      %dma_start3A_940 = arith.constant 448 : i32
      %dma_start3A_941 = tpu.memref_slice %arg11[%dma_start3A_940] : memref<512xi32, #tpu.memory_space<vmem>> -> memref<32xi32, #tpu.memory_space<vmem>>
      %dma_start3A_942 = arith.constant 0 : i32
      %dma_start3A_943 = arith.constant 0 : i32
      %dma_start3A_944 = tpu.memref_slice %arg14[%dma_start3A_942, %dma_start3A_943] : memref<2049x128xf32, #tpu.memory_space<vmem_shared>> -> memref<2049x128xf32, #tpu.memory_space<vmem_shared>>
      tpu.enqueue_indirect_dma source(%dma_start3A_944 : memref<2049x128xf32, #tpu.memory_space<vmem_shared>>) target(%arg12 : memref<32x128xf32, #tpu.memory_space<vmem>>) offsets(%dma_start3A_941 : memref<32xi32, #tpu.memory_space<vmem>>) semaphore(%arg15 : memref<!tpu.dma_semaphore, #tpu.memory_space<semaphore_mem>>)
      %dma_wait3A_945 = arith.constant 416 : i32
      %dma_wait3A_946 = tpu.memref_slice %arg11[%dma_wait3A_945] : memref<512xi32, #tpu.memory_space<vmem>> -> memref<32xi32, #tpu.memory_space<vmem>>
      %dma_wait3A_947 = arith.constant 0 : i32
      %dma_wait3A_948 = arith.constant 0 : i32
      %dma_wait3A_949 = tpu.memref_slice %arg14[%dma_wait3A_947, %dma_wait3A_948] : memref<2049x128xf32, #tpu.memory_space<vmem_shared>> -> memref<2049x128xf32, #tpu.memory_space<vmem_shared>>
      tpu.wait_indirect_dma semaphore(%arg16 : memref<!tpu.dma_semaphore, #tpu.memory_space<semaphore_mem>>) src(%dma_wait3A_949 : memref<2049x128xf32, #tpu.memory_space<vmem_shared>>) dst(%arg13 : memref<32x128xf32, #tpu.memory_space<vmem>>)
      %add3A_950 = arith.constant 212992 : i32
      %add3A_951 = arith.addi %add3A_950, %add3A_780 : i32
      "tpu.region"() ({
        %run_scoped3A = tpu.sem_alloc : memref<!tpu.dma_semaphore, #tpu.memory_space<semaphore_mem>>
        %dma_start3A_971 = arith.constant 0 : i32
        %dma_start3A_972 = tpu.memref_slice %arg4[%add3A_951, %dma_start3A_971] : memref<262144x128xf32, #tpu.memory_space<hbm>> -> memref<32x128xf32, #tpu.memory_space<hbm>>
        %dma_start3A_973 = arith.constant 0 : i32
        %dma_start3A_974 = tpu.memref_slice %arg4[%add3A_951, %dma_start3A_973] : memref<262144x128xf32, #tpu.memory_space<hbm>> -> memref<32x128xf32, #tpu.memory_space<hbm>>
        tpu.enqueue_dma source(%arg13 : memref<32x128xf32, #tpu.memory_space<vmem>>) target(%dma_start3A_974 : memref<32x128xf32, #tpu.memory_space<hbm>>) target_semaphore(%run_scoped3A : memref<!tpu.dma_semaphore, #tpu.memory_space<semaphore_mem>>)
        %dma_wait3A_975 = arith.constant 0 : i32
        %dma_wait3A_976 = tpu.memref_slice %arg4[%add3A_951, %dma_wait3A_975] : memref<262144x128xf32, #tpu.memory_space<hbm>> -> memref<32x128xf32, #tpu.memory_space<hbm>>
        %dma_wait3A_977 = arith.constant 0 : i32
        %dma_wait3A_978 = tpu.memref_slice %arg4[%add3A_951, %dma_wait3A_977] : memref<262144x128xf32, #tpu.memory_space<hbm>> -> memref<32x128xf32, #tpu.memory_space<hbm>>
        tpu.wait_dma2 semaphore(%run_scoped3A : memref<!tpu.dma_semaphore, #tpu.memory_space<semaphore_mem>>) src(%arg13 : memref<32x128xf32, #tpu.memory_space<vmem>>) dst(%dma_wait3A_978 : memref<32x128xf32, #tpu.memory_space<hbm>>)
        tpu.yield
      }) : () -> ()
      %dma_start3A_952 = arith.constant 480 : i32
      %dma_start3A_953 = tpu.memref_slice %arg11[%dma_start3A_952] : memref<512xi32, #tpu.memory_space<vmem>> -> memref<32xi32, #tpu.memory_space<vmem>>
      %dma_start3A_954 = arith.constant 0 : i32
      %dma_start3A_955 = arith.constant 0 : i32
      %dma_start3A_956 = tpu.memref_slice %arg14[%dma_start3A_954, %dma_start3A_955] : memref<2049x128xf32, #tpu.memory_space<vmem_shared>> -> memref<2049x128xf32, #tpu.memory_space<vmem_shared>>
      tpu.enqueue_indirect_dma source(%dma_start3A_956 : memref<2049x128xf32, #tpu.memory_space<vmem_shared>>) target(%arg13 : memref<32x128xf32, #tpu.memory_space<vmem>>) offsets(%dma_start3A_953 : memref<32xi32, #tpu.memory_space<vmem>>) semaphore(%arg16 : memref<!tpu.dma_semaphore, #tpu.memory_space<semaphore_mem>>)
      %dma_wait3A_957 = arith.constant 448 : i32
      %dma_wait3A_958 = tpu.memref_slice %arg11[%dma_wait3A_957] : memref<512xi32, #tpu.memory_space<vmem>> -> memref<32xi32, #tpu.memory_space<vmem>>
      %dma_wait3A_959 = arith.constant 0 : i32
      %dma_wait3A_960 = arith.constant 0 : i32
      %dma_wait3A_961 = tpu.memref_slice %arg14[%dma_wait3A_959, %dma_wait3A_960] : memref<2049x128xf32, #tpu.memory_space<vmem_shared>> -> memref<2049x128xf32, #tpu.memory_space<vmem_shared>>
      tpu.wait_indirect_dma semaphore(%arg15 : memref<!tpu.dma_semaphore, #tpu.memory_space<semaphore_mem>>) src(%dma_wait3A_961 : memref<2049x128xf32, #tpu.memory_space<vmem_shared>>) dst(%arg12 : memref<32x128xf32, #tpu.memory_space<vmem>>)
      %add3A_962 = arith.constant 229376 : i32
      %add3A_963 = arith.addi %add3A_962, %add3A_780 : i32
      "tpu.region"() ({
        %run_scoped3A = tpu.sem_alloc : memref<!tpu.dma_semaphore, #tpu.memory_space<semaphore_mem>>
        %dma_start3A_971 = arith.constant 0 : i32
        %dma_start3A_972 = tpu.memref_slice %arg4[%add3A_963, %dma_start3A_971] : memref<262144x128xf32, #tpu.memory_space<hbm>> -> memref<32x128xf32, #tpu.memory_space<hbm>>
        %dma_start3A_973 = arith.constant 0 : i32
        %dma_start3A_974 = tpu.memref_slice %arg4[%add3A_963, %dma_start3A_973] : memref<262144x128xf32, #tpu.memory_space<hbm>> -> memref<32x128xf32, #tpu.memory_space<hbm>>
        tpu.enqueue_dma source(%arg12 : memref<32x128xf32, #tpu.memory_space<vmem>>) target(%dma_start3A_974 : memref<32x128xf32, #tpu.memory_space<hbm>>) target_semaphore(%run_scoped3A : memref<!tpu.dma_semaphore, #tpu.memory_space<semaphore_mem>>)
        %dma_wait3A_975 = arith.constant 0 : i32
        %dma_wait3A_976 = tpu.memref_slice %arg4[%add3A_963, %dma_wait3A_975] : memref<262144x128xf32, #tpu.memory_space<hbm>> -> memref<32x128xf32, #tpu.memory_space<hbm>>
        %dma_wait3A_977 = arith.constant 0 : i32
        %dma_wait3A_978 = tpu.memref_slice %arg4[%add3A_963, %dma_wait3A_977] : memref<262144x128xf32, #tpu.memory_space<hbm>> -> memref<32x128xf32, #tpu.memory_space<hbm>>
        tpu.wait_dma2 semaphore(%run_scoped3A : memref<!tpu.dma_semaphore, #tpu.memory_space<semaphore_mem>>) src(%arg12 : memref<32x128xf32, #tpu.memory_space<vmem>>) dst(%dma_wait3A_978 : memref<32x128xf32, #tpu.memory_space<hbm>>)
        tpu.yield
      }) : () -> ()
      %dma_wait3A_964 = arith.constant 480 : i32
      %dma_wait3A_965 = tpu.memref_slice %arg11[%dma_wait3A_964] : memref<512xi32, #tpu.memory_space<vmem>> -> memref<32xi32, #tpu.memory_space<vmem>>
      %dma_wait3A_966 = arith.constant 0 : i32
      %dma_wait3A_967 = arith.constant 0 : i32
      %dma_wait3A_968 = tpu.memref_slice %arg14[%dma_wait3A_966, %dma_wait3A_967] : memref<2049x128xf32, #tpu.memory_space<vmem_shared>> -> memref<2049x128xf32, #tpu.memory_space<vmem_shared>>
      tpu.wait_indirect_dma semaphore(%arg16 : memref<!tpu.dma_semaphore, #tpu.memory_space<semaphore_mem>>) src(%dma_wait3A_968 : memref<2049x128xf32, #tpu.memory_space<vmem_shared>>) dst(%arg13 : memref<32x128xf32, #tpu.memory_space<vmem>>)
      %add3A_969 = arith.constant 245760 : i32
      %add3A_970 = arith.addi %add3A_969, %add3A_780 : i32
      "tpu.region"() ({
        %run_scoped3A = tpu.sem_alloc : memref<!tpu.dma_semaphore, #tpu.memory_space<semaphore_mem>>
        %dma_start3A_971 = arith.constant 0 : i32
        %dma_start3A_972 = tpu.memref_slice %arg4[%add3A_970, %dma_start3A_971] : memref<262144x128xf32, #tpu.memory_space<hbm>> -> memref<32x128xf32, #tpu.memory_space<hbm>>
        %dma_start3A_973 = arith.constant 0 : i32
        %dma_start3A_974 = tpu.memref_slice %arg4[%add3A_970, %dma_start3A_973] : memref<262144x128xf32, #tpu.memory_space<hbm>> -> memref<32x128xf32, #tpu.memory_space<hbm>>
        tpu.enqueue_dma source(%arg13 : memref<32x128xf32, #tpu.memory_space<vmem>>) target(%dma_start3A_974 : memref<32x128xf32, #tpu.memory_space<hbm>>) target_semaphore(%run_scoped3A : memref<!tpu.dma_semaphore, #tpu.memory_space<semaphore_mem>>)
        %dma_wait3A_975 = arith.constant 0 : i32
        %dma_wait3A_976 = tpu.memref_slice %arg4[%add3A_970, %dma_wait3A_975] : memref<262144x128xf32, #tpu.memory_space<hbm>> -> memref<32x128xf32, #tpu.memory_space<hbm>>
        %dma_wait3A_977 = arith.constant 0 : i32
        %dma_wait3A_978 = tpu.memref_slice %arg4[%add3A_970, %dma_wait3A_977] : memref<262144x128xf32, #tpu.memory_space<hbm>> -> memref<32x128xf32, #tpu.memory_space<hbm>>
        tpu.wait_dma2 semaphore(%run_scoped3A : memref<!tpu.dma_semaphore, #tpu.memory_space<semaphore_mem>>) src(%arg13 : memref<32x128xf32, #tpu.memory_space<vmem>>) dst(%dma_wait3A_978 : memref<32x128xf32, #tpu.memory_space<hbm>>)
        tpu.yield
      }) : () -> ()
      "tpu.region"() ({
        %run_scoped3A = tpu.sem_alloc : memref<!tpu.dma_semaphore, #tpu.memory_space<semaphore_mem>>
        %dma_start3A_971 = tpu.memref_slice %arg5[%add3A_780] : memref<16384xf32, #tpu.memory_space<hbm>> -> memref<32xf32, #tpu.memory_space<hbm>>
        %dma_start3A_972 = tpu.memref_slice %arg5[%add3A_780] : memref<16384xf32, #tpu.memory_space<hbm>> -> memref<32xf32, #tpu.memory_space<hbm>>
        tpu.enqueue_dma source(%arg10 : memref<32xf32, #tpu.memory_space<vmem>>) target(%dma_start3A_972 : memref<32xf32, #tpu.memory_space<hbm>>) target_semaphore(%run_scoped3A : memref<!tpu.dma_semaphore, #tpu.memory_space<semaphore_mem>>)
        %dma_wait3A_973 = tpu.memref_slice %arg5[%add3A_780] : memref<16384xf32, #tpu.memory_space<hbm>> -> memref<32xf32, #tpu.memory_space<hbm>>
        %dma_wait3A_974 = tpu.memref_slice %arg5[%add3A_780] : memref<16384xf32, #tpu.memory_space<hbm>> -> memref<32xf32, #tpu.memory_space<hbm>>
        tpu.wait_dma2 semaphore(%run_scoped3A : memref<!tpu.dma_semaphore, #tpu.memory_space<semaphore_mem>>) src(%arg10 : memref<32xf32, #tpu.memory_space<vmem>>) dst(%dma_wait3A_974 : memref<32xf32, #tpu.memory_space<hbm>>)
        tpu.yield
      }) : () -> ()
      "tpu.trace_stop"() : () -> ()
    }
    %scan3A_44 = arith.constant 16 : i32
    return
  }
}

module attributes {stable_mosaic.version = 14 : i64} {
  func.func @_conv1_body(%arg0: i32, %arg1: memref<256x128xf32, #tpu.memory_space<vmem>>, %arg2: memref<16x256x128xf32, #tpu.memory_space<vmem>>, %arg3: memref<256x1xf32, #tpu.memory_space<vmem>>, %arg4: memref<128x256xf32, #tpu.memory_space<vmem>>, %arg5: memref<16x128x256xf32, #tpu.memory_space<vmem>>, %arg6: memref<1x256xf32, #tpu.memory_space<vmem>>, %arg7: memref<256x256xf32, #tpu.memory_space<vmem>>, %arg8: memref<2x256xf32, #tpu.memory_space<vmem>>, %arg9: memref<2x256xf32, #tpu.memory_space<vmem>>) attributes {dimension_semantics = [#tpu.dimension_semantics<arbitrary>], iteration_bounds = array<i64: 64>, scalar_prefetch = 0 : i64, scratch_operands = 1 : i64, tpu.core_type = #tpu.core_type<tc>, window_params = [{transform_indices = @transform_0, window_bounds = array<i64: 256, 128>}, {transform_indices = @transform_1, window_bounds = array<i64: 16, 256, 128>}, {transform_indices = @transform_2, window_bounds = array<i64: 256, 1>}, {pipeline_mode = #tpu.pipeline_mode<synchronous>, transform_indices = @transform_3, window_bounds = array<i64: 128, 256>}, {pipeline_mode = #tpu.pipeline_mode<synchronous>, transform_indices = @transform_4, window_bounds = array<i64: 16, 128, 256>}, {pipeline_mode = #tpu.pipeline_mode<synchronous>, transform_indices = @transform_5, window_bounds = array<i64: 1, 256>}, {transform_indices = @transform_6, window_bounds = array<i64: 256, 256>}, {pipeline_mode = #tpu.pipeline_mode<synchronous>, transform_indices = @transform_7, window_bounds = array<i64: 2, 256>}]} {
    %eq3A = arith.constant 0 : i32
    %eq3A_0 = arith.cmpi eq, %arg0, %eq3A : i32
    %convert_element_type3A = arith.extui %eq3A_0 : i1 to i32
    %cond3A = arith.constant 0 : i32
    %cond3A_1 = arith.cmpi ne, %convert_element_type3A, %cond3A : i32
    scf.if %cond3A_1 {
      %broadcast_in_dim3A = arith.constant 0.000000e+00 : f32
      %broadcast_in_dim3A_255 = vector.broadcast %broadcast_in_dim3A : f32 to vector<2x256xf32>
      %swap3A_256 = arith.constant 0 : index
      %swap3A_257 = arith.constant 0 : index
      %swap3A_258 = vector.load %arg9[%swap3A_256, %swap3A_257] : memref<2x256xf32, #tpu.memory_space<vmem>>, vector<2x256xf32>
      tpu.vector_store %arg9[%swap3A_256, %swap3A_257], %broadcast_in_dim3A_255 {strides = array<i32>} : memref<2x256xf32, #tpu.memory_space<vmem>>, vector<2x256xf32>,
    } else {
    }
    %get3A = arith.constant 0 : index
    %get3A_2 = arith.constant 0 : index
    %get3A_3 = vector.load %arg1[%get3A, %get3A_2] : memref<256x128xf32, #tpu.memory_space<vmem>>, vector<256x128xf32>
    %get3A_4 = arith.constant 0 : index
    %get3A_5 = arith.constant 0 : index
    %get3A_6 = vector.load %arg4[%get3A_4, %get3A_5] : memref<128x256xf32, #tpu.memory_space<vmem>>, vector<128x256xf32>
    %dot_general3A = arith.constant dense<0.000000e+00> : vector<256x256xf32>
    %dot_general3A_7 = tpu.matmul %get3A_3, %get3A_6, %dot_general3A {dimension_numbers = #tpu.dot_dimension_numbers<[1], [0], [0], [1], [0, 0, 1, 1], [], []>, transpose_lhs_hint = false} : vector<256x128xf32>, vector<128x256xf32>, vector<256x256xf32> -> vector<256x256xf32>
    %get3A_8 = arith.constant 0 : index
    %get3A_9 = arith.constant 0 : index
    %get3A_10 = arith.constant 0 : index
    %get3A_11 = vector.load %arg2[%get3A_8, %get3A_9, %get3A_10] : memref<16x256x128xf32, #tpu.memory_space<vmem>>, vector<1x256x128xf32>
    %get3A_12 = vector.shape_cast %get3A_11 : vector<1x256x128xf32> to vector<256x128xf32>
    %get3A_13 = arith.constant 0 : index
    %get3A_14 = arith.constant 0 : index
    %get3A_15 = vector.load %arg3[%get3A_13, %get3A_14] : memref<256x1xf32, #tpu.memory_space<vmem>>, vector<256x1xf32>
    %mul3A = vector.broadcast %get3A_15 : vector<256x1xf32> to vector<256x128xf32>
    %mul3A_16 = arith.mulf %get3A_12, %mul3A : vector<256x128xf32>
    %get3A_17 = arith.constant 0 : index
    %get3A_18 = arith.constant 0 : index
    %get3A_19 = arith.constant 0 : index
    %get3A_20 = vector.load %arg5[%get3A_17, %get3A_18, %get3A_19] : memref<16x128x256xf32, #tpu.memory_space<vmem>>, vector<1x128x256xf32>
    %get3A_21 = vector.shape_cast %get3A_20 : vector<1x128x256xf32> to vector<128x256xf32>
    %dot_general3A_22 = arith.constant dense<0.000000e+00> : vector<256x256xf32>
    %dot_general3A_23 = tpu.matmul %mul3A_16, %get3A_21, %dot_general3A_22 {dimension_numbers = #tpu.dot_dimension_numbers<[1], [0], [0], [1], [0, 0, 1, 1], [], []>, transpose_lhs_hint = false} : vector<256x128xf32>, vector<128x256xf32>, vector<256x256xf32> -> vector<256x256xf32>
    %add3A = arith.addf %dot_general3A_7, %dot_general3A_23 : vector<256x256xf32>
    %get3A_24 = arith.constant 1 : index
    %get3A_25 = arith.constant 0 : index
    %get3A_26 = arith.constant 0 : index
    %get3A_27 = vector.load %arg2[%get3A_24, %get3A_25, %get3A_26] : memref<16x256x128xf32, #tpu.memory_space<vmem>>, vector<1x256x128xf32>
    %get3A_28 = vector.shape_cast %get3A_27 : vector<1x256x128xf32> to vector<256x128xf32>
    %get3A_29 = arith.constant 1 : index
    %get3A_30 = arith.constant 0 : index
    %get3A_31 = arith.constant 0 : index
    %get3A_32 = vector.load %arg5[%get3A_29, %get3A_30, %get3A_31] : memref<16x128x256xf32, #tpu.memory_space<vmem>>, vector<1x128x256xf32>
    %get3A_33 = vector.shape_cast %get3A_32 : vector<1x128x256xf32> to vector<128x256xf32>
    %dot_general3A_34 = arith.constant dense<0.000000e+00> : vector<256x256xf32>
    %dot_general3A_35 = tpu.matmul %get3A_28, %get3A_33, %dot_general3A_34 {dimension_numbers = #tpu.dot_dimension_numbers<[1], [0], [0], [1], [0, 0, 1, 1], [], []>, transpose_lhs_hint = false} : vector<256x128xf32>, vector<128x256xf32>, vector<256x256xf32> -> vector<256x256xf32>
    %add3A_36 = arith.addf %add3A, %dot_general3A_35 : vector<256x256xf32>
    %get3A_37 = arith.constant 2 : index
    %get3A_38 = arith.constant 0 : index
    %get3A_39 = arith.constant 0 : index
    %get3A_40 = vector.load %arg2[%get3A_37, %get3A_38, %get3A_39] : memref<16x256x128xf32, #tpu.memory_space<vmem>>, vector<1x256x128xf32>
    %get3A_41 = vector.shape_cast %get3A_40 : vector<1x256x128xf32> to vector<256x128xf32>
    %get3A_42 = arith.constant 2 : index
    %get3A_43 = arith.constant 0 : index
    %get3A_44 = arith.constant 0 : index
    %get3A_45 = vector.load %arg5[%get3A_42, %get3A_43, %get3A_44] : memref<16x128x256xf32, #tpu.memory_space<vmem>>, vector<1x128x256xf32>
    %get3A_46 = vector.shape_cast %get3A_45 : vector<1x128x256xf32> to vector<128x256xf32>
    %dot_general3A_47 = arith.constant dense<0.000000e+00> : vector<256x256xf32>
    %dot_general3A_48 = tpu.matmul %get3A_41, %get3A_46, %dot_general3A_47 {dimension_numbers = #tpu.dot_dimension_numbers<[1], [0], [0], [1], [0, 0, 1, 1], [], []>, transpose_lhs_hint = false} : vector<256x128xf32>, vector<128x256xf32>, vector<256x256xf32> -> vector<256x256xf32>
    %add3A_49 = arith.addf %add3A_36, %dot_general3A_48 : vector<256x256xf32>
    %get3A_50 = arith.constant 3 : index
    %get3A_51 = arith.constant 0 : index
    %get3A_52 = arith.constant 0 : index
    %get3A_53 = vector.load %arg2[%get3A_50, %get3A_51, %get3A_52] : memref<16x256x128xf32, #tpu.memory_space<vmem>>, vector<1x256x128xf32>
    %get3A_54 = vector.shape_cast %get3A_53 : vector<1x256x128xf32> to vector<256x128xf32>
    %get3A_55 = arith.constant 3 : index
    %get3A_56 = arith.constant 0 : index
    %get3A_57 = arith.constant 0 : index
    %get3A_58 = vector.load %arg5[%get3A_55, %get3A_56, %get3A_57] : memref<16x128x256xf32, #tpu.memory_space<vmem>>, vector<1x128x256xf32>
    %get3A_59 = vector.shape_cast %get3A_58 : vector<1x128x256xf32> to vector<128x256xf32>
    %dot_general3A_60 = arith.constant dense<0.000000e+00> : vector<256x256xf32>
    %dot_general3A_61 = tpu.matmul %get3A_54, %get3A_59, %dot_general3A_60 {dimension_numbers = #tpu.dot_dimension_numbers<[1], [0], [0], [1], [0, 0, 1, 1], [], []>, transpose_lhs_hint = false} : vector<256x128xf32>, vector<128x256xf32>, vector<256x256xf32> -> vector<256x256xf32>
    %add3A_62 = arith.addf %add3A_49, %dot_general3A_61 : vector<256x256xf32>
    %get3A_63 = arith.constant 4 : index
    %get3A_64 = arith.constant 0 : index
    %get3A_65 = arith.constant 0 : index
    %get3A_66 = vector.load %arg2[%get3A_63, %get3A_64, %get3A_65] : memref<16x256x128xf32, #tpu.memory_space<vmem>>, vector<1x256x128xf32>
    %get3A_67 = vector.shape_cast %get3A_66 : vector<1x256x128xf32> to vector<256x128xf32>
    %get3A_68 = arith.constant 4 : index
    %get3A_69 = arith.constant 0 : index
    %get3A_70 = arith.constant 0 : index
    %get3A_71 = vector.load %arg5[%get3A_68, %get3A_69, %get3A_70] : memref<16x128x256xf32, #tpu.memory_space<vmem>>, vector<1x128x256xf32>
    %get3A_72 = vector.shape_cast %get3A_71 : vector<1x128x256xf32> to vector<128x256xf32>
    %dot_general3A_73 = arith.constant dense<0.000000e+00> : vector<256x256xf32>
    %dot_general3A_74 = tpu.matmul %get3A_67, %get3A_72, %dot_general3A_73 {dimension_numbers = #tpu.dot_dimension_numbers<[1], [0], [0], [1], [0, 0, 1, 1], [], []>, transpose_lhs_hint = false} : vector<256x128xf32>, vector<128x256xf32>, vector<256x256xf32> -> vector<256x256xf32>
    %add3A_75 = arith.addf %add3A_62, %dot_general3A_74 : vector<256x256xf32>
    %get3A_76 = arith.constant 5 : index
    %get3A_77 = arith.constant 0 : index
    %get3A_78 = arith.constant 0 : index
    %get3A_79 = vector.load %arg2[%get3A_76, %get3A_77, %get3A_78] : memref<16x256x128xf32, #tpu.memory_space<vmem>>, vector<1x256x128xf32>
    %get3A_80 = vector.shape_cast %get3A_79 : vector<1x256x128xf32> to vector<256x128xf32>
    %get3A_81 = arith.constant 5 : index
    %get3A_82 = arith.constant 0 : index
    %get3A_83 = arith.constant 0 : index
    %get3A_84 = vector.load %arg5[%get3A_81, %get3A_82, %get3A_83] : memref<16x128x256xf32, #tpu.memory_space<vmem>>, vector<1x128x256xf32>
    %get3A_85 = vector.shape_cast %get3A_84 : vector<1x128x256xf32> to vector<128x256xf32>
    %dot_general3A_86 = arith.constant dense<0.000000e+00> : vector<256x256xf32>
    %dot_general3A_87 = tpu.matmul %get3A_80, %get3A_85, %dot_general3A_86 {dimension_numbers = #tpu.dot_dimension_numbers<[1], [0], [0], [1], [0, 0, 1, 1], [], []>, transpose_lhs_hint = false} : vector<256x128xf32>, vector<128x256xf32>, vector<256x256xf32> -> vector<256x256xf32>
    %add3A_88 = arith.addf %add3A_75, %dot_general3A_87 : vector<256x256xf32>
    %get3A_89 = arith.constant 6 : index
    %get3A_90 = arith.constant 0 : index
    %get3A_91 = arith.constant 0 : index
    %get3A_92 = vector.load %arg2[%get3A_89, %get3A_90, %get3A_91] : memref<16x256x128xf32, #tpu.memory_space<vmem>>, vector<1x256x128xf32>
    %get3A_93 = vector.shape_cast %get3A_92 : vector<1x256x128xf32> to vector<256x128xf32>
    %get3A_94 = arith.constant 6 : index
    %get3A_95 = arith.constant 0 : index
    %get3A_96 = arith.constant 0 : index
    %get3A_97 = vector.load %arg5[%get3A_94, %get3A_95, %get3A_96] : memref<16x128x256xf32, #tpu.memory_space<vmem>>, vector<1x128x256xf32>
    %get3A_98 = vector.shape_cast %get3A_97 : vector<1x128x256xf32> to vector<128x256xf32>
    %dot_general3A_99 = arith.constant dense<0.000000e+00> : vector<256x256xf32>
    %dot_general3A_100 = tpu.matmul %get3A_93, %get3A_98, %dot_general3A_99 {dimension_numbers = #tpu.dot_dimension_numbers<[1], [0], [0], [1], [0, 0, 1, 1], [], []>, transpose_lhs_hint = false} : vector<256x128xf32>, vector<128x256xf32>, vector<256x256xf32> -> vector<256x256xf32>
    %add3A_101 = arith.addf %add3A_88, %dot_general3A_100 : vector<256x256xf32>
    %get3A_102 = arith.constant 7 : index
    %get3A_103 = arith.constant 0 : index
    %get3A_104 = arith.constant 0 : index
    %get3A_105 = vector.load %arg2[%get3A_102, %get3A_103, %get3A_104] : memref<16x256x128xf32, #tpu.memory_space<vmem>>, vector<1x256x128xf32>
    %get3A_106 = vector.shape_cast %get3A_105 : vector<1x256x128xf32> to vector<256x128xf32>
    %get3A_107 = arith.constant 7 : index
    %get3A_108 = arith.constant 0 : index
    %get3A_109 = arith.constant 0 : index
    %get3A_110 = vector.load %arg5[%get3A_107, %get3A_108, %get3A_109] : memref<16x128x256xf32, #tpu.memory_space<vmem>>, vector<1x128x256xf32>
    %get3A_111 = vector.shape_cast %get3A_110 : vector<1x128x256xf32> to vector<128x256xf32>
    %dot_general3A_112 = arith.constant dense<0.000000e+00> : vector<256x256xf32>
    %dot_general3A_113 = tpu.matmul %get3A_106, %get3A_111, %dot_general3A_112 {dimension_numbers = #tpu.dot_dimension_numbers<[1], [0], [0], [1], [0, 0, 1, 1], [], []>, transpose_lhs_hint = false} : vector<256x128xf32>, vector<128x256xf32>, vector<256x256xf32> -> vector<256x256xf32>
    %add3A_114 = arith.addf %add3A_101, %dot_general3A_113 : vector<256x256xf32>
    %get3A_115 = arith.constant 8 : index
    %get3A_116 = arith.constant 0 : index
    %get3A_117 = arith.constant 0 : index
    %get3A_118 = vector.load %arg2[%get3A_115, %get3A_116, %get3A_117] : memref<16x256x128xf32, #tpu.memory_space<vmem>>, vector<1x256x128xf32>
    %get3A_119 = vector.shape_cast %get3A_118 : vector<1x256x128xf32> to vector<256x128xf32>
    %get3A_120 = arith.constant 8 : index
    %get3A_121 = arith.constant 0 : index
    %get3A_122 = arith.constant 0 : index
    %get3A_123 = vector.load %arg5[%get3A_120, %get3A_121, %get3A_122] : memref<16x128x256xf32, #tpu.memory_space<vmem>>, vector<1x128x256xf32>
    %get3A_124 = vector.shape_cast %get3A_123 : vector<1x128x256xf32> to vector<128x256xf32>
    %dot_general3A_125 = arith.constant dense<0.000000e+00> : vector<256x256xf32>
    %dot_general3A_126 = tpu.matmul %get3A_119, %get3A_124, %dot_general3A_125 {dimension_numbers = #tpu.dot_dimension_numbers<[1], [0], [0], [1], [0, 0, 1, 1], [], []>, transpose_lhs_hint = false} : vector<256x128xf32>, vector<128x256xf32>, vector<256x256xf32> -> vector<256x256xf32>
    %add3A_127 = arith.addf %add3A_114, %dot_general3A_126 : vector<256x256xf32>
    %get3A_128 = arith.constant 9 : index
    %get3A_129 = arith.constant 0 : index
    %get3A_130 = arith.constant 0 : index
    %get3A_131 = vector.load %arg2[%get3A_128, %get3A_129, %get3A_130] : memref<16x256x128xf32, #tpu.memory_space<vmem>>, vector<1x256x128xf32>
    %get3A_132 = vector.shape_cast %get3A_131 : vector<1x256x128xf32> to vector<256x128xf32>
    %get3A_133 = arith.constant 9 : index
    %get3A_134 = arith.constant 0 : index
    %get3A_135 = arith.constant 0 : index
    %get3A_136 = vector.load %arg5[%get3A_133, %get3A_134, %get3A_135] : memref<16x128x256xf32, #tpu.memory_space<vmem>>, vector<1x128x256xf32>
    %get3A_137 = vector.shape_cast %get3A_136 : vector<1x128x256xf32> to vector<128x256xf32>
    %dot_general3A_138 = arith.constant dense<0.000000e+00> : vector<256x256xf32>
    %dot_general3A_139 = tpu.matmul %get3A_132, %get3A_137, %dot_general3A_138 {dimension_numbers = #tpu.dot_dimension_numbers<[1], [0], [0], [1], [0, 0, 1, 1], [], []>, transpose_lhs_hint = false} : vector<256x128xf32>, vector<128x256xf32>, vector<256x256xf32> -> vector<256x256xf32>
    %add3A_140 = arith.addf %add3A_127, %dot_general3A_139 : vector<256x256xf32>
    %get3A_141 = arith.constant 10 : index
    %get3A_142 = arith.constant 0 : index
    %get3A_143 = arith.constant 0 : index
    %get3A_144 = vector.load %arg2[%get3A_141, %get3A_142, %get3A_143] : memref<16x256x128xf32, #tpu.memory_space<vmem>>, vector<1x256x128xf32>
    %get3A_145 = vector.shape_cast %get3A_144 : vector<1x256x128xf32> to vector<256x128xf32>
    %get3A_146 = arith.constant 10 : index
    %get3A_147 = arith.constant 0 : index
    %get3A_148 = arith.constant 0 : index
    %get3A_149 = vector.load %arg5[%get3A_146, %get3A_147, %get3A_148] : memref<16x128x256xf32, #tpu.memory_space<vmem>>, vector<1x128x256xf32>
    %get3A_150 = vector.shape_cast %get3A_149 : vector<1x128x256xf32> to vector<128x256xf32>
    %dot_general3A_151 = arith.constant dense<0.000000e+00> : vector<256x256xf32>
    %dot_general3A_152 = tpu.matmul %get3A_145, %get3A_150, %dot_general3A_151 {dimension_numbers = #tpu.dot_dimension_numbers<[1], [0], [0], [1], [0, 0, 1, 1], [], []>, transpose_lhs_hint = false} : vector<256x128xf32>, vector<128x256xf32>, vector<256x256xf32> -> vector<256x256xf32>
    %add3A_153 = arith.addf %add3A_140, %dot_general3A_152 : vector<256x256xf32>
    %get3A_154 = arith.constant 11 : index
    %get3A_155 = arith.constant 0 : index
    %get3A_156 = arith.constant 0 : index
    %get3A_157 = vector.load %arg2[%get3A_154, %get3A_155, %get3A_156] : memref<16x256x128xf32, #tpu.memory_space<vmem>>, vector<1x256x128xf32>
    %get3A_158 = vector.shape_cast %get3A_157 : vector<1x256x128xf32> to vector<256x128xf32>
    %get3A_159 = arith.constant 11 : index
    %get3A_160 = arith.constant 0 : index
    %get3A_161 = arith.constant 0 : index
    %get3A_162 = vector.load %arg5[%get3A_159, %get3A_160, %get3A_161] : memref<16x128x256xf32, #tpu.memory_space<vmem>>, vector<1x128x256xf32>
    %get3A_163 = vector.shape_cast %get3A_162 : vector<1x128x256xf32> to vector<128x256xf32>
    %dot_general3A_164 = arith.constant dense<0.000000e+00> : vector<256x256xf32>
    %dot_general3A_165 = tpu.matmul %get3A_158, %get3A_163, %dot_general3A_164 {dimension_numbers = #tpu.dot_dimension_numbers<[1], [0], [0], [1], [0, 0, 1, 1], [], []>, transpose_lhs_hint = false} : vector<256x128xf32>, vector<128x256xf32>, vector<256x256xf32> -> vector<256x256xf32>
    %add3A_166 = arith.addf %add3A_153, %dot_general3A_165 : vector<256x256xf32>
    %get3A_167 = arith.constant 12 : index
    %get3A_168 = arith.constant 0 : index
    %get3A_169 = arith.constant 0 : index
    %get3A_170 = vector.load %arg2[%get3A_167, %get3A_168, %get3A_169] : memref<16x256x128xf32, #tpu.memory_space<vmem>>, vector<1x256x128xf32>
    %get3A_171 = vector.shape_cast %get3A_170 : vector<1x256x128xf32> to vector<256x128xf32>
    %get3A_172 = arith.constant 12 : index
    %get3A_173 = arith.constant 0 : index
    %get3A_174 = arith.constant 0 : index
    %get3A_175 = vector.load %arg5[%get3A_172, %get3A_173, %get3A_174] : memref<16x128x256xf32, #tpu.memory_space<vmem>>, vector<1x128x256xf32>
    %get3A_176 = vector.shape_cast %get3A_175 : vector<1x128x256xf32> to vector<128x256xf32>
    %dot_general3A_177 = arith.constant dense<0.000000e+00> : vector<256x256xf32>
    %dot_general3A_178 = tpu.matmul %get3A_171, %get3A_176, %dot_general3A_177 {dimension_numbers = #tpu.dot_dimension_numbers<[1], [0], [0], [1], [0, 0, 1, 1], [], []>, transpose_lhs_hint = false} : vector<256x128xf32>, vector<128x256xf32>, vector<256x256xf32> -> vector<256x256xf32>
    %add3A_179 = arith.addf %add3A_166, %dot_general3A_178 : vector<256x256xf32>
    %get3A_180 = arith.constant 13 : index
    %get3A_181 = arith.constant 0 : index
    %get3A_182 = arith.constant 0 : index
    %get3A_183 = vector.load %arg2[%get3A_180, %get3A_181, %get3A_182] : memref<16x256x128xf32, #tpu.memory_space<vmem>>, vector<1x256x128xf32>
    %get3A_184 = vector.shape_cast %get3A_183 : vector<1x256x128xf32> to vector<256x128xf32>
    %get3A_185 = arith.constant 13 : index
    %get3A_186 = arith.constant 0 : index
    %get3A_187 = arith.constant 0 : index
    %get3A_188 = vector.load %arg5[%get3A_185, %get3A_186, %get3A_187] : memref<16x128x256xf32, #tpu.memory_space<vmem>>, vector<1x128x256xf32>
    %get3A_189 = vector.shape_cast %get3A_188 : vector<1x128x256xf32> to vector<128x256xf32>
    %dot_general3A_190 = arith.constant dense<0.000000e+00> : vector<256x256xf32>
    %dot_general3A_191 = tpu.matmul %get3A_184, %get3A_189, %dot_general3A_190 {dimension_numbers = #tpu.dot_dimension_numbers<[1], [0], [0], [1], [0, 0, 1, 1], [], []>, transpose_lhs_hint = false} : vector<256x128xf32>, vector<128x256xf32>, vector<256x256xf32> -> vector<256x256xf32>
    %add3A_192 = arith.addf %add3A_179, %dot_general3A_191 : vector<256x256xf32>
    %get3A_193 = arith.constant 14 : index
    %get3A_194 = arith.constant 0 : index
    %get3A_195 = arith.constant 0 : index
    %get3A_196 = vector.load %arg2[%get3A_193, %get3A_194, %get3A_195] : memref<16x256x128xf32, #tpu.memory_space<vmem>>, vector<1x256x128xf32>
    %get3A_197 = vector.shape_cast %get3A_196 : vector<1x256x128xf32> to vector<256x128xf32>
    %get3A_198 = arith.constant 14 : index
    %get3A_199 = arith.constant 0 : index
    %get3A_200 = arith.constant 0 : index
    %get3A_201 = vector.load %arg5[%get3A_198, %get3A_199, %get3A_200] : memref<16x128x256xf32, #tpu.memory_space<vmem>>, vector<1x128x256xf32>
    %get3A_202 = vector.shape_cast %get3A_201 : vector<1x128x256xf32> to vector<128x256xf32>
    %dot_general3A_203 = arith.constant dense<0.000000e+00> : vector<256x256xf32>
    %dot_general3A_204 = tpu.matmul %get3A_197, %get3A_202, %dot_general3A_203 {dimension_numbers = #tpu.dot_dimension_numbers<[1], [0], [0], [1], [0, 0, 1, 1], [], []>, transpose_lhs_hint = false} : vector<256x128xf32>, vector<128x256xf32>, vector<256x256xf32> -> vector<256x256xf32>
    %add3A_205 = arith.addf %add3A_192, %dot_general3A_204 : vector<256x256xf32>
    %get3A_206 = arith.constant 15 : index
    %get3A_207 = arith.constant 0 : index
    %get3A_208 = arith.constant 0 : index
    %get3A_209 = vector.load %arg2[%get3A_206, %get3A_207, %get3A_208] : memref<16x256x128xf32, #tpu.memory_space<vmem>>, vector<1x256x128xf32>
    %get3A_210 = vector.shape_cast %get3A_209 : vector<1x256x128xf32> to vector<256x128xf32>
    %get3A_211 = arith.constant 15 : index
    %get3A_212 = arith.constant 0 : index
    %get3A_213 = arith.constant 0 : index
    %get3A_214 = vector.load %arg5[%get3A_211, %get3A_212, %get3A_213] : memref<16x128x256xf32, #tpu.memory_space<vmem>>, vector<1x128x256xf32>
    %get3A_215 = vector.shape_cast %get3A_214 : vector<1x128x256xf32> to vector<128x256xf32>
    %dot_general3A_216 = arith.constant dense<0.000000e+00> : vector<256x256xf32>
    %dot_general3A_217 = tpu.matmul %get3A_210, %get3A_215, %dot_general3A_216 {dimension_numbers = #tpu.dot_dimension_numbers<[1], [0], [0], [1], [0, 0, 1, 1], [], []>, transpose_lhs_hint = false} : vector<256x128xf32>, vector<128x256xf32>, vector<256x256xf32> -> vector<256x256xf32>
    %add3A_218 = arith.addf %add3A_205, %dot_general3A_217 : vector<256x256xf32>
    %get3A_219 = arith.constant 0 : index
    %get3A_220 = arith.constant 0 : index
    %get3A_221 = vector.load %arg6[%get3A_219, %get3A_220] : memref<1x256xf32, #tpu.memory_space<vmem>>, vector<1x256xf32>
    %add3A_222 = vector.broadcast %get3A_221 : vector<1x256xf32> to vector<256x256xf32>
    %add3A_223 = arith.addf %add3A_218, %add3A_222 : vector<256x256xf32>
    %swap3A = arith.constant 0 : index
    %swap3A_224 = arith.constant 0 : index
    %swap3A_225 = vector.load %arg7[%swap3A, %swap3A_224] : memref<256x256xf32, #tpu.memory_space<vmem>>, vector<256x256xf32>
    tpu.vector_store %arg7[%swap3A, %swap3A_224], %add3A_223 {strides = array<i32>} : memref<256x256xf32, #tpu.memory_space<vmem>>, vector<256x256xf32>,
    %get3A_226 = arith.constant 0 : index
    %get3A_227 = arith.constant 0 : index
    %get3A_228 = vector.load %arg9[%get3A_226, %get3A_227] : memref<2x256xf32, #tpu.memory_space<vmem>>, vector<1x256xf32>
    %get3A_229 = vector.shape_cast %get3A_228 : vector<1x256xf32> to vector<256xf32>
    %reduce_sum3A = arith.constant dense<0.000000e+00> : vector<256xf32>
    %reduce_sum3A_230 = vector.multi_reduction <add>, %add3A_223, %reduce_sum3A [0] : vector<256x256xf32> to vector<256xf32>
    %add3A_231 = arith.addf %get3A_229, %reduce_sum3A_230 : vector<256xf32>
    %swap3A_232 = arith.constant 0 : index
    %swap3A_233 = arith.constant 0 : index
    %swap3A_234 = vector.load %arg9[%swap3A_232, %swap3A_233] : memref<2x256xf32, #tpu.memory_space<vmem>>, vector<1x256xf32>
    %swap3A_235 = vector.shape_cast %swap3A_234 : vector<1x256xf32> to vector<256xf32>
    %swap3A_236 = vector.shape_cast %add3A_231 : vector<256xf32> to vector<1x256xf32>
    tpu.vector_store %arg9[%swap3A_232, %swap3A_233], %swap3A_236 {strides = array<i32>} : memref<2x256xf32, #tpu.memory_space<vmem>>, vector<1x256xf32>,
    %get3A_237 = arith.constant 1 : index
    %get3A_238 = arith.constant 0 : index
    %get3A_239 = vector.load %arg9[%get3A_237, %get3A_238] : memref<2x256xf32, #tpu.memory_space<vmem>>, vector<1x256xf32>
    %get3A_240 = vector.shape_cast %get3A_239 : vector<1x256xf32> to vector<256xf32>
    %mul3A_241 = arith.mulf %add3A_223, %add3A_223 : vector<256x256xf32>
    %reduce_sum3A_242 = arith.constant dense<0.000000e+00> : vector<256xf32>
    %reduce_sum3A_243 = vector.multi_reduction <add>, %mul3A_241, %reduce_sum3A_242 [0] : vector<256x256xf32> to vector<256xf32>
    %add3A_244 = arith.addf %get3A_240, %reduce_sum3A_243 : vector<256xf32>
    %swap3A_245 = arith.constant 1 : index
    %swap3A_246 = arith.constant 0 : index
    %swap3A_247 = vector.load %arg9[%swap3A_245, %swap3A_246] : memref<2x256xf32, #tpu.memory_space<vmem>>, vector<1x256xf32>
    %swap3A_248 = vector.shape_cast %swap3A_247 : vector<1x256xf32> to vector<256xf32>
    %swap3A_249 = vector.shape_cast %add3A_244 : vector<256xf32> to vector<1x256xf32>
    tpu.vector_store %arg9[%swap3A_245, %swap3A_246], %swap3A_249 {strides = array<i32>} : memref<2x256xf32, #tpu.memory_space<vmem>>, vector<1x256xf32>,
    %eq3A_250 = arith.constant 63 : i32
    %eq3A_251 = arith.cmpi eq, %arg0, %eq3A_250 : i32
    %convert_element_type3A_252 = arith.extui %eq3A_251 : i1 to i32
    %cond3A_253 = arith.constant 0 : i32
    %cond3A_254 = arith.cmpi ne, %convert_element_type3A_252, %cond3A_253 : i32
    scf.if %cond3A_254 {
      %get3A_255 = arith.constant 0 : index
      %get3A_256 = arith.constant 0 : index
      %get3A_257 = vector.load %arg9[%get3A_255, %get3A_256] : memref<2x256xf32, #tpu.memory_space<vmem>>, vector<2x256xf32>
      %swap3A_258 = arith.constant 0 : index
      %swap3A_259 = arith.constant 0 : index
      %swap3A_260 = vector.load %arg8[%swap3A_258, %swap3A_259] : memref<2x256xf32, #tpu.memory_space<vmem>>, vector<2x256xf32>
      tpu.vector_store %arg8[%swap3A_258, %swap3A_259], %get3A_257 {strides = array<i32>} : memref<2x256xf32, #tpu.memory_space<vmem>>, vector<2x256xf32>,
    } else {
    }
    return
  }
  func.func @transform_0(%arg0: i32) -> (i32, i32) {
    %c0_i32 = arith.constant 0 : i32
    %c0_i32_0 = arith.constant 0 : i32
    return %arg0, %c0_i32 : i32, i32
  }
  func.func @transform_1(%arg0: i32) -> (i32, i32, i32) {
    %c0_i32 = arith.constant 0 : i32
    %c0_i32_0 = arith.constant 0 : i32
    %c0_i32_1 = arith.constant 0 : i32
    return %c0_i32, %arg0, %c0_i32_0 : i32, i32, i32
  }
  func.func @transform_2(%arg0: i32) -> (i32, i32) {
    %c0_i32 = arith.constant 0 : i32
    %c0_i32_0 = arith.constant 0 : i32
    return %arg0, %c0_i32 : i32, i32
  }
  func.func @transform_3(%arg0: i32) -> (i32, i32) {
    %c0_i32 = arith.constant 0 : i32
    %c0_i32_0 = arith.constant 0 : i32
    %c0_i32_1 = arith.constant 0 : i32
    return %c0_i32, %c0_i32_0 : i32, i32
  }
  func.func @transform_4(%arg0: i32) -> (i32, i32, i32) {
    %c0_i32 = arith.constant 0 : i32
    %c0_i32_0 = arith.constant 0 : i32
    %c0_i32_1 = arith.constant 0 : i32
    %c0_i32_2 = arith.constant 0 : i32
    return %c0_i32, %c0_i32_0, %c0_i32_1 : i32, i32, i32
  }
  func.func @transform_5(%arg0: i32) -> (i32, i32) {
    %c0_i32 = arith.constant 0 : i32
    %c0_i32_0 = arith.constant 0 : i32
    %c0_i32_1 = arith.constant 0 : i32
    return %c0_i32, %c0_i32_0 : i32, i32
  }
  func.func @transform_6(%arg0: i32) -> (i32, i32) {
    %c0_i32 = arith.constant 0 : i32
    %c0_i32_0 = arith.constant 0 : i32
    return %arg0, %c0_i32 : i32, i32
  }
  func.func @transform_7(%arg0: i32) -> (i32, i32) {
    %c0_i32 = arith.constant 0 : i32
    %c0_i32_0 = arith.constant 0 : i32
    %c0_i32_1 = arith.constant 0 : i32
    return %c0_i32, %c0_i32_0 : i32, i32
  }
}

module attributes {stable_mosaic.version = 14 : i64} {
  func.func @_bn_pool_body(%arg0: i32, %arg1: memref<256x256xf32, #tpu.memory_space<vmem>>, %arg2: memref<1x256xf32, #tpu.memory_space<vmem>>, %arg3: memref<1x256xf32, #tpu.memory_space<vmem>>, %arg4: memref<256x16xf32, #tpu.memory_space<vmem>>, %arg5: memref<17x16xf32, #tpu.memory_space<vmem>>, %arg6: memref<17x16xf32, #tpu.memory_space<vmem>>) attributes {dimension_semantics = [#tpu.dimension_semantics<arbitrary>], iteration_bounds = array<i64: 64>, scalar_prefetch = 0 : i64, scratch_operands = 1 : i64, tpu.core_type = #tpu.core_type<tc>, window_params = [{transform_indices = @transform_0, window_bounds = array<i64: 256, 256>}, {pipeline_mode = #tpu.pipeline_mode<synchronous>, transform_indices = @transform_1, window_bounds = array<i64: 1, 256>}, {pipeline_mode = #tpu.pipeline_mode<synchronous>, transform_indices = @transform_2, window_bounds = array<i64: 1, 256>}, {transform_indices = @transform_3, window_bounds = array<i64: 256, 16>}, {pipeline_mode = #tpu.pipeline_mode<synchronous>, transform_indices = @transform_4, window_bounds = array<i64: 17, 16>}]} {
    %eq3A = arith.constant 0 : i32
    %eq3A_0 = arith.cmpi eq, %arg0, %eq3A : i32
    %convert_element_type3A = arith.extui %eq3A_0 : i1 to i32
    %cond3A = arith.constant 0 : i32
    %cond3A_1 = arith.cmpi ne, %convert_element_type3A, %cond3A : i32
    scf.if %cond3A_1 {
      %broadcast_in_dim3A = arith.constant 0.000000e+00 : f32
      %broadcast_in_dim3A_41 = vector.broadcast %broadcast_in_dim3A : f32 to vector<17x16xf32>
      %swap3A_42 = arith.constant 0 : index
      %swap3A_43 = arith.constant 0 : index
      %swap3A_44 = vector.load %arg6[%swap3A_42, %swap3A_43] : memref<17x16xf32, #tpu.memory_space<vmem>>, vector<17x16xf32>
      tpu.vector_store %arg6[%swap3A_42, %swap3A_43], %broadcast_in_dim3A_41 {strides = array<i32>} : memref<17x16xf32, #tpu.memory_space<vmem>>, vector<17x16xf32>,
    } else {
    }
    %get3A = arith.constant 0 : index
    %get3A_2 = arith.constant 0 : index
    %get3A_3 = vector.load %arg1[%get3A, %get3A_2] : memref<256x256xf32, #tpu.memory_space<vmem>>, vector<256x256xf32>
    %get3A_4 = arith.constant 0 : index
    %get3A_5 = arith.constant 0 : index
    %get3A_6 = vector.load %arg2[%get3A_4, %get3A_5] : memref<1x256xf32, #tpu.memory_space<vmem>>, vector<1x256xf32>
    %mul3A = vector.broadcast %get3A_6 : vector<1x256xf32> to vector<256x256xf32>
    %mul3A_7 = arith.mulf %get3A_3, %mul3A : vector<256x256xf32>
    %get3A_8 = arith.constant 0 : index
    %get3A_9 = arith.constant 0 : index
    %get3A_10 = vector.load %arg3[%get3A_8, %get3A_9] : memref<1x256xf32, #tpu.memory_space<vmem>>, vector<1x256xf32>
    %add3A = vector.broadcast %get3A_10 : vector<1x256xf32> to vector<256x256xf32>
    %add3A_11 = arith.addf %mul3A_7, %add3A : vector<256x256xf32>
    %max3A = arith.constant 0.000000e+00 : f32
    %max3A_12 = vector.broadcast %max3A : f32 to vector<256x256xf32>
    %max3A_13 = arith.maximumf %add3A_11, %max3A_12 : vector<256x256xf32>
    %reshape3A = vector.shape_cast %max3A_13 : vector<256x256xf32> to vector<256x16x16xf32>
    %reduce_max3A = arith.constant dense<0xFF800000> : vector<256x16xf32>
    %reduce_max3A_14 = vector.multi_reduction <maximumf>, %reshape3A, %reduce_max3A [2] : vector<256x16x16xf32> to vector<256x16xf32>
    %swap3A = arith.constant 0 : index
    %swap3A_15 = arith.constant 0 : index
    %swap3A_16 = vector.load %arg4[%swap3A, %swap3A_15] : memref<256x16xf32, #tpu.memory_space<vmem>>, vector<256x16xf32>
    tpu.vector_store %arg4[%swap3A, %swap3A_15], %reduce_max3A_14 {strides = array<i32>} : memref<256x16xf32, #tpu.memory_space<vmem>>, vector<256x16xf32>,
    %get3A_17 = arith.constant 0 : index
    %get3A_18 = arith.constant 0 : index
    %get3A_19 = vector.load %arg6[%get3A_17, %get3A_18] : memref<17x16xf32, #tpu.memory_space<vmem>>, vector<16x16xf32>
    %transpose3A = tpu.transpose %reduce_max3A_14, [1, 0] : vector<256x16xf32> -> vector<16x256xf32>
    %dot_general3A = arith.constant dense<0.000000e+00> : vector<16x16xf32>
    %dot_general3A_20 = tpu.matmul %transpose3A, %reduce_max3A_14, %dot_general3A {dimension_numbers = #tpu.dot_dimension_numbers<[1], [0], [0], [1], [0, 0, 1, 1], [], []>, transpose_lhs_hint = false} : vector<16x256xf32>, vector<256x16xf32>, vector<16x16xf32> -> vector<16x16xf32>
    %add3A_21 = arith.addf %get3A_19, %dot_general3A_20 : vector<16x16xf32>
    %swap3A_22 = arith.constant 0 : index
    %swap3A_23 = arith.constant 0 : index
    %swap3A_24 = vector.load %arg6[%swap3A_22, %swap3A_23] : memref<17x16xf32, #tpu.memory_space<vmem>>, vector<16x16xf32>
    tpu.vector_store %arg6[%swap3A_22, %swap3A_23], %add3A_21 {strides = array<i32>} : memref<17x16xf32, #tpu.memory_space<vmem>>, vector<16x16xf32>,
    %get3A_25 = arith.constant 16 : index
    %get3A_26 = arith.constant 0 : index
    %get3A_27 = vector.load %arg6[%get3A_25, %get3A_26] : memref<17x16xf32, #tpu.memory_space<vmem>>, vector<1x16xf32>
    %get3A_28 = vector.shape_cast %get3A_27 : vector<1x16xf32> to vector<16xf32>
    %reduce_sum3A = arith.constant dense<0.000000e+00> : vector<16xf32>
    %reduce_sum3A_29 = vector.multi_reduction <add>, %reduce_max3A_14, %reduce_sum3A [0] : vector<256x16xf32> to vector<16xf32>
    %add3A_30 = arith.addf %get3A_28, %reduce_sum3A_29 : vector<16xf32>
    %swap3A_31 = arith.constant 16 : index
    %swap3A_32 = arith.constant 0 : index
    %swap3A_33 = vector.load %arg6[%swap3A_31, %swap3A_32] : memref<17x16xf32, #tpu.memory_space<vmem>>, vector<1x16xf32>
    %swap3A_34 = vector.shape_cast %swap3A_33 : vector<1x16xf32> to vector<16xf32>
    %swap3A_35 = vector.shape_cast %add3A_30 : vector<16xf32> to vector<1x16xf32>
    tpu.vector_store %arg6[%swap3A_31, %swap3A_32], %swap3A_35 {strides = array<i32>} : memref<17x16xf32, #tpu.memory_space<vmem>>, vector<1x16xf32>,
    %eq3A_36 = arith.constant 63 : i32
    %eq3A_37 = arith.cmpi eq, %arg0, %eq3A_36 : i32
    %convert_element_type3A_38 = arith.extui %eq3A_37 : i1 to i32
    %cond3A_39 = arith.constant 0 : i32
    %cond3A_40 = arith.cmpi ne, %convert_element_type3A_38, %cond3A_39 : i32
    scf.if %cond3A_40 {
      %get3A_41 = arith.constant 0 : index
      %get3A_42 = arith.constant 0 : index
      %get3A_43 = vector.load %arg6[%get3A_41, %get3A_42] : memref<17x16xf32, #tpu.memory_space<vmem>>, vector<17x16xf32>
      %swap3A_44 = arith.constant 0 : index
      %swap3A_45 = arith.constant 0 : index
      %swap3A_46 = vector.load %arg5[%swap3A_44, %swap3A_45] : memref<17x16xf32, #tpu.memory_space<vmem>>, vector<17x16xf32>
      tpu.vector_store %arg5[%swap3A_44, %swap3A_45], %get3A_43 {strides = array<i32>} : memref<17x16xf32, #tpu.memory_space<vmem>>, vector<17x16xf32>,
    } else {
    }
    return
  }
  func.func @transform_0(%arg0: i32) -> (i32, i32) {
    %c0_i32 = arith.constant 0 : i32
    %c0_i32_0 = arith.constant 0 : i32
    return %arg0, %c0_i32 : i32, i32
  }
  func.func @transform_1(%arg0: i32) -> (i32, i32) {
    %c0_i32 = arith.constant 0 : i32
    %c0_i32_0 = arith.constant 0 : i32
    %c0_i32_1 = arith.constant 0 : i32
    return %c0_i32, %c0_i32_0 : i32, i32
  }
  func.func @transform_2(%arg0: i32) -> (i32, i32) {
    %c0_i32 = arith.constant 0 : i32
    %c0_i32_0 = arith.constant 0 : i32
    %c0_i32_1 = arith.constant 0 : i32
    return %c0_i32, %c0_i32_0 : i32, i32
  }
  func.func @transform_3(%arg0: i32) -> (i32, i32) {
    %c0_i32 = arith.constant 0 : i32
    %c0_i32_0 = arith.constant 0 : i32
    return %arg0, %c0_i32 : i32, i32
  }
  func.func @transform_4(%arg0: i32) -> (i32, i32) {
    %c0_i32 = arith.constant 0 : i32
    %c0_i32_0 = arith.constant 0 : i32
    %c0_i32_1 = arith.constant 0 : i32
    return %c0_i32, %c0_i32_0 : i32, i32
  }
}

module attributes {stable_mosaic.version = 14 : i64} {
  func.func @_conv2_body(%arg0: i32, %arg1: memref<256x16xf32, #tpu.memory_space<vmem>>, %arg2: memref<16x256xf32, #tpu.memory_space<vmem>>, %arg3: memref<1x256xf32, #tpu.memory_space<vmem>>, %arg4: memref<1x256xf32, #tpu.memory_space<vmem>>, %arg5: memref<256x256xf32, #tpu.memory_space<vmem>>) attributes {dimension_semantics = [#tpu.dimension_semantics<arbitrary>], iteration_bounds = array<i64: 64>, scalar_prefetch = 0 : i64, scratch_operands = 0 : i64, tpu.core_type = #tpu.core_type<tc>, window_params = [{transform_indices = @transform_0, window_bounds = array<i64: 256, 16>}, {pipeline_mode = #tpu.pipeline_mode<synchronous>, transform_indices = @transform_1, window_bounds = array<i64: 16, 256>}, {pipeline_mode = #tpu.pipeline_mode<synchronous>, transform_indices = @transform_2, window_bounds = array<i64: 1, 256>}, {pipeline_mode = #tpu.pipeline_mode<synchronous>, transform_indices = @transform_3, window_bounds = array<i64: 1, 256>}, {transform_indices = @transform_4, window_bounds = array<i64: 256, 256>}]} {
    %get3A = arith.constant 0 : index
    %get3A_0 = arith.constant 0 : index
    %get3A_1 = vector.load %arg1[%get3A, %get3A_0] : memref<256x16xf32, #tpu.memory_space<vmem>>, vector<256x16xf32>
    %get3A_2 = arith.constant 0 : index
    %get3A_3 = arith.constant 0 : index
    %get3A_4 = vector.load %arg2[%get3A_2, %get3A_3] : memref<16x256xf32, #tpu.memory_space<vmem>>, vector<16x256xf32>
    %dot_general3A = arith.constant dense<0.000000e+00> : vector<256x256xf32>
    %dot_general3A_5 = tpu.matmul %get3A_1, %get3A_4, %dot_general3A {dimension_numbers = #tpu.dot_dimension_numbers<[1], [0], [0], [1], [0, 0, 1, 1], [], []>, transpose_lhs_hint = false} : vector<256x16xf32>, vector<16x256xf32>, vector<256x256xf32> -> vector<256x256xf32>
    %get3A_6 = arith.constant 0 : index
    %get3A_7 = arith.constant 0 : index
    %get3A_8 = vector.load %arg3[%get3A_6, %get3A_7] : memref<1x256xf32, #tpu.memory_space<vmem>>, vector<1x256xf32>
    %mul3A = vector.broadcast %get3A_8 : vector<1x256xf32> to vector<256x256xf32>
    %mul3A_9 = arith.mulf %dot_general3A_5, %mul3A : vector<256x256xf32>
    %get3A_10 = arith.constant 0 : index
    %get3A_11 = arith.constant 0 : index
    %get3A_12 = vector.load %arg4[%get3A_10, %get3A_11] : memref<1x256xf32, #tpu.memory_space<vmem>>, vector<1x256xf32>
    %add3A = vector.broadcast %get3A_12 : vector<1x256xf32> to vector<256x256xf32>
    %add3A_13 = arith.addf %mul3A_9, %add3A : vector<256x256xf32>
    %max3A = arith.constant 0.000000e+00 : f32
    %max3A_14 = vector.broadcast %max3A : f32 to vector<256x256xf32>
    %max3A_15 = arith.maximumf %add3A_13, %max3A_14 : vector<256x256xf32>
    %swap3A = arith.constant 0 : index
    %swap3A_16 = arith.constant 0 : index
    %swap3A_17 = vector.load %arg5[%swap3A, %swap3A_16] : memref<256x256xf32, #tpu.memory_space<vmem>>, vector<256x256xf32>
    tpu.vector_store %arg5[%swap3A, %swap3A_16], %max3A_15 {strides = array<i32>} : memref<256x256xf32, #tpu.memory_space<vmem>>, vector<256x256xf32>,
    return
  }
  func.func @transform_0(%arg0: i32) -> (i32, i32) {
    %c0_i32 = arith.constant 0 : i32
    %c0_i32_0 = arith.constant 0 : i32
    return %arg0, %c0_i32 : i32, i32
  }
  func.func @transform_1(%arg0: i32) -> (i32, i32) {
    %c0_i32 = arith.constant 0 : i32
    %c0_i32_0 = arith.constant 0 : i32
    %c0_i32_1 = arith.constant 0 : i32
    return %c0_i32, %c0_i32_0 : i32, i32
  }
  func.func @transform_2(%arg0: i32) -> (i32, i32) {
    %c0_i32 = arith.constant 0 : i32
    %c0_i32_0 = arith.constant 0 : i32
    %c0_i32_1 = arith.constant 0 : i32
    return %c0_i32, %c0_i32_0 : i32, i32
  }
  func.func @transform_3(%arg0: i32) -> (i32, i32) {
    %c0_i32 = arith.constant 0 : i32
    %c0_i32_0 = arith.constant 0 : i32
    %c0_i32_1 = arith.constant 0 : i32
    return %c0_i32, %c0_i32_0 : i32, i32
  }
  func.func @transform_4(%arg0: i32) -> (i32, i32) {
    %c0_i32 = arith.constant 0 : i32
    %c0_i32_0 = arith.constant 0 : i32
    return %arg0, %c0_i32 : i32, i32
  }
}

</mosaic_0001>

<sc_bundles>
// kernel: kernel.6.cloned.1.call-start
scs
__scs_entry_jumppad:
0x0: {  	(pc) =	sbr.rel $0x88, $3  }
0x1: {  	(tag) =	ssettag $0x0;
	lr =	simm.s32 $0x1  }
0x2: {  	[smem:$0x3F97] =	sst lr;
	_ =	strace $0xD0000000  }
0x3: {  	_ = 	snop  }
0x4: {  	_ = 	snop  }
0x5: {  	_ = 	snop  }
0x6: {  	_ = 	snop  }
0x7: {  	_ = 	snop  }
__scs_overlays_trampoline_lowered:
0x8: {  	[smem:$0x3FA6] =	sst s0  }
0x9: {  	[smem:$0x3FA7] =	sst s1  }
0xa: {  	[smem:$0x3FA8] =	sst s2  }
0xb: {  	[smem:$0x3FA9] =	sst s3  }
0xc: {  	[smem:$0x3FAA] =	sst s4  }
0xd: {  	[smem:$0x3FAB] =	sst s5  }
0xe: {  	[smem:$0x3FAC] =	sst s6  }
0xf: {  	[smem:$0x3FAD] =	sst s7  }
0x10: {  	[smem:$0x3FAE] =	sst s8  }
0x11: {  	[smem:$0x3FAF] =	sst s9;
	s0 =	simm.s32 @!p0 $0x0  }
0x12: {  	s1 =	sld [smem:$0x3F95];
	s0 =	simm.s32 @p0 $0x1  }
0x13: {  	[smem:$0x3FB0] =	sst s0;
	s0 =	simm.s32 @!p1 $0x0  }
0x14: {  	s2 =	sld [smem:$0x3F94];
	s0 =	simm.s32 @p1 $0x1  }
0x15: {  	[smem:$0x3FB1] =	sst s0;
	s0 =	simm.s32 @!p2 $0x0  }
0x16: {  	s3 =	sld [smem:$0x3FDB];
	s0 =	simm.s32 @p2 $0x1  }
0x17: {  	s4 =	simm.s32 $0x1BF5;
	[smem:$0x3FB3] =	sst s0  }
0x18: {  	s0 =	sld [smem:$0x3F96];
	_ =	swait.ge [sflag:s4], $0x0  }
0x19: {  	s7 =	sld [smem:$0x3F97]  }
0x1a: {  	s8 =	sadd.s32 $0xFFFFE003, lr  }
0x1b: {  	s9 =	sadd.s32 $0xFFFFFEF7, lr;
	s5 =	simm.s32 $0xFFFFFFFF;
	p2 =	slt.u32 s8, $0xFFFFF086  }
0x1c: {  	p1 =	slt.u32 s9, $0xF7A;
	s5 =	simm.s32 @!p2 $0x0  }
0x1d: {  	s5 =	simm.s32 @p1 $0x1;
	p0 =	seq.s32 s7, s2  }
0x1e: {  	s7 =	smul.u32 @!p0 $0xF7A, s2;
	p2 =	seq.s32 @!p0 s5, $0x0  }
0x1f: {  	s9 =	smul.u32 $0xF7A, s1;
	s8 =	simm.s32 @!p0 $0x1BF5;
	p2 =	por !p2, p0  }
0x20: {  	[sflag:s8] =	ssyncset.s32 @!p0 $0xFFFFF086;
	s6 =	sadd.s32 @!p0 s3, s7;
	s7 =	simm.s32 @!p0 $0x108  }
0x21: {  	s3 =	sadd.s32 s3, s9;
	s6 =	sadd.s32 @!p0 $0x88, s6;
	s7 =	simm.s32 @p2 $0x1082  }
0x22: {  	[simem:s7], [sflag:s8] =	dma.local @!p0 [hbm:s6], $0xF7A  }
0x23: {  	s9 =	sor.u32 $0xD0000000, s2;
	s6 =	simm.s32 $0x108;
	_ =	swait.ge @!p0 [sflag:s8], $0x0  }
0x24: {  	s3 =	sadd.s32 $0x88, s3;
	s6 =	simm.s32 @!p1 $0x1082;
	[sflag:s4] =	ssyncset.s32 $0xFFFFF086  }
0x25: {  	[simem:s6], [sflag:s4] =	dma.local [hbm:s3], $0xF7A  }
0x26: {  	[smem:$0x3F97] =	sst s1;
	(tag) =	ssettag s2;
	_ =	strace s9  }
0x27: {  	s1 =	sld [smem:$0x3FA7]  }
0x28: {  	s2 =	sld [smem:$0x3FA8]  }
0x29: {  	s4 =	sld [smem:$0x3FAA]  }
0x2a: {  	p0 =	seq.s32 s5, $0x0;
	s5 =	sld [smem:$0x3FAB]  }
0x2b: {  	s6 =	sld [smem:$0x3FAC]  }
0x2c: {  	s7 =	sld [smem:$0x3FAD]  }
0x2d: {  	s3 =	simm.s32 $0x108;
	s8 =	sld [smem:$0x3FAE]  }
0x2e: {  	s3 =	simm.s32 @!p0 $0x1082;
	s9 =	sld [smem:$0x3FAF]  }
0x2f: {  	lr =	sadd.s32 s0, s3;
	s0 =	sld [smem:$0x3FA6]  }
0x30: {  	s3 =	sld [smem:$0x3FA9]  }
0x31: {  	[smem:$0x3FB2] =	sst s10  }
0x32: {  	s10 =	sld [smem:$0x3FB0];
	_ =	sdelay $0x3  }
0x33: {  	p0 =	seq.s32 s10, $0x1;
	s10 =	sld [smem:$0x3FB2];
	_ =	sdelay $0x3  }
0x34: {  	[smem:$0x3FB2] =	sst s10  }
0x35: {  	s10 =	sld [smem:$0x3FB1];
	_ =	sdelay $0x3  }
0x36: {  	p1 =	seq.s32 s10, $0x1;
	s10 =	sld [smem:$0x3FB2];
	_ =	sdelay $0x3  }
0x37: {  	[smem:$0x3FB2] =	sst s10  }
0x38: {  	s10 =	sld [smem:$0x3FB3]  }
0x39: {  	_ = 	snop;
	(pc) =	sbr.ind lr, $3  }
0x3a: {  	_ = 	snop  }
0x3b: {  	_ = 	snop  }
0x3c: {  	p2 =	seq.s32 s10, $0x1;
	s10 =	sld [smem:$0x3FB2]  }
0x3d: {  	_ =	shalt  }
0x3e: {  	_ =	shalt  }
0x3f: {  	_ =	shalt  }
0x40: {  	_ =	shalt  }
0x41: {  	_ =	shalt  }
0x42: {  	_ =	shalt  }
0x43: {  	_ =	shalt  }
0x44: {  	_ =	shalt  }
0x45: {  	_ =	shalt  }
0x46: {  	_ =	shalt  }
0x47: {  	_ =	shalt  }
0x48: {  	_ =	shalt  }
0x49: {  	_ =	shalt  }
0x4a: {  	_ =	shalt  }
0x4b: {  	_ =	shalt  }
0x4c: {  	_ =	shalt  }
0x4d: {  	_ =	shalt  }
0x4e: {  	_ =	shalt  }
0x4f: {  	_ =	shalt  }
0x50: {  	_ =	shalt  }
0x51: {  	_ =	shalt  }
0x52: {  	_ =	shalt  }
0x53: {  	_ =	shalt  }
0x54: {  	_ =	shalt  }
0x55: {  	_ =	shalt  }
0x56: {  	_ =	shalt  }
0x57: {  	_ =	shalt  }
0x58: {  	_ =	shalt  }
0x59: {  	_ =	shalt  }
0x5a: {  	_ =	shalt  }
0x5b: {  	_ =	shalt  }
0x5c: {  	_ =	shalt  }
0x5d: {  	_ =	shalt  }
0x5e: {  	_ =	shalt  }
0x5f: {  	_ =	shalt  }
0x60: {  	_ =	shalt  }
0x61: {  	_ =	shalt  }
0x62: {  	_ =	shalt  }
0x63: {  	_ =	shalt  }
0x64: {  	_ =	shalt  }
0x65: {  	_ =	shalt  }
0x66: {  	_ =	shalt  }
0x67: {  	_ =	shalt  }
0x68: {  	_ =	shalt  }
0x69: {  	_ =	shalt  }
0x6a: {  	_ =	shalt  }
0x6b: {  	_ =	shalt  }
0x6c: {  	_ =	shalt  }
0x6d: {  	_ =	shalt  }
0x6e: {  	_ =	shalt  }
0x6f: {  	_ =	shalt  }
0x70: {  	_ =	shalt  }
0x71: {  	_ =	shalt  }
0x72: {  	_ =	shalt  }
0x73: {  	_ =	shalt  }
0x74: {  	_ =	shalt  }
0x75: {  	_ =	shalt  }
0x76: {  	_ =	shalt  }
0x77: {  	_ =	shalt  }
0x78: {  	_ =	shalt  }
0x79: {  	_ =	shalt  }
0x7a: {  	_ =	shalt  }
0x7b: {  	_ =	shalt  }
0x7c: {  	_ =	shalt  }
0x7d: {  	_ =	shalt  }
0x7e: {  	_ =	shalt  }
0x7f: {  	_ =	shalt  }
0x80: {  	_ =	shalt  }
0x81: {  	_ =	shalt  }
0x82: {  	_ =	shalt  }
0x83: {  	_ =	shalt  }
0x84: {  	_ =	shalt  }
0x85: {  	_ =	shalt  }
0x86: {  	_ =	shalt  }
0x87: {  	_ =	shalt  }
.Lfunc_end0:
.L_simem_size_0:
called_computation_lowered:
.L_overlay_start_0:
0x88: {  	s2 =	sld [smem:$0x3FD9]  }
0x89: {  	s3 =	sld [smem:$0x3FFE];
	_ =	sdelay $0x1  }
0x8a: {  	s1 =	srdreg.scid  }
0x8b: {  	s0 =	sand.u32 $0x1, s1  }
0x8c: {  	s17 =	sshll.u32 s0, $0xA;
	s2 =	sadd.s32 s3, s2  }
0x8d: {  	s2 =	sadd.s32 s2, s17  }
0x8e: {  	[smem:$0x3FBE] =	sst s2  }
0x8f: {  	_ = 	snop  }
0x90: {  	s2 =	sld [smem:$0x3FC9]  }
0x91: {  	s18 =	sld [smem:$0x3FD0];
	(tm) =	ssettm $0x1  }
0x92: {  	s4 =	sld [smem:$0x3FFB];
	_ =	sdelay $0x3  }
0x93: {  	_ =	strace s4  }
0x94: {  	s4 =	sld [smem:$0x3FFC];
	_ =	sdelay $0x3  }
0x95: {  	_ =	strace s4  }
0x96: {  	s4 =	sld [smem:$0x3FFD];
	_ =	sdelay $0x3  }
0x97: {  	_ =	strace s4  }
0x98: {  	_ =	strace $0x8FFFFFFF  }
0x99: {  	s19 =	sld [smem:$0x3FDB];
	_ =	sdelay $0x1  }
0x9a: {  	s5 =	simm.s32 $_scs_section_size  }
0x9b: {  	s6 =	simm.s32 $_size__tile_overlayer_lowered;
	s7 =	simm.s32 $_tile_overlayer_lowered  }
0x9c: {  	s22 =	simm.s32 $0x1BFF;
	s21 =	sshll.u32 s7, $0x1;
	s4 =	sadd.s32 s5, s19  }
0x9d: {  	s8 =	simm.s32 $0x0;
	s20 =	sshll.u32 s6, $0x1;
	s6 =	sadd.s32 s21, s4  }
0x9e: {  	[timem:s8], [sflag:s22] =	dma.local [hbm:s6], s20  }
0x9f: {  	_ =	swait.ge [sflag:s22], s20  }
0xa0: {  	s5 =	ssub.s32 $0x0, s20;
	[sflag:s22] =	ssyncset.done $0x0  }
0xa1: {  	[sflag:s22] =	ssyncadd.s32 s5;
	_ =	sdelay $0x1  }
0xa2: {  	s23 =	simm.s32 $0x1B8B  }
0xa3: {  	_ =	swait.ge [sflag:s23], $0x1  }
0xa4: {  	[sflag:s23] =	ssyncset.done $0x0  }
0xa5: {  	s25 =	simm.s32 $0x1B8E;
	s24 =	sld [smem:$0x3FFE];
	[sflag:s23] =	ssyncadd.s32 $0xFFFFFFFF  }
0xa6: {  	s26 =	simm.s32 $execute0_lowered;
	[smem:$0x3FD2] =	sst s25  }
0xa7: {  	s6 =	sshll.u32 s26, $0x1;
	_ =	strace $0x80000046;
	[dreg:$0x1] =	wrdreg $0xFFFFFFFF  }
0xa8: {  	s28 =	simm.s32 $_size_execute0_lowered;
	s4 =	sadd.s32 s4, s6;
	[dreg:$0x0] =	wrdreg $0x0  }
0xa9: {  	s6 =	sshll.u32 s28, $0x1;
	[dreg:$0x2] =	wrdreg s4  }
0xaa: {  	[dreg:$0x3] =	wrdreg s6  }
0xab: {  	[dreg:$0x4] =	wrdreg $0xC0  }
0xac: {  	_ =	task [dreg:s8], $0x5FFFF  }
0xad: {  	[dreg:$0x1] =	wrdreg $0xFFFFFFFF  }
0xae: {  	[dreg:$0x0] =	wrdreg $0x60  }
0xaf: {  	[dreg:$0x2] =	wrdreg s18  }
0xb0: {  	[dreg:$0x3] =	wrdreg s2  }
0xb1: {  	[dreg:$0x4] =	wrdreg s24  }
0xb2: {  	[dreg:$0x5] =	wrdreg $0x185800  }
0xb3: {  	[dreg:$0x6] =	wrdreg $0x9  }
0xb4: {  	_ =	task.clear_ibuf [dreg:s8], $0x7FFFF;
	_ =	strace $0x90000046  }
0xb5: {  	s29 =	simm.s32 $0x9;
	_ =	strace $0x8000004D  }
0xb6: {  	_ =	swait.ge [sflag:s29], $0x1  }
0xb7: {  	[sflag:s29] =	ssyncadd.s32 $0xFFFFFFFF  }
0xb8: {  	_ =	strace $0x9000004D  }
0xb9: {  	_ =	sfence  }
0xba: {  	s30 =	sld [smem:$0x0];
	_ =	sdelay $0x2  }
0xbb: {  	s31 =	sshll.u32 s1, $0xD;
	s1 =	sshrl.u32 s1, $0x2  }
0xbc: {  	s3 =	sand.u32 $0x4000, s31;
	s1 =	sadd.s32 s1, s30  }
0xbd: {  	s0 =	sor.u32 s3, s0;
	s1 =	sshll.u32 s1, $0x11  }
0xbe: {  	s0 =	sor.u32 s1, s0  }
0xbf: {  	s0 =	sadd.s32 $0x8F2B, s0  }
0xc0: {  	[sflag:s0] =	ssyncadd.remote.s32 $0x1  }
0xc1: {  	_ =	sfence.sel $0xFFFF  }
0xc2: {  	[dreg:$0x0] =	wrdreg $0xFFFFFFFF;
	(pc) =	sbr.abs _section_cstart, $3  }
0xc3: {  	[dreg:$0x1] =	wrdreg $0xFFFFFFFF  }
0xc4: {  	_ =	task.clear_ibuf [dreg:s8], $0x2FFFF;
	_ =	strace $0x9FFFFFFF  }
0xc5: {  	(tm) =	ssettm $0x7FFFFFFF  }
tec
execute0_lowered:
.L_overlay_start_1:
0x0: {  	(tag) =	ssettag $0x1  }
0x1: {  	s0 =	rddreg [dreg:$0x1]  }
0x2: {  	s1 =	rddreg [dreg:$0x2]  }
0x3: {  	s2 =	rddreg [dreg:$0x3];
	s3 =	simm.s32 $0x0  }
0x4: {  	s4 =	srdreg.scid;
	[smem:$0x7FF] =	sst s3;
	s5 =	sadd.s32 $0x2C00, s1  }
0x5: {  	s13 =	sadd.s32 $0x2400, s1;
	_ =	strace $0x80000047;
	[dreg:$0x5] =	wrdreg s5  }
0x6: {  	s9 =	stileid.u32;
	s8 =	sadd.s32 $0x42C00, s1;
	[dreg:$0x6] =	wrdreg s13  }
0x7: {  	s29 =	simm.s32 $0x16580;
	s15 =	sadd.s32 $0x82C00, s1;
	[dreg:$0x7] =	wrdreg s8  }
0x8: {  	s30 =	simm.s32 $0x3;
	s16 =	sadd.s32 $0xC2C00, s1;
	[dreg:$0x8] =	wrdreg s15  }
0x9: {  	s31 =	simm.s32 $0x16280;
	s17 =	sadd.s32 $0x102C00, s1;
	[dreg:$0x9] =	wrdreg s16  }
0xa: {  	s4 =	sand.u32 $0x1, s4;
	s10 =	sadd.s32 $0x142C00, s1;
	[dreg:$0xa] =	wrdreg s17  }
0xb: {  	s6 =	sshll.u32 s9, $0xE;
	s19 =	sadd.s32 $0x182C00, s1;
	[dreg:$0xb] =	wrdreg s10  }
0xc: {  	s7 =	sshll.u32 s9, $0xB;
	s20 =	sadd.s32 $0x1C2C00, s1;
	[dreg:$0xc] =	wrdreg s19  }
0xd: {  	v0 =	vlaneseq.u32;
	s21 =	sadd.s32 $0x202C00, s1;
	s22 =	sadd.s32 $0x242C00, s1;
	[dreg:$0xd] =	wrdreg s20  }
0xe: {  	v2 =	vimm.f32 $0.0e+00;
	v3 =	vimm.f32 $1.000000000e+00;
	v4 =	vimm.s32 $0x0;
	s23 =	sadd.s32 $0x282C00, s1;
	s26 =	sadd.s32 $0x40000, s2;
	[dreg:$0xe] =	wrdreg s21  }
0xf: {  	v7 =	vimm.s32 $0x2;
	v9 =	vimm.s32 $0x3;
	v11 =	vimm.s32 $0x4;
	s28 =	sshll.u32 s9, $0x5;
	s14 =	ssub.s32 $0x2, s4;
	[dreg:$0x10] =	wrdreg s22  }
0x10: {  	v13 =	vimm.s32 $0x5;
	v15 =	vimm.s32 $0x6;
	v21 =	vimm.s32 $0x9;
	s4 =	sshll.u32 s4, $0x2;
	[dreg:$0x11] =	wrdreg s23;
	s24 =	sadd.s32 s6, s2  }
0x11: {  	v17 =	vimm.s32 $0x7;
	v23 =	vimm.s32 $0xA;
	v25 =	vimm.s32 $0xB;
	s19 =	sadd.s32 $0x2C2C00, s1;
	s20 =	sadd.s32 $0x302C00, s1;
	s21 =	sadd.s32 s0, s7  }
0x12: {  	v19 =	vimm.s32 $0x8;
	v27 =	vimm.s32 $0xC;
	v28 =	vimm.s32 $0xD;
	s22 =	sadd.s32 $0x342C00, s1;
	s23 =	sadd.s32 $0x382C00, s1;
	[dreg:$0x14] =	wrdreg s26  }
0x13: {  	v29 =	vimm.s32 $0xE;
	v30 =	vimm.s32 $0xF;
	v1 =	vmul.u32 $0x11, v0;
	s0 =	simm.s32 $0x16000;
	s26 =	simm.s32 $0x16380;
	s6 =	simm.s32 $0x2  }
0x14: {  	v6 =	vor.u32 $0x20, v0;
	v8 =	vor.u32 $0x40, v0;
	v10 =	vor.u32 $0x60, v0;
	s8 =	simm.s32 $0x0;
	s18 =	sshrl.u32 s14, $0x1;
	[dreg:$0xf] =	wrdreg s4  }
0x15: {  	v12 =	vor.u32 $0x80, v0;
	v14 =	vor.u32 $0xA0, v0;
	v16 =	vor.u32 $0xC0, v0;
	[dreg:$0x12] =	wrdreg s24;
	s24 =	sadd.s32 $0x3C2C00, s1;
	s5 =	ssub.s32 s14, s18  }
0x16: {  	v18 =	vor.u32 $0xE0, v0;
	v20 =	vor.u32 $0x100, v0;
	v22 =	vor.u32 $0x120, v0;
	s1 =	simm.s32 $0x20;
	s4 =	simm.s32 $0x17580;
	s25 =	smax.u32 s5, $0x1  }
0x17: {  	v24 =	vor.u32 $0x140, v0;
	v26 =	vor.u32 $0x160, v0;
	v5 =	vadd.s32 $0x1, v1;
	s5 =	simm.s32 $0x1;
	[dreg:$0x13] =	wrdreg s25;
	s25 =	simm.s32 $0x16300  }
.LBB2_1:
0x18: {  	[dreg:$0x15] =	wrdreg s8;
	s7 =	simm.s32 $0x40  }
0x19: {  	[tilespmem:s7+$0xFFFFFFC0] =	vst v2  }
0x1a: {  	[tilespmem:s7+$0x30] =	vst v2  }
0x1b: {  	[tilespmem:s7+$0x20] =	vst v2  }
0x1c: {  	[tilespmem:s7+$0x10] =	vst v2  }
0x1d: {  	[tilespmem:s7+$0x0] =	vst v2  }
0x1e: {  	[tilespmem:s7+$0xFFFFFFF0] =	vst v2  }
0x1f: {  	s8 =	simm.s32 $0x0;
	[tilespmem:s7+$0xFFFFFFE0] =	vst v2  }
.LBB2_2:
0x20: {  	s8 =	sadd.s32 $0x80, s8;
	[tilespmem:s7+$0xFFFFFFD0] =	vst v2;
	s7 =	sadd.s32 $0x80, s7  }
0x21: {  	[tilespmem:s7+$0xFFFFFFC0] =	vst v2;
	p0 =	slt.u32 s8, $0xFF80  }
0x22: {  	[tilespmem:s7+$0x30] =	vst v2  }
.Ltmp0:
0x23: {  	[tilespmem:s7+$0x20] =	vst v2;
	(pc) =	sbr.rel @p0 .LBB2_2-.Ltmp0, $4  }
0x24: {  	[tilespmem:s7+$0x10] =	vst v2  }
0x25: {  	[tilespmem:s7+$0x0] =	vst v2  }
0x26: {  	[tilespmem:s7+$0xFFFFFFF0] =	vst v2  }
0x27: {  	[tilespmem:s7+$0xFFFFFFE0] =	vst v2  }
0x28: {  	[tilespmem:s7+$0xFFFFFFD0] =	vst v2  }
0x29: {  	[tilespmem:$0x16280] =	vst v2  }
0x2a: {  	[tilespmem:$0x16290] =	vst v2  }
0x2b: {  	[tilespmem:$0x16580] =	vst v2  }
0x2c: {  	[tilespmem:$0x16590] =	vst v2  }
0x2d: {  	[tilespmem:$0x165A0] =	vst v2  }
0x2e: {  	[tilespmem:$0x165B0] =	vst v2  }
0x2f: {  	[tilespmem:$0x165C0] =	vst v2  }
0x30: {  	[tilespmem:$0x165D0] =	vst v2  }
0x31: {  	[tilespmem:$0x165E0] =	vst v2  }
0x32: {  	[tilespmem:$0x165F0] =	vst v2;
	s7 =	rddreg [dreg:$0x14]  }
0x33: {  	[spmem:s7] =	stream.linear.scatter [tilespmem:s29], [sflag:$0x3], $0x80, $0x38;
	[tilespmem:$0x1C588] =	vst v63  }
0x34: {  	_ =	swait.ge [sflag:s30], $0x80  }
0x35: {  	[sflag:s30] =	ssyncset.done $0x0  }
0x36: {  	s7 =	simm.s32 $0x0;
	[sflag:s30] =	ssyncadd.s32 $0xFFFFFF80  }
.LBB2_4:
0x37: {  	s8 =	sshrl.u32 s7, $0x2;
	s9 =	sand.u32 $0x3, s7;
	s10 =	rddreg [dreg:$0xf]  }
0x38: {  	s8 =	sadd.s32 s10, s8;
	p0 =	sne.s32 s9, $0x0  }
0x39: {  	s10 =	smul.u32 @!p0 $0xC00, s8;
	[bflag:$0x0] =	sbarrier.arrive @!p0 $0xFFFF  }
0x3a: {  	s11 =	rddreg [dreg:$0x0]  }
0x3b: {  	s12 =	simm.s32 @!p0 $0x10000;
	s10 =	sadd.s32 @!p0 s11, s10;
	s11 =	simm.s32 @!p0 $0x0  }
0x3c: {  	[tilespmem:s12], [sflag:$0x3] =	stream.linear.gather @!p0 [hbm4b:s10+s11], $0x6000, $0x38;
	[tilespmem:$0x1C588] =	vst v63  }
0x3d: {  	s10 =	simm.s32 @!p0 $0x3;
	s12 =	stileid.u32  }
0x3e: {  	s11 =	sshll.u32 @!p0 s8, $0xF;
	_ =	swait.ge @!p0 [sflag:s10], $0x6000;
	s12 =	sshll.u32 @!p0 s12, $0x6  }
0x3f: {  	s11 =	sadd.s32 @!p0 s11, s21;
	[sflag:s10] =	ssyncset.done @!p0 $0x0;
	s13 =	rddreg [dreg:$0x12]  }
0x40: {  	s12 =	sor.u32 @!p0 $0x1C03, s12;
	[sflag:s10] =	ssyncadd.s32 @!p0 $0xFFFFA000;
	s13 =	sshrl.u32 @!p0 s13, $0x3  }
0x41: {  	[spmem:s13], [sflag:s12] =	dma.local @!p0 [hbm:s11], $0x800  }
0x42: {  	_ =	swait.ge @!p0 [sflag:s10], $0x800  }
0x43: {  	[sflag:s10] =	ssyncset.done @!p0 $0x0  }
0x44: {  	[sflag:s10] =	ssyncadd.s32 @!p0 $0xFFFFF800  }
0x45: {  	[bflag:$0x0] =	sbarrier.arrive @!p0 $0xFFFF  }
0x46: {  	s17 =	simm.s32 $0x10020;
	_ =	strace $0x80000048  }
0x47: {  	v33 =	vld [tilespmem:s17+$0xFFFFFFE0]  }
0x48: {  	v36 =	vld [tilespmem:s17+$0x10]  }
0x49: {  	v34 =	vld [tilespmem:s17+$0x0]  }
0x4a: {  	s9 =	sshll.u32 s9, $0x9;
	v38 =	vld [tilespmem:s17+$0xFFFFFFF0]  }
0x4b: {  	s9 =	sor.u32 s28, s9  }
0x4c: {  	v31 =	vmov s9;
	s18 =	sadd.s32 $0x20, s9  }
0x4d: {  	v32 =	vmov s18;
	v39 =	vshra.s32 v33, $0xB;
	v33 =	vand.u32 $0x7FF, v33  }
0x4e: {  	v42 =	vshra.s32 v36, $0xB;
	v35 =	vshra.s32 v34, $0xB;
	v37 =	vand.u32 $0x7FF, v34  }
0x4f: {  	v34 =	vand.u32 $0x7FF, v38;
	v45 =	vand.u32 $0x7FF, v36;
	vm0 =	vlt.s32 v39, v32  }
0x50: {  	v40 =	vshll.u32 v33, $0x5;
	v41 =	vsub.s32 v39, v31;
	vm1 =	veq.s32 v39, v33  }
0x51: {  	v33 =	vshra.s32 v38, $0xB;
	vm2 =	vge.s32 v42, v31;
	vm3 =	vge.s32 v39, v31  }
0x52: {  	v63 =	vshll.u32 v45, $0x5;
	v36 =	vsub.s32 v35, v31;
	v46 =	vsub.s32 v42, v31  }
0x53: {  	v48 =	vshll.u32 v34, $0x5;
	v62 =	vadd.s32 v41, v40;
	vm4 =	vmand vm3, vm0  }
0x54: {  	vm6 =	vge.s32 v35, v31;
	v43 =	vshll.u32 v37, $0x5;
	v47 =	vnsel vm4, $0x0, v62  }
0x55: {  	v44 =	vsel vm1, $0x0, v3;
	vm0 =	vmand vm1, vm4;
	vm1 =	vlt.s32 v42, v32  }
0x56: {  	vm5 =	veq.s32 v42, v45;
	v40 =	vadd.s32 v46, v63;
	vm2 =	vmand vm2, vm1  }
0x57: {  	v38 =	vsub.s32 v33, v31;
	v39 =	vnsel vm4, $0x0, v41;
	v41 =	vnsel vm2, $0x0, v40  }
0x58: {  	vm3 =	vge.s32 v33, v31;
	v42 =	vadd.s32 v38, v48;
	vm1 =	vlt.s32 v35, v32  }
0x59: {  	s11 =	simm.s32 $0x10060;
	s10 =	simm.s32 $0x0;
	v40 =	vnsel vm2, $0x0, v46;
	vm1 =	vmand vm6, vm1;
	[tilespmem:v47+s3+$0x0] =	vst.idx.msk vm4, v44;
	vm4 =	vlt.s32 v33, v32  }
.LBB2_5:
0x5a: {  	v44 =	vld [tilespmem:s11+$0xFFFFFFE0];
	s10 =	sadd.s32 $0x4, s10;
	vm6 =	veq.s32 v35, v37;
	v35 =	vsel vm5, $0x0, v3;
	vm5 =	vmand vm5, vm2  }
0x5b: {  	vm7 =	veq.s32 v33, v34;
	v33 =	vadd.s32 v36, v43;
	v45 =	vld [tilespmem:s11+$0x10];
	p0 =	slt.u32 s10, $0x5FC  }
0x5c: {  	v43 =	vsel vm7, $0x0, v3;
	v46 =	vsel vm6, $0x0, v3;
	v34 =	vld [tilespmem:s11+$0x0];
	[tilespmem:v41+s3+$0x0] =	vst.idx.msk vm2, v35  }
0x5d: {  	vm2 =	vmand vm3, vm4;
	vm3 =	vmand vm6, vm1;
	v41 =	vld [tilespmem:s11+$0xFFFFFFF0];
	[tilespmem:v39+s31+$0x0] =	vst.idx.msk vm0, v3;
	v39 =	vnsel vm1, $0x0, v33  }
0x5e: {  	v36 =	vnsel vm1, $0x0, v36;
	v42 =	vnsel vm2, $0x0, v42;
	vm0 =	vmand vm7, vm2  }
0x5f: {  	v38 =	vnsel vm2, $0x0, v38;
	v47 =	vshra.s32 v44, $0xB;
	v33 =	vand.u32 $0x7FF, v44  }
0x60: {  	vm4 =	vlt.s32 v47, v32;
	v44 =	vshll.u32 v33, $0x5;
	v48 =	vshra.s32 v45, $0xB  }
0x61: {  	v49 =	vsub.s32 v47, v31;
	v35 =	vshra.s32 v34, $0xB;
	v37 =	vand.u32 $0x7FF, v34;
	[tilespmem:v40+s31+$0x0] =	vst.idx.msk vm5, v3  }
0x62: {  	vm5 =	veq.s32 v47, v33;
	v33 =	vshra.s32 v41, $0xB;
	v34 =	vand.u32 $0x7FF, v41;
	[tilespmem:v39+s3+$0x0] =	vst.idx.msk vm1, v46  }
0x63: {  	v40 =	vand.u32 $0x7FF, v45;
	v46 =	vsel vm5, $0x0, v3;
	vm1 =	vge.s32 v48, v31;
	[tilespmem:v42+s3+$0x0] =	vst.idx.msk vm2, v43  }
0x64: {  	v39 =	vadd.s32 v49, v44;
	v41 =	vshll.u32 v40, $0x5;
	vm2 =	vge.s32 v47, v31;
	[tilespmem:v36+s31+$0x0] =	vst.idx.msk vm3, v3  }
0x65: {  	v42 =	vsub.s32 v48, v31;
	vm4 =	vmand vm2, vm4;
	v36 =	vsub.s32 v35, v31;
	[tilespmem:v38+s31+$0x0] =	vst.idx.msk vm0, v3  }
0x66: {  	v44 =	vnsel vm4, $0x0, v39;
	vm0 =	vmand vm5, vm4;
	v38 =	vsub.s32 v33, v31  }
.Ltmp1:
0x67: {  	vm2 =	vlt.s32 v48, v32;
	v41 =	vadd.s32 v42, v41;
	v39 =	vnsel vm4, $0x0, v49;
	(pc) =	sbr.rel @p0 .LBB2_5-.Ltmp1, $4  }
0x68: {  	vm6 =	vge.s32 v35, v31;
	v45 =	vshll.u32 v34, $0x5;
	vm2 =	vmand vm1, vm2  }
0x69: {  	v43 =	vshll.u32 v37, $0x5;
	vm3 =	vge.s32 v33, v31;
	v41 =	vnsel vm2, $0x0, v41  }
0x6a: {  	vm1 =	vlt.s32 v35, v32;
	vm5 =	veq.s32 v48, v40;
	v40 =	vnsel vm2, $0x0, v42  }
0x6b: {  	s11 =	sadd.s32 $0x40, s11;
	v42 =	vadd.s32 v38, v45;
	vm1 =	vmand vm6, vm1;
	[tilespmem:v44+s3+$0x0] =	vst.idx.msk vm4, v46;
	vm4 =	vlt.s32 v33, v32  }
0x6c: {  	_ = 	snop  }
0x6d: {  	vm6 =	vmand vm5, vm2  }
0x6e: {  	vm7 =	veq.s32 v35, v37;
	v54 =	vadd.s32 v36, v43  }
0x6f: {  	v55 =	vsel vm5, $0x0, v3;
	vm3 =	vmand vm3, vm4;
	v35 =	vnsel vm1, $0x0, v54  }
0x70: {  	vm4 =	veq.s32 v33, v34;
	vm5 =	vmand vm7, vm1;
	v56 =	vnsel vm3, $0x0, v42  }
0x71: {  	v57 =	vnsel vm1, $0x0, v36;
	[tilespmem:v41+s3+$0x0] =	vst.idx.msk vm2, v55;
	vm2 =	vmand vm4, vm3  }
0x72: {  	[tilespmem:v39+s31+$0x0] =	vst.idx.msk vm0, v3;
	v58 =	vnsel vm3, $0x0, v38  }
0x73: {  	v59 =	vsel vm7, $0x0, v3;
	[tilespmem:v40+s31+$0x0] =	vst.idx.msk vm6, v3  }
0x74: {  	v60 =	vsel vm4, $0x0, v3;
	[tilespmem:v35+s3+$0x0] =	vst.idx.msk vm1, v59  }
0x75: {  	[tilespmem:v56+s3+$0x0] =	vst.idx.msk vm3, v60  }
0x76: {  	[tilespmem:v57+s31+$0x0] =	vst.idx.msk vm5, v3  }
0x77: {  	[tilespmem:v58+s31+$0x0] =	vst.idx.msk vm2, v3  }
0x78: {  	_ =	strace $0x90000048  }
0x79: {  	s11 =	simm.s32 $0x80;
	v33 =	vld [tilespmem:$0x16280];
	_ =	strace $0x80000049  }
0x7a: {  	v61 =	vld [tilespmem:s11+$0x60]  }
0x7b: {  	v62 =	vld [tilespmem:s11+$0x40]  }
0x7c: {  	v63 =	vld [tilespmem:s11+$0x20]  }
0x7d: {  	v48 =	vld [tilespmem:s11+$0x0]  }
0x7e: {  	v49 =	vimm.s32 $0x0;
	v50 =	vld [tilespmem:s11+$0xFFFFFFE0]  }
0x7f: {  	vm0 =	vlt.s32 v49, $0x10;
	v51 =	vld [tilespmem:s11+$0xFFFFFFC0]  }
0x80: {  	s10 =	simm.s32 $0x0;
	v52 =	vnsel vm0, $0x10, v49;
	v53 =	vld [tilespmem:s11+$0xFFFFFF80]  }
0x81: {  	v54 =	vmov s10;
	v41 =	vadd.s32 v1, v52;
	v44 =	vld [tilespmem:s11+$0xFFFFFFA0];
	vm6 =	vlt.f32 v61, $0.0e+00  }
0x82: {  	vm5 =	vlt.f32 v62, $0.0e+00;
	vm8 =	vgt.f32 v62, $0.0e+00;
	vm7 =	vgt.f32 v61, $0.0e+00  }
0x83: {  	vm3 =	vlt.f32 v48, $0.0e+00;
	vm4 =	vlt.f32 v63, $0.0e+00;
	vm9 =	vgt.f32 v63, $0.0e+00  }
0x84: {  	vm2 =	vlt.f32 v50, $0.0e+00;
	vm10 =	vgt.f32 v50, $0.0e+00;
	vm12 =	vgt.f32 v48, $0.0e+00  }
0x85: {  	vm0 =	vlt.f32 v53, $0.0e+00;
	vm1 =	vgt.f32 v53, $0.0e+00;
	vm13 =	vlt.f32 v51, $0.0e+00  }
0x86: {  	vm11 =	vmor vm1, vm0;
	vm0 =	vlt.f32 v44, $0.0e+00;
	vm1 =	vgt.f32 v44, $0.0e+00  }
0x87: {  	vm2 =	vmor vm10, vm2;
	vm3 =	vmor vm12, vm3;
	vm4 =	vmor vm9, vm4  }
0x88: {  	v55 =	vsel vm11, $0x1, v4;
	vm0 =	vmor vm1, vm0;
	vm1 =	vgt.f32 v51, $0.0e+00  }
0x89: {  	v35 =	vadd.s32 v55, v49;
	v56 =	vsel vm0, $0x1, v4;
	vm1 =	vmor vm1, vm13  }
0x8a: {  	vm5 =	vmor vm8, vm5;
	v36 =	vadd.s32 v56, v35;
	v57 =	vsel vm1, $0x1, v4  }
0x8b: {  	vm6 =	vmor vm7, vm6;
	v58 =	vsel vm2, $0x1, v4;
	v37 =	vadd.s32 v57, v36  }
0x8c: {  	v59 =	vsel vm3, $0x1, v4;
	v60 =	vsel vm4, $0x1, v4;
	v38 =	vadd.s32 v58, v37  }
0x8d: {  	v61 =	vsel vm5, $0x1, v4;
	v63 =	vsel vm6, $0x1, v4;
	v39 =	vadd.s32 v59, v38  }
0x8e: {  	vm13 =	vlt.s32 v35, $0x10;
	vm9 =	vlt.s32 v36, $0x10;
	v40 =	vadd.s32 v60, v39  }
0x8f: {  	vm8 =	vlt.s32 v37, $0x10;
	vm12 =	vlt.s32 v38, $0x10;
	v62 =	vadd.s32 v61, v40  }
0x90: {  	vm10 =	vlt.s32 v39, $0x10;
	vm14 =	vlt.s32 v62, $0x10;
	v34 =	vadd.s32 v63, v62  }
0x91: {  	s13 =	simm.s32 $0x10;
	s12 =	simm.s32 $0x180;
	s11 =	simm.s32 $0x8;
	[tilespmem:v41+s0+$0x0] =	vst.idx.msk vm11, v54;
	vm7 =	vlt.s32 v40, $0x10;
	vm11 =	vlt.s32 v34, $0x10;
	v41 =	vnsel vm14, $0x10, v62  }
.LBB2_7:
0x92: {  	p0 =	slt.u32 s13, $0x7F8;
	v42 =	vld [tilespmem:s12+$0x60];
	v38 =	vnsel vm12, $0x10, v38;
	v39 =	vnsel vm10, $0x10, v39;
	v40 =	vnsel vm7, $0x10, v40  }
0x93: {  	v35 =	vnsel vm13, $0x10, v35;
	v36 =	vnsel vm9, $0x10, v36;
	v37 =	vnsel vm8, $0x10, v37;
	v43 =	vld [tilespmem:s12+$0x40]  }
0x94: {  	v44 =	vnsel vm11, $0x10, v34;
	v41 =	vadd.s32 v1, v41;
	v40 =	vadd.s32 v1, v40;
	v45 =	vld [tilespmem:s12+$0x20]  }
0x95: {  	v37 =	vadd.s32 v1, v37;
	v38 =	vadd.s32 v1, v38;
	v39 =	vadd.s32 v1, v39;
	v46 =	vld [tilespmem:s12+$0x0]  }
0x96: {  	s14 =	sadd.s32 $0x1, s10;
	s15 =	sadd.s32 $0x2, s10;
	v44 =	vadd.s32 v1, v44;
	v35 =	vadd.s32 v1, v35;
	v36 =	vadd.s32 v1, v36;
	v47 =	vld [tilespmem:s12+$0xFFFFFFE0]  }
0x97: {  	v48 =	vmov s11;
	s16 =	sadd.s32 $0x7, s10;
	v50 =	vmov s14;
	v51 =	vmov s15;
	s14 =	sadd.s32 $0x3, s10;
	s15 =	sadd.s32 $0x4, s10;
	v49 =	vld [tilespmem:s12+$0xFFFFFFC0]  }
0x98: {  	v55 =	vmov s16;
	v53 =	vmov s14;
	v54 =	vmov s15;
	s14 =	sadd.s32 $0x5, s10;
	s15 =	sadd.s32 $0x6, s10;
	s10 =	smov.u32 s11;
	v52 =	vld [tilespmem:s12+$0xFFFFFF80]  }
0x99: {  	s11 =	smov.u32 s13;
	v57 =	vmov s14;
	v58 =	vmov s15;
	vm7 =	vlt.f32 v42, $0.0e+00;
	v56 =	vld [tilespmem:s12+$0xFFFFFFA0];
	[tilespmem:v41+s0+$0x0] =	vst.idx.msk vm6, v55  }
0x9a: {  	vm8 =	vlt.f32 v43, $0.0e+00;
	vm9 =	vgt.f32 v43, $0.0e+00;
	vm6 =	vgt.f32 v42, $0.0e+00;
	[tilespmem:v40+s0+$0x0] =	vst.idx.msk vm5, v58  }
0x9b: {  	vm10 =	vgt.f32 v45, $0.0e+00;
	vm11 =	vlt.f32 v46, $0.0e+00;
	vm5 =	vlt.f32 v45, $0.0e+00;
	[tilespmem:v39+s0+$0x0] =	vst.idx.msk vm4, v57  }
0x9c: {  	vm13 =	vgt.f32 v46, $0.0e+00;
	vm4 =	vlt.f32 v47, $0.0e+00;
	vm12 =	vgt.f32 v47, $0.0e+00;
	[tilespmem:v38+s0+$0x0] =	vst.idx.msk vm3, v54  }
0x9d: {  	vm15 =	vlt.f32 v49, $0.0e+00;
	vm3 =	vlt.f32 v52, $0.0e+00;
	vm14 =	vgt.f32 v52, $0.0e+00;
	[tilespmem:v37+s0+$0x0] =	vst.idx.msk vm2, v53  }
0x9e: {  	vm14 =	vmor vm14, vm3;
	vm2 =	vlt.f32 v56, $0.0e+00;
	vm3 =	vgt.f32 v56, $0.0e+00;
	[tilespmem:v36+s0+$0x0] =	vst.idx.msk vm1, v51  }
0x9f: {  	vm1 =	vgt.f32 v49, $0.0e+00;
	v36 =	vsel vm14, $0x1, v4;
	[tilespmem:v35+s0+$0x0] =	vst.idx.msk vm0, v50;
	vm0 =	vmor vm3, vm2  }
0xa0: {  	vm1 =	vmor vm1, vm15;
	v35 =	vadd.s32 v36, v34;
	v34 =	vsel vm0, $0x1, v4  }
0xa1: {  	vm2 =	vmor vm12, vm4;
	v36 =	vadd.s32 v34, v35;
	v34 =	vsel vm1, $0x1, v4  }
0xa2: {  	vm3 =	vmor vm13, vm11;
	v37 =	vadd.s32 v34, v36;
	v34 =	vsel vm2, $0x1, v4  }
0xa3: {  	vm4 =	vmor vm10, vm5;
	v38 =	vadd.s32 v34, v37;
	v34 =	vsel vm3, $0x1, v4  }
0xa4: {  	vm5 =	vmor vm9, vm8;
	[tilespmem:v44+s0+$0x0] =	vst.idx.msk vm14, v48;
	v39 =	vadd.s32 v34, v38;
	v34 =	vsel vm4, $0x1, v4  }
.Ltmp2:
0xa5: {  	vm6 =	vmor vm6, vm7;
	v40 =	vadd.s32 v34, v39;
	v34 =	vsel vm5, $0x1, v4;
	(pc) =	sbr.rel @p0 .LBB2_7-.Ltmp2, $4  }
0xa6: {  	vm7 =	vlt.s32 v40, $0x10;
	v41 =	vadd.s32 v34, v40;
	v34 =	vsel vm6, $0x1, v4  }
0xa7: {  	vm10 =	vlt.s32 v39, $0x10;
	vm14 =	vlt.s32 v41, $0x10;
	v34 =	vadd.s32 v34, v41  }
0xa8: {  	vm9 =	vlt.s32 v36, $0x10;
	vm8 =	vlt.s32 v37, $0x10;
	vm12 =	vlt.s32 v38, $0x10  }
0xa9: {  	s13 =	sadd.s32 $0x8, s13;
	s12 =	sadd.s32 $0x100, s12;
	vm13 =	vlt.s32 v35, $0x10;
	vm11 =	vlt.s32 v34, $0x10;
	v41 =	vnsel vm14, $0x10, v41  }
0xaa: {  	v42 =	vld [tilespmem:s12+$0x40]  }
0xab: {  	v38 =	vnsel vm12, $0x10, v38;
	v39 =	vnsel vm10, $0x10, v39;
	v40 =	vnsel vm7, $0x10, v40;
	v43 =	vld [tilespmem:s12+$0x0]  }
0xac: {  	v35 =	vnsel vm13, $0x10, v35;
	v36 =	vnsel vm9, $0x10, v36;
	v37 =	vnsel vm8, $0x10, v37;
	v45 =	vld [tilespmem:s12+$0xFFFFFFE0]  }
0xad: {  	v44 =	vnsel vm11, $0x10, v34;
	v41 =	vadd.s32 v1, v41;
	v46 =	vld [tilespmem:s12+$0xFFFFFF80];
	v56 =	vimm.s32 $0x0  }
0xae: {  	v47 =	vld [tilespmem:s12+$0xFFFFFFC0];
	v61 =	vimm.s32 $0x0;
	v40 =	vadd.s32 v1, v40;
	v37 =	vadd.s32 v1, v37  }
0xaf: {  	s13 =	sadd.s32 $0x1, s10;
	s14 =	sadd.s32 $0x2, s10;
	v50 =	vld [tilespmem:s12+$0xFFFFFFA0];
	v38 =	vadd.s32 v1, v38;
	v39 =	vadd.s32 v1, v39;
	v35 =	vadd.s32 v1, v35  }
0xb0: {  	s16 =	sadd.s32 $0x3, s10;
	s15 =	sadd.s32 $0x4, s10;
	s17 =	sadd.s32 $0x7, s10;
	v36 =	vadd.s32 v1, v36;
	v49 =	vmov s13;
	v51 =	vmov s14  }
0xb1: {  	v52 =	vmov s16;
	v53 =	vmov s15;
	v55 =	vmov s17  }
0xb2: {  	v54 =	vld [tilespmem:s12+$0x20];
	vm7 =	vlt.f32 v42, $0.0e+00;
	vm14 =	vgt.f32 v42, $0.0e+00;
	vm13 =	vlt.f32 v43, $0.0e+00  }
0xb3: {  	vm8 =	vgt.f32 v46, $0.0e+00;
	vm11 =	vlt.f32 v45, $0.0e+00;
	vm12 =	vlt.f32 v47, $0.0e+00  }
0xb4: {  	vm15 =	vlt.f32 v50, $0.0e+00;
	v56 =	vsel vm7, $0xFFFFFFFF, v56;
	vm7 =	vlt.f32 v46, $0.0e+00  }
0xb5: {  	vm9 =	vgt.f32 v47, $0.0e+00;
	vm7 =	vmor vm8, vm7;
	vm8 =	vgt.f32 v50, $0.0e+00  }
0xb6: {  	vm10 =	vgt.f32 v45, $0.0e+00;
	v42 =	vsel vm7, $0xFFFFFFFF, v61;
	vm15 =	vmor vm8, vm15  }
0xb7: {  	vm8 =	vmor vm9, vm12;
	vm12 =	vlt.f32 v54, $0.0e+00;
	v62 =	vsel vm7, $0x1, v4  }
0xb8: {  	vm9 =	vmor vm10, vm11;
	vm7 =	vgt.f32 v43, $0.0e+00;
	v34 =	vadd.s32 v62, v34  }
0xb9: {  	s18 =	sadd.s32 $0x6, s10;
	[tilespmem:$0x1FFE0] =	vst v56;
	v50 =	vsel vm15, $0x1, v4;
	v56 =	vsel vm8, $0x1, v4;
	vm10 =	vmor vm7, vm13  }
0xba: {  	v60 =	vld [tilespmem:$0x1FFE0];
	vm7 =	vgt.f32 v54, $0.0e+00;
	v57 =	vsel vm9, $0x1, v4;
	v62 =	vmov s18  }
0xbb: {  	[tilespmem:$0x1FFF0] =	vst v42;
	v42 =	vadd.s32 v50, v34;
	v58 =	vsel vm10, $0x1, v4;
	vm12 =	vmor vm7, vm12  }
0xbc: {  	v63 =	vld [tilespmem:s12+$0x60];
	[tilespmem:v35+s0+$0x0] =	vst.idx.msk vm0, v49;
	vm0 =	vlt.s32 v34, $0x10;
	v43 =	vadd.s32 v56, v42;
	v59 =	vsel vm12, $0x1, v4  }
0xbd: {  	[tilespmem:v38+s0+$0x0] =	vst.idx.msk vm3, v53;
	vm3 =	vlt.s32 v42, $0x10;
	v34 =	vnsel vm0, $0x10, v34;
	v46 =	vadd.s32 v57, v43  }
0xbe: {  	[tilespmem:v36+s0+$0x0] =	vst.idx.msk vm1, v51;
	vm1 =	vlt.s32 v43, $0x10;
	v34 =	vadd.s32 v1, v34;
	v47 =	vadd.s32 v58, v46  }
0xbf: {  	s14 =	sadd.s32 $0x7, s11;
	[tilespmem:v37+s0+$0x0] =	vst.idx.msk vm2, v52;
	vm7 =	vnez.u8 v60;
	vm2 =	vlt.s32 v46, $0x10;
	v58 =	vnsel vm1, $0x10, v43  }
0xc0: {  	s13 =	sadd.s32 $0x5, s10;
	[tilespmem:v41+s0+$0x0] =	vst.idx.msk vm6, v55;
	v60 =	vmov s14;
	vm13 =	vmor vm14, vm7;
	v50 =	vadd.s32 v59, v47  }
0xc1: {  	[tilespmem:v40+s0+$0x0] =	vst.idx.msk vm5, v62;
	vm7 =	vlt.f32 v63, $0.0e+00;
	vm6 =	vgt.f32 v63, $0.0e+00;
	v63 =	vmov s13  }
0xc2: {  	v57 =	vnsel vm2, $0x10, v46;
	v35 =	vadd.s32 v1, v58;
	v61 =	vsel vm13, $0x1, v4;
	[tilespmem:v39+s0+$0x0] =	vst.idx.msk vm4, v63  }
0xc3: {  	v36 =	vadd.s32 v1, v57;
	v45 =	vadd.s32 v61, v50;
	vm4 =	vlt.s32 v50, $0x10;
	v40 =	vld [tilespmem:$0x1FFF0]  }
0xc4: {  	vm5 =	vmor vm6, vm7;
	vm7 =	vlt.s32 v47, $0x10;
	v55 =	vnsel vm4, $0x10, v50  }
0xc5: {  	s14 =	sadd.s32 $0x1, s11;
	vm6 =	vlt.s32 v45, $0x10;
	v56 =	vnsel vm7, $0x10, v47;
	v38 =	vadd.s32 v1, v55  }
0xc6: {  	s18 =	sadd.s32 $0x3, s11;
	v43 =	vmov s14;
	v54 =	vnsel vm6, $0x10, v45;
	v37 =	vadd.s32 v1, v56  }
0xc7: {  	s17 =	sadd.s32 $0x4, s11;
	v41 =	vmov s18;
	v59 =	vnsel vm3, $0x10, v42;
	[tilespmem:v34+s0+$0x0] =	vst.idx.msk vm15, v43;
	v39 =	vadd.s32 v1, v54  }
0xc8: {  	s15 =	sadd.s32 $0x6, s11;
	v63 =	vmov s17;
	[tilespmem:v35+s0+$0x0] =	vst.idx.msk vm9, v41;
	vm1 =	vnez.u8 v40;
	v40 =	vadd.s32 v1, v59  }
0xc9: {  	v44 =	vadd.s32 v1, v44;
	s16 =	sadd.s32 $0x5, s11;
	v61 =	vmov s15;
	[tilespmem:v36+s0+$0x0] =	vst.idx.msk vm10, v63  }
0xca: {  	v62 =	vmov s16;
	[tilespmem:v38+s0+$0x0] =	vst.idx.msk vm13, v61  }
0xcb: {  	s13 =	sadd.s32 $0x2, s11;
	[tilespmem:v37+s0+$0x0] =	vst.idx.msk vm12, v62  }
0xcc: {  	v42 =	vmov s13;
	[tilespmem:v39+s0+$0x0] =	vst.idx.msk vm5, v60  }
0xcd: {  	v48 =	vmov s11;
	[tilespmem:v40+s0+$0x0] =	vst.idx.msk vm8, v42  }
0xce: {  	[tilespmem:v44+s0+$0x0] =	vst.idx.msk vm1, v48  }
0xcf: {  	_ =	strace $0x90000049  }
0xd0: {  	vm0 =	vgt.f32 v33, $0.0e+00;
	v44 =	vsel vm5, $0x1, v4;
	v46 =	vld.idx.msk [tilespmem:v1+s0+$0x0], $0xffff  }
0xd1: {  	v47 =	vsel vm0, $0xFFFFFFFF, v4;
	v34 =	vadd.s32 v44, v45  }
0xd2: {  	vm1 =	vle.s32 v34, v47  }
0xd3: {  	v48 =	vsel vm0, v1, v5;
	vm1 =	vmor vm0, vm1  }
0xd4: {  	v49 =	vsel vm1, $0x0, v3  }
0xd5: {  	v50 =	vor.u32 v0, v31;
	v36 =	vsel vm0, $0x40000000, v49;
	v33 =	vsel vm1, $0x800, v46  }
0xd6: {  	[tilespmem:v0+s25+$0x0] =	vst.idx.msk $0xffff, v36;
	v33 =	vsel vm0, v50, v33  }
0xd7: {  	[tilespmem:v0+s26+$0x0] =	vst.idx.msk $0xffff, v33  }
0xd8: {  	v33 =	vld.idx.msk [tilespmem:v48+s0+$0x0], $0xffff  }
0xd9: {  	v51 =	vsel vm0, $0x1, v7  }
0xda: {  	v52 =	vadd.s32 v1, v51;
	vm1 =	vmneg vm0  }
0xdb: {  	v53 =	vsel vm1, $0x1, v4  }
0xdc: {  	vm1 =	vgt.s32 v34, v53  }
0xdd: {  	v33 =	vnsel vm1, $0x800, v33  }
0xde: {  	[tilespmem:v6+s26+$0x0] =	vst.idx.msk $0xffff, v33  }
0xdf: {  	v33 =	vld.idx.msk [tilespmem:v52+s0+$0x0], $0xffff  }
0xe0: {  	v54 =	vsel vm0, $0x2, v9  }
0xe1: {  	v55 =	vadd.s32 v1, v54;
	_ =	sdelay $0x1  }
0xe2: {  	vm1 =	vlt.s32 v51, v34  }
0xe3: {  	v33 =	vnsel vm1, $0x800, v33  }
0xe4: {  	[tilespmem:v8+s26+$0x0] =	vst.idx.msk $0xffff, v33  }
0xe5: {  	v33 =	vld.idx.msk [tilespmem:v55+s0+$0x0], $0xffff  }
0xe6: {  	v56 =	vsel vm0, $0x3, v11  }
0xe7: {  	v57 =	vadd.s32 v1, v56;
	_ =	sdelay $0x1  }
0xe8: {  	vm1 =	vlt.s32 v54, v34  }
0xe9: {  	v33 =	vnsel vm1, $0x800, v33  }
0xea: {  	[tilespmem:v10+s26+$0x0] =	vst.idx.msk $0xffff, v33  }
0xeb: {  	v33 =	vld.idx.msk [tilespmem:v57+s0+$0x0], $0xffff  }
0xec: {  	v58 =	vsel vm0, $0x4, v13  }
0xed: {  	v59 =	vadd.s32 v1, v58;
	_ =	sdelay $0x1  }
0xee: {  	vm1 =	vlt.s32 v56, v34  }
0xef: {  	v33 =	vnsel vm1, $0x800, v33  }
0xf0: {  	[tilespmem:v12+s26+$0x0] =	vst.idx.msk $0xffff, v33  }
0xf1: {  	v33 =	vld.idx.msk [tilespmem:v59+s0+$0x0], $0xffff  }
0xf2: {  	v60 =	vsel vm0, $0x5, v15  }
0xf3: {  	v61 =	vadd.s32 v1, v60;
	_ =	sdelay $0x1  }
0xf4: {  	vm1 =	vlt.s32 v58, v34  }
0xf5: {  	v33 =	vnsel vm1, $0x800, v33  }
0xf6: {  	[tilespmem:v14+s26+$0x0] =	vst.idx.msk $0xffff, v33  }
0xf7: {  	v33 =	vld.idx.msk [tilespmem:v61+s0+$0x0], $0xffff  }
0xf8: {  	v62 =	vsel vm0, $0x6, v17  }
0xf9: {  	v63 =	vadd.s32 v1, v62;
	_ =	sdelay $0x1  }
0xfa: {  	vm1 =	vlt.s32 v60, v34  }
0xfb: {  	v33 =	vnsel vm1, $0x800, v33  }
0xfc: {  	[tilespmem:v16+s26+$0x0] =	vst.idx.msk $0xffff, v33  }
0xfd: {  	v33 =	vld.idx.msk [tilespmem:v63+s0+$0x0], $0xffff  }
0xfe: {  	v40 =	vsel vm0, $0x7, v19  }
0xff: {  	v41 =	vadd.s32 v1, v40;
	_ =	sdelay $0x1  }
0x100: {  	vm1 =	vlt.s32 v62, v34  }
0x101: {  	v33 =	vnsel vm1, $0x800, v33  }
0x102: {  	[tilespmem:v18+s26+$0x0] =	vst.idx.msk $0xffff, v33  }
0x103: {  	v33 =	vld.idx.msk [tilespmem:v41+s0+$0x0], $0xffff  }
0x104: {  	v42 =	vsel vm0, $0x8, v21  }
0x105: {  	v43 =	vadd.s32 v1, v42;
	_ =	sdelay $0x1  }
0x106: {  	vm1 =	vlt.s32 v40, v34  }
0x107: {  	v33 =	vnsel vm1, $0x800, v33  }
0x108: {  	[tilespmem:v20+s26+$0x0] =	vst.idx.msk $0xffff, v33  }
0x109: {  	v33 =	vld.idx.msk [tilespmem:v43+s0+$0x0], $0xffff  }
0x10a: {  	v44 =	vsel vm0, $0x9, v23  }
0x10b: {  	v45 =	vadd.s32 v1, v44;
	_ =	sdelay $0x1  }
0x10c: {  	vm1 =	vlt.s32 v42, v34  }
0x10d: {  	v33 =	vnsel vm1, $0x800, v33  }
0x10e: {  	[tilespmem:v22+s26+$0x0] =	vst.idx.msk $0xffff, v33  }
0x10f: {  	v33 =	vld.idx.msk [tilespmem:v45+s0+$0x0], $0xffff  }
0x110: {  	v46 =	vsel vm0, $0xA, v25  }
0x111: {  	v47 =	vadd.s32 v1, v46;
	_ =	sdelay $0x1  }
0x112: {  	vm1 =	vlt.s32 v44, v34  }
0x113: {  	v33 =	vnsel vm1, $0x800, v33  }
0x114: {  	[tilespmem:v24+s26+$0x0] =	vst.idx.msk $0xffff, v33  }
0x115: {  	v33 =	vld.idx.msk [tilespmem:v47+s0+$0x0], $0xffff  }
0x116: {  	v48 =	vsel vm0, $0xB, v27  }
0x117: {  	v49 =	vadd.s32 v1, v48;
	_ =	sdelay $0x1  }
0x118: {  	vm1 =	vlt.s32 v46, v34  }
0x119: {  	v33 =	vnsel vm1, $0x800, v33  }
0x11a: {  	[tilespmem:v26+s26+$0x0] =	vst.idx.msk $0xffff, v33  }
0x11b: {  	v33 =	vld.idx.msk [tilespmem:v49+s0+$0x0], $0xffff  }
0x11c: {  	v50 =	vor.u32 $0x180, v0;
	v51 =	vsel vm0, $0xC, v28  }
0x11d: {  	v52 =	vadd.s32 v1, v51;
	_ =	sdelay $0x1  }
0x11e: {  	vm1 =	vlt.s32 v48, v34  }
0x11f: {  	v33 =	vnsel vm1, $0x800, v33  }
0x120: {  	[tilespmem:v50+s26+$0x0] =	vst.idx.msk $0xffff, v33  }
0x121: {  	v33 =	vld.idx.msk [tilespmem:v52+s0+$0x0], $0xffff  }
0x122: {  	v53 =	vor.u32 $0x1A0, v0;
	v54 =	vsel vm0, $0xD, v29  }
0x123: {  	v55 =	vadd.s32 v1, v54;
	_ =	sdelay $0x1  }
0x124: {  	vm1 =	vlt.s32 v51, v34  }
0x125: {  	v33 =	vnsel vm1, $0x800, v33  }
0x126: {  	[tilespmem:v53+s26+$0x0] =	vst.idx.msk $0xffff, v33  }
0x127: {  	v33 =	vld.idx.msk [tilespmem:v55+s0+$0x0], $0xffff  }
0x128: {  	v56 =	vor.u32 $0x1C0, v0;
	v57 =	vsel vm0, $0xE, v30  }
0x129: {  	v58 =	vadd.s32 v1, v57;
	_ =	sdelay $0x1  }
0x12a: {  	vm0 =	vlt.s32 v54, v34  }
0x12b: {  	v33 =	vnsel vm0, $0x800, v33  }
0x12c: {  	[tilespmem:v56+s26+$0x0] =	vst.idx.msk $0xffff, v33  }
0x12d: {  	v33 =	vld.idx.msk [tilespmem:v58+s0+$0x0], $0xffff  }
0x12e: {  	v59 =	vor.u32 $0x1E0, v0;
	_ =	sdelay $0x2  }
0x12f: {  	vm0 =	vlt.s32 v57, v34  }
0x130: {  	v33 =	vnsel vm0, $0x800, v33  }
0x131: {  	[tilespmem:v59+s26+$0x0] =	vst.idx.msk $0xffff, v33  }
0x132: {  	s13 =	simm.s32 $0x50;
	v34 =	vld [tilespmem:$0x16290];
	_ =	strace $0x8000004A  }
0x133: {  	v60 =	vld [tilespmem:s13+$0x40]  }
0x134: {  	v61 =	vld [tilespmem:s13+$0x20]  }
0x135: {  	v62 =	vld [tilespmem:s13+$0x0]  }
0x136: {  	s12 =	simm.s32 $0xE0;
	v63 =	vimm.s32 $0x0;
	v45 =	vld [tilespmem:s13+$0xFFFFFFE0]  }
0x137: {  	s16 =	simm.s32 $0xC0;
	s15 =	sor.u32 $0x70, s12;
	vm0 =	vlt.s32 v63, $0x10;
	v46 =	vld [tilespmem:s13+$0xFFFFFFC0]  }
0x138: {  	s10 =	simm.s32 $0x0;
	s11 =	sor.u32 $0x50, s16;
	s17 =	simm.s32 $0xA0;
	v33 =	vadd.s32 $0x110, v1;
	v47 =	vnsel vm0, $0x10, v63;
	v48 =	vld [tilespmem:s15+$0x0]  }
0x139: {  	s18 =	sor.u32 $0x30, s17;
	v49 =	vmov s10;
	v41 =	vadd.s32 v33, v47;
	v50 =	vld [tilespmem:s11+$0x0];
	vm0 =	vlt.f32 v60, $0.0e+00  }
0x13a: {  	v51 =	vld [tilespmem:s18+$0x0];
	vm3 =	vlt.f32 v61, $0.0e+00;
	vm4 =	vgt.f32 v61, $0.0e+00;
	vm1 =	vgt.f32 v60, $0.0e+00  }
0x13b: {  	vm5 =	vlt.f32 v45, $0.0e+00;
	vm6 =	vlt.f32 v62, $0.0e+00;
	vm8 =	vgt.f32 v62, $0.0e+00  }
0x13c: {  	vm7 =	vlt.f32 v46, $0.0e+00;
	vm9 =	vgt.f32 v46, $0.0e+00;
	vm10 =	vgt.f32 v45, $0.0e+00  }
0x13d: {  	vm11 =	vlt.f32 v48, $0.0e+00;
	vm12 =	vgt.f32 v48, $0.0e+00;
	vm2 =	vmor vm1, vm0  }
0x13e: {  	vm7 =	vmor vm9, vm7;
	vm1 =	vmor vm8, vm6;
	vm3 =	vmor vm4, vm3  }
0x13f: {  	vm0 =	vmor vm10, vm5;
	vm5 =	vlt.f32 v50, $0.0e+00;
	vm4 =	vlt.f32 v51, $0.0e+00  }
0x140: {  	vm6 =	vgt.f32 v51, $0.0e+00;
	v52 =	vsel vm7, $0x1, v4;
	v53 =	vsel vm2, $0x1, v4  }
0x141: {  	v54 =	vsel vm0, $0x1, v4;
	v55 =	vsel vm1, $0x1, v4;
	v56 =	vsel vm3, $0x1, v4  }
0x142: {  	vm4 =	vmor vm6, vm4;
	vm6 =	vgt.f32 v50, $0.0e+00;
	v37 =	vadd.s32 v52, v63  }
0x143: {  	v59 =	vsel vm4, $0x1, v4;
	vm5 =	vmor vm6, vm5;
	v38 =	vadd.s32 v54, v37  }
0x144: {  	vm6 =	vmor vm12, vm11;
	v61 =	vsel vm5, $0x1, v4;
	v39 =	vadd.s32 v55, v38  }
0x145: {  	v63 =	vsel vm6, $0x1, v4;
	vm11 =	vlt.s32 v37, $0x10;
	v57 =	vadd.s32 v56, v39  }
0x146: {  	vm9 =	vlt.s32 v38, $0x10;
	vm8 =	vlt.s32 v39, $0x10;
	v58 =	vadd.s32 v53, v57  }
0x147: {  	vm15 =	vlt.s32 v57, $0x10;
	v60 =	vadd.s32 v59, v58;
	vm13 =	vlt.s32 v58, $0x10  }
0x148: {  	v42 =	vnsel vm15, $0x10, v57;
	vm12 =	vlt.s32 v60, $0x10;
	v62 =	vadd.s32 v61, v60  }
0x149: {  	[tilespmem:v41+s0+$0x0] =	vst.idx.msk vm7, v49;
	v41 =	vnsel vm13, $0x10, v58;
	vm14 =	vlt.s32 v62, $0x10;
	v35 =	vadd.s32 v63, v62  }
0x14a: {  	s14 =	simm.s32 $0x10;
	v36 =	vmovc v33;
	s11 =	simm.s32 $0x8;
	v43 =	vnsel vm12, $0x10, v60;
	vm10 =	vlt.s32 v35, $0x10;
	v40 =	vnsel vm14, $0x10, v62  }
.LBB2_9:
0x14b: {  	p0 =	slt.u32 s14, $0x7F8;
	v37 =	vnsel vm11, $0x10, v37;
	v38 =	vnsel vm9, $0x10, v38;
	v39 =	vnsel vm8, $0x10, v39;
	s13 =	sadd.s32 $0x100, s13  }
0x14c: {  	v44 =	vnsel vm10, $0x10, v35;
	v43 =	vadd.s32 v36, v43;
	v40 =	vadd.s32 v36, v40;
	v45 =	vld [tilespmem:s13+$0x40]  }
0x14d: {  	v42 =	vadd.s32 v36, v42;
	v41 =	vadd.s32 v36, v41;
	v39 =	vadd.s32 v36, v39;
	v46 =	vld [tilespmem:s13+$0x20]  }
0x14e: {  	s15 =	sadd.s32 $0x1, s10;
	v44 =	vadd.s32 v33, v44;
	v37 =	vadd.s32 v36, v37;
	v38 =	vadd.s32 v36, v38;
	v36 =	vmovc v33;
	v47 =	vld [tilespmem:s13+$0x0]  }
0x14f: {  	v48 =	vmov s11;
	s16 =	sadd.s32 $0x2, s10;
	s17 =	sadd.s32 $0x7, s10;
	s12 =	sadd.s32 $0x100, s12;
	v49 =	vld [tilespmem:s13+$0xFFFFFFE0]  }
0x150: {  	s18 =	sor.u32 $0x70, s12;
	v51 =	vmov s15;
	v52 =	vmov s16;
	s15 =	sadd.s32 $0x3, s10;
	s16 =	sadd.s32 $0x6, s10;
	v53 =	vmov s17;
	v50 =	vld [tilespmem:s13+$0xFFFFFFC0]  }
0x151: {  	s17 =	sadd.s32 $0x5, s10;
	v55 =	vmov s15;
	s15 =	sadd.s32 $0x4, s10;
	v56 =	vmov s16;
	s10 =	smov.u32 s11;
	v54 =	vld [tilespmem:s18+$0x0];
	[tilespmem:v40+s0+$0x0] =	vst.idx.msk vm6, v53  }
0x152: {  	s16 =	sadd.s32 $0xFFFFFFE0, s12;
	s11 =	smov.u32 s14;
	vm6 =	vlt.f32 v45, $0.0e+00;
	v40 =	vmov s15;
	v53 =	vmov s17;
	[tilespmem:v43+s0+$0x0] =	vst.idx.msk vm5, v56  }
0x153: {  	vm7 =	vgt.f32 v45, $0.0e+00;
	s15 =	sor.u32 $0x50, s16;
	vm5 =	vlt.f32 v46, $0.0e+00;
	vm8 =	vgt.f32 v46, $0.0e+00;
	[tilespmem:v41+s0+$0x0] =	vst.idx.msk vm4, v53  }
0x154: {  	s16 =	sadd.s32 $0xFFFFFFC0, s12;
	vm9 =	vlt.f32 v47, $0.0e+00;
	vm10 =	vgt.f32 v47, $0.0e+00;
	vm4 =	vlt.f32 v49, $0.0e+00;
	v41 =	vld [tilespmem:s15+$0x0];
	[tilespmem:v42+s0+$0x0] =	vst.idx.msk vm2, v40  }
0x155: {  	vm13 =	vgt.f32 v49, $0.0e+00;
	s15 =	sor.u32 $0x30, s16;
	vm11 =	vlt.f32 v50, $0.0e+00;
	vm12 =	vgt.f32 v50, $0.0e+00;
	[tilespmem:v39+s0+$0x0] =	vst.idx.msk vm3, v55  }
0x156: {  	vm2 =	vmor vm7, vm6;
	v40 =	vld [tilespmem:s15+$0x0];
	vm6 =	vlt.f32 v54, $0.0e+00;
	vm7 =	vgt.f32 v54, $0.0e+00;
	[tilespmem:v38+s0+$0x0] =	vst.idx.msk vm1, v52  }
0x157: {  	vm3 =	vmor vm8, vm5;
	vm11 =	vmor vm12, vm11;
	vm1 =	vmor vm10, vm9;
	[tilespmem:v37+s0+$0x0] =	vst.idx.msk vm0, v51  }
0x158: {  	v42 =	vsel vm2, $0x1, v4;
	v37 =	vsel vm11, $0x1, v4;
	vm0 =	vmor vm13, vm4  }
0x159: {  	v37 =	vadd.s32 v37, v35;
	v35 =	vsel vm0, $0x1, v4;
	vm5 =	vlt.f32 v41, $0.0e+00  }
0x15a: {  	v43 =	vsel vm3, $0x1, v4;
	v38 =	vadd.s32 v35, v37;
	v35 =	vsel vm1, $0x1, v4  }
0x15b: {  	v39 =	vadd.s32 v35, v38;
	vm4 =	vlt.f32 v40, $0.0e+00;
	vm8 =	vgt.f32 v40, $0.0e+00  }
0x15c: {  	v43 =	vadd.s32 v43, v39;
	vm4 =	vmor vm8, vm4;
	vm8 =	vgt.f32 v41, $0.0e+00  }
0x15d: {  	v41 =	vadd.s32 v42, v43;
	[tilespmem:v44+s0+$0x0] =	vst.idx.msk vm11, v48;
	v35 =	vsel vm4, $0x1, v4;
	vm5 =	vmor vm8, vm5  }
0x15e: {  	vm6 =	vmor vm7, vm6;
	v44 =	vadd.s32 v35, v41;
	v35 =	vsel vm5, $0x1, v4  }
.Ltmp3:
0x15f: {  	vm7 =	vlt.s32 v44, $0x10;
	v40 =	vadd.s32 v35, v44;
	v35 =	vsel vm6, $0x1, v4;
	(pc) =	sbr.rel @p0 .LBB2_9-.Ltmp3, $4  }
0x160: {  	vm12 =	vlt.s32 v41, $0x10;
	vm13 =	vlt.s32 v40, $0x10;
	v35 =	vadd.s32 v35, v40  }
0x161: {  	vm9 =	vlt.s32 v38, $0x10;
	vm14 =	vlt.s32 v43, $0x10;
	vm8 =	vlt.s32 v39, $0x10  }
0x162: {  	vm11 =	vlt.s32 v37, $0x10;
	vm10 =	vlt.s32 v35, $0x10;
	v40 =	vnsel vm13, $0x10, v40  }
0x163: {  	s14 =	sadd.s32 $0x8, s14;
	v42 =	vnsel vm14, $0x10, v43;
	v41 =	vnsel vm12, $0x10, v41;
	v43 =	vnsel vm7, $0x10, v44  }
0x164: {  	s13 =	sadd.s32 $0x100, s13  }
0x165: {  	v44 =	vld [tilespmem:s13+$0x40]  }
0x166: {  	v37 =	vnsel vm11, $0x10, v37;
	v38 =	vnsel vm9, $0x10, v38;
	v39 =	vnsel vm8, $0x10, v39;
	v45 =	vld [tilespmem:s13+$0x20]  }
0x167: {  	v46 =	vnsel vm10, $0x10, v35;
	v43 =	vadd.s32 v36, v43;
	v40 =	vadd.s32 v36, v40;
	v47 =	vld [tilespmem:s13+$0x0]  }
0x168: {  	v42 =	vadd.s32 v36, v42;
	v41 =	vadd.s32 v36, v41;
	v39 =	vadd.s32 v36, v39;
	v48 =	vld [tilespmem:s13+$0xFFFFFFE0]  }
0x169: {  	s14 =	sadd.s32 $0x1, s10;
	s15 =	sadd.s32 $0x2, s10;
	s17 =	sadd.s32 $0x7, s10;
	v46 =	vadd.s32 v33, v46;
	v37 =	vadd.s32 v36, v37;
	v49 =	vld [tilespmem:s13+$0xFFFFFFC0];
	v36 =	vadd.s32 v36, v38  }
0x16a: {  	s12 =	sadd.s32 $0x100, s12;
	s18 =	sadd.s32 $0x3, s10;
	s16 =	sadd.s32 $0x6, s10;
	v38 =	vmov s11;
	v50 =	vmov s14;
	v51 =	vmov s15  }
0x16b: {  	v52 =	vmov s17;
	v53 =	vmov s18;
	v54 =	vmov s16;
	s18 =	sadd.s32 $0xFFFFFFC0, s12;
	s16 =	sadd.s32 $0x5, s10  }
0x16c: {  	s14 =	sor.u32 $0x30, s18;
	[tilespmem:v40+s0+$0x0] =	vst.idx.msk vm6, v52;
	v52 =	vmov s16;
	vm7 =	vlt.f32 v44, $0.0e+00;
	vm9 =	vlt.f32 v45, $0.0e+00  }
0x16d: {  	v61 =	vld [tilespmem:s14+$0x0];
	vm10 =	vgt.f32 v45, $0.0e+00;
	vm8 =	vgt.f32 v44, $0.0e+00;
	vm12 =	vlt.f32 v48, $0.0e+00  }
0x16e: {  	s17 =	sadd.s32 $0xFFFFFFE0, s12;
	vm13 =	vlt.f32 v47, $0.0e+00;
	vm11 =	vlt.f32 v49, $0.0e+00;
	vm14 =	vgt.f32 v49, $0.0e+00  }
0x16f: {  	s13 =	sor.u32 $0x50, s17;
	vm7 =	vmor vm8, vm7;
	vm8 =	vgt.f32 v47, $0.0e+00;
	vm11 =	vmor vm14, vm11  }
0x170: {  	s12 =	sor.u32 $0x70, s12;
	v44 =	vld [tilespmem:s13+$0x0];
	vm14 =	vgt.f32 v48, $0.0e+00;
	vm10 =	vmor vm10, vm9;
	vm8 =	vmor vm8, vm13  }
0x171: {  	v49 =	vld [tilespmem:s12+$0x0];
	v62 =	vsel vm11, $0x1, v4;
	vm9 =	vmor vm14, vm12;
	v63 =	vsel vm7, $0x1, v4  }
0x172: {  	v56 =	vsel vm10, $0x1, v4;
	vm12 =	vlt.f32 v61, $0.0e+00;
	vm14 =	vgt.f32 v61, $0.0e+00  }
0x173: {  	v35 =	vadd.s32 v62, v35;
	v59 =	vsel vm9, $0x1, v4;
	vm12 =	vmor vm14, vm12  }
0x174: {  	v55 =	vsel vm8, $0x1, v4;
	v47 =	vadd.s32 v59, v35;
	v62 =	vsel vm12, $0x1, v4  }
0x175: {  	[tilespmem:v37+s0+$0x0] =	vst.idx.msk vm0, v50;
	vm0 =	vlt.s32 v35, $0x10;
	vm13 =	vlt.f32 v44, $0.0e+00;
	v55 =	vadd.s32 v55, v47  }
0x176: {  	vm14 =	vgt.f32 v44, $0.0e+00;
	vm6 =	vlt.f32 v49, $0.0e+00;
	v35 =	vnsel vm0, $0x10, v35  }
0x177: {  	v60 =	vadd.s32 v56, v55;
	vm13 =	vmor vm14, vm13;
	vm14 =	vgt.f32 v49, $0.0e+00  }
0x178: {  	s15 =	sadd.s32 $0x4, s10;
	[tilespmem:v36+s0+$0x0] =	vst.idx.msk vm1, v51;
	vm1 =	vlt.s32 v55, $0x10;
	v35 =	vadd.s32 v33, v35;
	v61 =	vadd.s32 v63, v60  }
0x179: {  	[tilespmem:v43+s0+$0x0] =	vst.idx.msk vm5, v54;
	v63 =	vmov s15;
	v57 =	vsel vm13, $0x1, v4;
	vm5 =	vmor vm14, vm6  }
0x17a: {  	[tilespmem:v39+s0+$0x0] =	vst.idx.msk vm3, v53;
	vm3 =	vlt.s32 v60, $0x10;
	v48 =	vadd.s32 v62, v61;
	vm15 =	vlt.s32 v61, $0x10  }
0x17b: {  	s17 =	sadd.s32 $0x7, s11;
	[tilespmem:v42+s0+$0x0] =	vst.idx.msk vm2, v63;
	vm2 =	vlt.s32 v47, $0x10;
	v59 =	vnsel vm3, $0x10, v60;
	v60 =	vnsel vm1, $0x10, v55  }
0x17c: {  	v62 =	vmov s17;
	v40 =	vadd.s32 v57, v48;
	v36 =	vadd.s32 v33, v59  }
0x17d: {  	[tilespmem:v41+s0+$0x0] =	vst.idx.msk vm4, v52;
	s17 =	sadd.s32 $0x1, s11;
	vm4 =	vlt.s32 v48, $0x10;
	v58 =	vnsel vm15, $0x10, v61;
	v37 =	vadd.s32 v33, v60  }
0x17e: {  	v61 =	vnsel vm2, $0x10, v47;
	v49 =	vmov s17;
	v39 =	vadd.s32 v33, v58  }
0x17f: {  	s14 =	sadd.s32 $0x4, s11;
	[tilespmem:v46+s0+$0x0] =	vst.idx.msk vm11, v38;
	vm14 =	vlt.s32 v40, $0x10;
	v57 =	vnsel vm4, $0x10, v48;
	v38 =	vadd.s32 v33, v61  }
0x180: {  	s15 =	sadd.s32 $0x3, s11;
	v46 =	vmov s14;
	v54 =	vnsel vm14, $0x10, v40;
	v42 =	vadd.s32 v33, v57;
	[tilespmem:v35+s0+$0x0] =	vst.idx.msk vm9, v49  }
0x181: {  	s13 =	sadd.s32 $0x5, s11;
	v47 =	vmov s15;
	v41 =	vadd.s32 v33, v54;
	[tilespmem:v36+s0+$0x0] =	vst.idx.msk vm7, v46  }
0x182: {  	s16 =	sadd.s32 $0x2, s11;
	v45 =	vmov s13;
	[tilespmem:v37+s0+$0x0] =	vst.idx.msk vm10, v47  }
0x183: {  	s18 =	sadd.s32 $0x6, s11;
	v48 =	vmov s16;
	[tilespmem:v39+s0+$0x0] =	vst.idx.msk vm12, v45  }
0x184: {  	v63 =	vmov s18;
	[tilespmem:v38+s0+$0x0] =	vst.idx.msk vm8, v48  }
0x185: {  	[tilespmem:v42+s0+$0x0] =	vst.idx.msk vm13, v63  }
0x186: {  	[tilespmem:v41+s0+$0x0] =	vst.idx.msk vm5, v62  }
0x187: {  	_ =	strace $0x9000004A  }
0x188: {  	vm0 =	vgt.f32 v34, $0.0e+00;
	v50 =	vsel vm5, $0x1, v4;
	v51 =	vld.idx.msk [tilespmem:v33+s0+$0x0], $0xffff  }
0x189: {  	v52 =	vor.u32 $0x10, v0;
	v53 =	vsel vm0, $0xFFFFFFFF, v4;
	v35 =	vadd.s32 v50, v40  }
0x18a: {  	vm1 =	vle.s32 v35, v53;
	v54 =	vadd.s32 $0x111, v1  }
0x18b: {  	vm1 =	vmor vm0, vm1;
	v37 =	vsel vm0, v33, v54  }
0x18c: {  	v55 =	vsel vm1, $0x0, v3  }
0x18d: {  	v56 =	vor.u32 v52, v31;
	v38 =	vsel vm0, $0x40000000, v55;
	v34 =	vsel vm1, $0x800, v51  }
0x18e: {  	[tilespmem:v52+s25+$0x0] =	vst.idx.msk $0xffff, v38;
	v34 =	vsel vm0, v56, v34  }
0x18f: {  	[tilespmem:v52+s26+$0x0] =	vst.idx.msk $0xffff, v34  }
0x190: {  	v34 =	vld.idx.msk [tilespmem:v37+s0+$0x0], $0xffff  }
0x191: {  	v58 =	vsel vm0, $0x1, v7;
	v57 =	vor.u32 $0x30, v0  }
0x192: {  	v59 =	vadd.s32 v33, v58;
	vm1 =	vmneg vm0  }
0x193: {  	v60 =	vsel vm1, $0x1, v4  }
0x194: {  	vm1 =	vgt.s32 v35, v60  }
0x195: {  	v34 =	vnsel vm1, $0x800, v34  }
0x196: {  	[tilespmem:v57+s26+$0x0] =	vst.idx.msk $0xffff, v34  }
0x197: {  	v34 =	vld.idx.msk [tilespmem:v59+s0+$0x0], $0xffff  }
0x198: {  	v61 =	vor.u32 $0x50, v0;
	v62 =	vsel vm0, $0x2, v9  }
0x199: {  	v63 =	vadd.s32 v33, v62;
	_ =	sdelay $0x1  }
0x19a: {  	vm1 =	vlt.s32 v58, v35  }
0x19b: {  	v34 =	vnsel vm1, $0x800, v34  }
0x19c: {  	[tilespmem:v61+s26+$0x0] =	vst.idx.msk $0xffff, v34  }
0x19d: {  	v34 =	vld.idx.msk [tilespmem:v63+s0+$0x0], $0xffff  }
0x19e: {  	v43 =	vsel vm0, $0x3, v11;
	v42 =	vor.u32 $0x70, v0  }
0x19f: {  	v44 =	vadd.s32 v33, v43;
	_ =	sdelay $0x1  }
0x1a0: {  	vm1 =	vlt.s32 v62, v35  }
0x1a1: {  	v34 =	vnsel vm1, $0x800, v34  }
0x1a2: {  	[tilespmem:v42+s26+$0x0] =	vst.idx.msk $0xffff, v34  }
0x1a3: {  	v34 =	vld.idx.msk [tilespmem:v44+s0+$0x0], $0xffff  }
0x1a4: {  	v46 =	vsel vm0, $0x4, v13;
	v45 =	vor.u32 $0x90, v0  }
0x1a5: {  	v47 =	vadd.s32 v33, v46;
	_ =	sdelay $0x1  }
0x1a6: {  	vm1 =	vlt.s32 v43, v35  }
0x1a7: {  	v34 =	vnsel vm1, $0x800, v34  }
0x1a8: {  	[tilespmem:v45+s26+$0x0] =	vst.idx.msk $0xffff, v34  }
0x1a9: {  	v34 =	vld.idx.msk [tilespmem:v47+s0+$0x0], $0xffff  }
0x1aa: {  	v49 =	vsel vm0, $0x5, v15;
	v48 =	vor.u32 $0xB0, v0  }
0x1ab: {  	v50 =	vadd.s32 v33, v49;
	_ =	sdelay $0x1  }
0x1ac: {  	vm1 =	vlt.s32 v46, v35  }
0x1ad: {  	v34 =	vnsel vm1, $0x800, v34  }
0x1ae: {  	[tilespmem:v48+s26+$0x0] =	vst.idx.msk $0xffff, v34  }
0x1af: {  	v34 =	vld.idx.msk [tilespmem:v50+s0+$0x0], $0xffff  }
0x1b0: {  	v51 =	vor.u32 $0xD0, v0;
	v52 =	vsel vm0, $0x6, v17  }
0x1b1: {  	v53 =	vadd.s32 v33, v52;
	_ =	sdelay $0x1  }
0x1b2: {  	vm1 =	vlt.s32 v49, v35  }
0x1b3: {  	v34 =	vnsel vm1, $0x800, v34  }
0x1b4: {  	[tilespmem:v51+s26+$0x0] =	vst.idx.msk $0xffff, v34  }
0x1b5: {  	v34 =	vld.idx.msk [tilespmem:v53+s0+$0x0], $0xffff  }
0x1b6: {  	v54 =	vor.u32 $0xF0, v0;
	v55 =	vsel vm0, $0x7, v19  }
0x1b7: {  	v56 =	vadd.s32 v33, v55;
	_ =	sdelay $0x1  }
0x1b8: {  	vm1 =	vlt.s32 v52, v35  }
0x1b9: {  	v34 =	vnsel vm1, $0x800, v34  }
0x1ba: {  	[tilespmem:v54+s26+$0x0] =	vst.idx.msk $0xffff, v34  }
0x1bb: {  	v34 =	vld.idx.msk [tilespmem:v56+s0+$0x0], $0xffff  }
0x1bc: {  	v58 =	vsel vm0, $0x8, v21;
	v57 =	vor.u32 $0x110, v0  }
0x1bd: {  	v59 =	vadd.s32 v33, v58;
	_ =	sdelay $0x1  }
0x1be: {  	vm1 =	vlt.s32 v55, v35  }
0x1bf: {  	v34 =	vnsel vm1, $0x800, v34  }
0x1c0: {  	[tilespmem:v57+s26+$0x0] =	vst.idx.msk $0xffff, v34  }
0x1c1: {  	v34 =	vld.idx.msk [tilespmem:v59+s0+$0x0], $0xffff  }
0x1c2: {  	v60 =	vor.u32 $0x130, v0;
	v61 =	vsel vm0, $0x9, v23  }
0x1c3: {  	v62 =	vadd.s32 v33, v61;
	_ =	sdelay $0x1  }
0x1c4: {  	vm1 =	vlt.s32 v58, v35  }
0x1c5: {  	v34 =	vnsel vm1, $0x800, v34  }
0x1c6: {  	[tilespmem:v60+s26+$0x0] =	vst.idx.msk $0xffff, v34  }
0x1c7: {  	v34 =	vld.idx.msk [tilespmem:v62+s0+$0x0], $0xffff  }
0x1c8: {  	v63 =	vor.u32 $0x150, v0;
	v42 =	vsel vm0, $0xA, v25  }
0x1c9: {  	v43 =	vadd.s32 v33, v42;
	_ =	sdelay $0x1  }
0x1ca: {  	vm1 =	vlt.s32 v61, v35  }
0x1cb: {  	v34 =	vnsel vm1, $0x800, v34  }
0x1cc: {  	[tilespmem:v63+s26+$0x0] =	vst.idx.msk $0xffff, v34  }
0x1cd: {  	v34 =	vld.idx.msk [tilespmem:v43+s0+$0x0], $0xffff  }
0x1ce: {  	v44 =	vor.u32 $0x170, v0;
	v45 =	vsel vm0, $0xB, v27  }
0x1cf: {  	v46 =	vadd.s32 v33, v45;
	_ =	sdelay $0x1  }
0x1d0: {  	vm1 =	vlt.s32 v42, v35  }
0x1d1: {  	v34 =	vnsel vm1, $0x800, v34  }
0x1d2: {  	[tilespmem:v44+s26+$0x0] =	vst.idx.msk $0xffff, v34  }
0x1d3: {  	v34 =	vld.idx.msk [tilespmem:v46+s0+$0x0], $0xffff  }
0x1d4: {  	v47 =	vor.u32 $0x190, v0;
	v48 =	vsel vm0, $0xC, v28  }
0x1d5: {  	v49 =	vadd.s32 v33, v48;
	_ =	sdelay $0x1  }
0x1d6: {  	vm1 =	vlt.s32 v45, v35  }
0x1d7: {  	v34 =	vnsel vm1, $0x800, v34  }
0x1d8: {  	[tilespmem:v47+s26+$0x0] =	vst.idx.msk $0xffff, v34  }
0x1d9: {  	v34 =	vld.idx.msk [tilespmem:v49+s0+$0x0], $0xffff  }
0x1da: {  	v50 =	vor.u32 $0x1B0, v0;
	v51 =	vsel vm0, $0xD, v29  }
0x1db: {  	v52 =	vadd.s32 v33, v51;
	_ =	sdelay $0x1  }
0x1dc: {  	vm1 =	vlt.s32 v48, v35  }
0x1dd: {  	v34 =	vnsel vm1, $0x800, v34  }
0x1de: {  	[tilespmem:v50+s26+$0x0] =	vst.idx.msk $0xffff, v34  }
0x1df: {  	v34 =	vld.idx.msk [tilespmem:v52+s0+$0x0], $0xffff  }
0x1e0: {  	v53 =	vor.u32 $0x1D0, v0;
	v54 =	vsel vm0, $0xE, v30  }
0x1e1: {  	v55 =	vadd.s32 v33, v54;
	_ =	sdelay $0x1  }
0x1e2: {  	vm0 =	vlt.s32 v51, v35  }
0x1e3: {  	v34 =	vnsel vm0, $0x800, v34  }
0x1e4: {  	[tilespmem:v53+s26+$0x0] =	vst.idx.msk $0xffff, v34  }
0x1e5: {  	v33 =	vld.idx.msk [tilespmem:v55+s0+$0x0], $0xffff  }
0x1e6: {  	v56 =	vor.u32 $0x1F0, v0;
	_ =	sdelay $0x2  }
0x1e7: {  	vm0 =	vlt.s32 v54, v35  }
0x1e8: {  	v33 =	vnsel vm0, $0x800, v33  }
0x1e9: {  	[tilespmem:v56+s26+$0x0] =	vst.idx.msk $0xffff, v33  }
0x1ea: {  	s18 =	simm.s32 $0x10020;
	_ =	strace $0x8000004B  }
0x1eb: {  	v57 =	vld [tilespmem:s18+$0x10]  }
0x1ec: {  	v58 =	vld [tilespmem:s18+$0xFFFFFFF0];
	_ =	sdelay $0x1  }
0x1ed: {  	v59 =	vld [tilespmem:s18+$0xFFFFFFE0];
	_ =	sdelay $0x1  }
0x1ee: {  	v60 =	vld [tilespmem:s18+$0x0];
	v61 =	vshra.s32 v57, $0xB  }
0x1ef: {  	v33 =	vshra.s32 v58, $0xB;
	v34 =	vshll.u32 v57, $0x5;
	vm0 =	vge.s32 v61, v31  }
0x1f0: {  	vm1 =	vlt.s32 v61, v32;
	v34 =	vand.u32 $0xFFE0, v34;
	v38 =	vsub.s32 v61, v31  }
0x1f1: {  	v62 =	vshra.s32 v59, $0xB;
	vm0 =	vmand vm0, vm1;
	v34 =	vadd.s32 v34, v38  }
0x1f2: {  	v63 =	vshll.u32 v59, $0x5;
	v39 =	vshll.u32 v58, $0x5;
	v34 =	vnsel vm0, $0x0, v34  }
0x1f3: {  	v35 =	vshra.s32 v60, $0xB;
	v36 =	vshll.u32 v60, $0x5;
	vm3 =	vlt.s32 v62, v32  }
0x1f4: {  	s10 =	simm.s32 $0x0;
	s11 =	simm.s32 $0x10060;
	v37 =	vand.u32 $0xFFE0, v63;
	vm1 =	vge.s32 v62, v31;
	v38 =	vsub.s32 v62, v31  }
.LBB2_11:
0x1f5: {  	v40 =	vld [tilespmem:s11+$0x10];
	vm2 =	vge.s32 v33, v31;
	vm4 =	vlt.s32 v33, v32;
	v39 =	vand.u32 $0xFFE0, v39  }
0x1f6: {  	s10 =	sadd.s32 $0x4, s10;
	v33 =	vsub.s32 v33, v31;
	vm5 =	vge.s32 v35, v31;
	vm6 =	vlt.s32 v35, v32;
	v41 =	vld [tilespmem:s11+$0xFFFFFFF0]  }
0x1f7: {  	vm1 =	vmand vm1, vm3;
	v36 =	vand.u32 $0xFFE0, v36;
	v35 =	vsub.s32 v35, v31;
	p0 =	slt.u32 s10, $0x5FC;
	v42 =	vld [tilespmem:s11+$0x0];
	[tilespmem:v34+s3+$0x0] =	vst.idx.msk vm0, v2  }
0x1f8: {  	v37 =	vadd.s32 v37, v38;
	vm3 =	vmand vm2, vm4;
	v33 =	vadd.s32 v39, v33;
	v34 =	vld [tilespmem:s11+$0xFFFFFFE0]  }
0x1f9: {  	v37 =	vnsel vm1, $0x0, v37;
	vm2 =	vmand vm5, vm6;
	v35 =	vadd.s32 v36, v35  }
0x1fa: {  	v38 =	vnsel vm3, $0x0, v33;
	v43 =	vnsel vm2, $0x0, v35;
	v36 =	vshra.s32 v40, $0xB  }
0x1fb: {  	v35 =	vshll.u32 v40, $0x5;
	v33 =	vshra.s32 v41, $0xB;
	vm0 =	vge.s32 v36, v31  }
.Ltmp4:
0x1fc: {  	vm4 =	vlt.s32 v36, v32;
	v35 =	vand.u32 $0xFFE0, v35;
	v36 =	vsub.s32 v36, v31;
	(pc) =	sbr.rel @p0 .LBB2_11-.Ltmp4, $4  }
0x1fd: {  	vm0 =	vmand vm0, vm4;
	v35 =	vadd.s32 v35, v36;
	v40 =	vshra.s32 v34, $0xB  }
0x1fe: {  	v39 =	vshll.u32 v41, $0x5;
	v44 =	vshll.u32 v34, $0x5;
	v34 =	vnsel vm0, $0x0, v35;
	[tilespmem:v37+s3+$0x0] =	vst.idx.msk vm1, v2  }
0x1ff: {  	v36 =	vshll.u32 v42, $0x5;
	v35 =	vshra.s32 v42, $0xB;
	vm1 =	vge.s32 v40, v31;
	[tilespmem:v38+s3+$0x0] =	vst.idx.msk vm3, v2  }
0x200: {  	s11 =	sadd.s32 $0x40, s11;
	v37 =	vand.u32 $0xFFE0, v44;
	vm3 =	vlt.s32 v40, v32;
	v38 =	vsub.s32 v40, v31;
	[tilespmem:v43+s3+$0x0] =	vst.idx.msk vm2, v2  }
0x201: {  	vm2 =	vge.s32 v33, v31  }
0x202: {  	vm4 =	vlt.s32 v33, v32;
	v39 =	vand.u32 $0xFFE0, v39;
	v60 =	vsub.s32 v33, v31  }
0x203: {  	vm5 =	vge.s32 v35, v31;
	vm6 =	vlt.s32 v35, v32;
	vm1 =	vmand vm1, vm3  }
0x204: {  	v61 =	vand.u32 $0xFFE0, v36;
	v31 =	vsub.s32 v35, v31;
	v62 =	vadd.s32 v37, v38  }
0x205: {  	vm2 =	vmand vm2, vm4;
	v33 =	vadd.s32 v39, v60;
	v35 =	vnsel vm1, $0x0, v62  }
0x206: {  	vm15 =	vmand vm5, vm6;
	v31 =	vadd.s32 v61, v31;
	v63 =	vnsel vm2, $0x0, v33  }
0x207: {  	v31 =	vnsel vm15, $0x0, v31;
	_ =	sdelay $0x1  }
0x208: {  	[tilespmem:v34+s3+$0x0] =	vst.idx.msk vm0, v2  }
0x209: {  	[tilespmem:v35+s3+$0x0] =	vst.idx.msk vm1, v2  }
0x20a: {  	[tilespmem:v63+s3+$0x0] =	vst.idx.msk vm2, v2  }
0x20b: {  	[tilespmem:v31+s3+$0x0] =	vst.idx.msk vm15, v2  }
0x20c: {  	[tilespmem:$0x16280] =	vst v2  }
0x20d: {  	[tilespmem:$0x16290] =	vst v2  }
0x20e: {  	_ =	strace $0x9000004B  }
0x20f: {  	_ =	strace $0x8000004C  }
0x210: {  	[tilespmem:s29], [sflag:$0x1] =	stream.indirect.gather [spmem:s2], $0x80, s26, s1, $0x2000b8;
	[tilespmem:$0x1C588] =	vst v63  }
0x211: {  	s8 =	sshll.u32 s8, $0xB;
	s10 =	simm.s32 $0x163A0  }
0x212: {  	[tilespmem:s4], [sflag:$0x2] =	stream.indirect.gather [spmem:s2], $0x80, s10, s1, $0x2000b8;
	[tilespmem:$0x1C588] =	vst v63  }
0x213: {  	s8 =	sor.u32 s9, s8;
	_ =	swait.ge [sflag:s5], $0x1000  }
0x214: {  	s9 =	sshll.u32 s8, $0x4;
	[sflag:s5] =	ssyncset.done $0x0;
	s13 =	rddreg [dreg:$0x5]  }
0x215: {  	[sflag:s5] =	ssyncadd.s32 $0xFFFFF000;
	s10 =	sadd.s32 s13, s9  }
0x216: {  	[hbm4b:s10+s3] =	stream.linear.scatter [tilespmem:s29], [sflag:$0x3], $0x1000, $0x200038;
	[tilespmem:$0x1C588] =	vst v63  }
0x217: {  	_ =	swait.ge [sflag:s30], $0x1000  }
0x218: {  	[sflag:s30] =	ssyncset.done $0x0  }
0x219: {  	s14 =	simm.s32 $0x163C0;
	[sflag:s30] =	ssyncadd.s32 $0xFFFFF000  }
0x21a: {  	[tilespmem:s29], [sflag:$0x1] =	stream.indirect.gather [spmem:s2], $0x80, s14, s1, $0x2000b8;
	[tilespmem:$0x1C588] =	vst v63  }
0x21b: {  	_ =	swait.ge [sflag:s6], $0x1000  }
0x21c: {  	[sflag:s6] =	ssyncset.done $0x0;
	s15 =	rddreg [dreg:$0x7]  }
0x21d: {  	[sflag:s6] =	ssyncadd.s32 $0xFFFFF000;
	s10 =	sadd.s32 s9, s15  }
0x21e: {  	[hbm4b:s10+s3] =	stream.linear.scatter [tilespmem:s4], [sflag:$0x3], $0x1000, $0x200038;
	[tilespmem:$0x1C588] =	vst v63  }
0x21f: {  	_ =	swait.ge [sflag:s30], $0x1000  }
0x220: {  	[sflag:s30] =	ssyncset.done $0x0  }
0x221: {  	s16 =	simm.s32 $0x163E0;
	[sflag:s30] =	ssyncadd.s32 $0xFFFFF000  }
0x222: {  	[tilespmem:s4], [sflag:$0x2] =	stream.indirect.gather [spmem:s2], $0x80, s16, s1, $0x2000b8;
	[tilespmem:$0x1C588] =	vst v63  }
0x223: {  	_ =	swait.ge [sflag:s5], $0x1000  }
0x224: {  	[sflag:s5] =	ssyncset.done $0x0;
	s17 =	rddreg [dreg:$0x8]  }
0x225: {  	[sflag:s5] =	ssyncadd.s32 $0xFFFFF000;
	s10 =	sadd.s32 s9, s17  }
0x226: {  	[hbm4b:s10+s3] =	stream.linear.scatter [tilespmem:s29], [sflag:$0x3], $0x1000, $0x200038;
	[tilespmem:$0x1C588] =	vst v63  }
0x227: {  	_ =	swait.ge [sflag:s30], $0x1000  }
0x228: {  	[sflag:s30] =	ssyncset.done $0x0  }
0x229: {  	s18 =	simm.s32 $0x16400;
	[sflag:s30] =	ssyncadd.s32 $0xFFFFF000  }
0x22a: {  	[tilespmem:s29], [sflag:$0x1] =	stream.indirect.gather [spmem:s2], $0x80, s18, s1, $0x2000b8;
	[tilespmem:$0x1C588] =	vst v63  }
0x22b: {  	_ =	swait.ge [sflag:s6], $0x1000  }
0x22c: {  	[sflag:s6] =	ssyncset.done $0x0;
	s11 =	rddreg [dreg:$0x9]  }
0x22d: {  	[sflag:s6] =	ssyncadd.s32 $0xFFFFF000;
	s10 =	sadd.s32 s9, s11  }
0x22e: {  	[hbm4b:s10+s3] =	stream.linear.scatter [tilespmem:s4], [sflag:$0x3], $0x1000, $0x200038;
	[tilespmem:$0x1C588] =	vst v63  }
0x22f: {  	_ =	swait.ge [sflag:s30], $0x1000  }
0x230: {  	[sflag:s30] =	ssyncset.done $0x0  }
0x231: {  	s12 =	simm.s32 $0x16420;
	[sflag:s30] =	ssyncadd.s32 $0xFFFFF000  }
0x232: {  	[tilespmem:s4], [sflag:$0x2] =	stream.indirect.gather [spmem:s2], $0x80, s12, s1, $0x2000b8;
	[tilespmem:$0x1C588] =	vst v63  }
0x233: {  	_ =	swait.ge [sflag:s5], $0x1000  }
0x234: {  	[sflag:s5] =	ssyncset.done $0x0;
	s13 =	rddreg [dreg:$0xa]  }
0x235: {  	[sflag:s5] =	ssyncadd.s32 $0xFFFFF000;
	s10 =	sadd.s32 s9, s13  }
0x236: {  	[hbm4b:s10+s3] =	stream.linear.scatter [tilespmem:s29], [sflag:$0x3], $0x1000, $0x200038;
	[tilespmem:$0x1C588] =	vst v63  }
0x237: {  	_ =	swait.ge [sflag:s30], $0x1000  }
0x238: {  	[sflag:s30] =	ssyncset.done $0x0  }
0x239: {  	s14 =	simm.s32 $0x16440;
	[sflag:s30] =	ssyncadd.s32 $0xFFFFF000  }
0x23a: {  	[tilespmem:s29], [sflag:$0x1] =	stream.indirect.gather [spmem:s2], $0x80, s14, s1, $0x2000b8;
	[tilespmem:$0x1C588] =	vst v63  }
0x23b: {  	_ =	swait.ge [sflag:s6], $0x1000  }
0x23c: {  	[sflag:s6] =	ssyncset.done $0x0;
	s15 =	rddreg [dreg:$0xb]  }
0x23d: {  	[sflag:s6] =	ssyncadd.s32 $0xFFFFF000;
	s10 =	sadd.s32 s9, s15  }
0x23e: {  	[hbm4b:s10+s3] =	stream.linear.scatter [tilespmem:s4], [sflag:$0x3], $0x1000, $0x200038;
	[tilespmem:$0x1C588] =	vst v63  }
0x23f: {  	_ =	swait.ge [sflag:s30], $0x1000  }
0x240: {  	[sflag:s30] =	ssyncset.done $0x0  }
0x241: {  	s16 =	simm.s32 $0x16460;
	[sflag:s30] =	ssyncadd.s32 $0xFFFFF000  }
0x242: {  	[tilespmem:s4], [sflag:$0x2] =	stream.indirect.gather [spmem:s2], $0x80, s16, s1, $0x2000b8;
	[tilespmem:$0x1C588] =	vst v63  }
0x243: {  	_ =	swait.ge [sflag:s5], $0x1000  }
0x244: {  	[sflag:s5] =	ssyncset.done $0x0;
	s17 =	rddreg [dreg:$0xc]  }
0x245: {  	[sflag:s5] =	ssyncadd.s32 $0xFFFFF000;
	s10 =	sadd.s32 s9, s17  }
0x246: {  	[hbm4b:s10+s3] =	stream.linear.scatter [tilespmem:s29], [sflag:$0x3], $0x1000, $0x200038;
	[tilespmem:$0x1C588] =	vst v63  }
0x247: {  	_ =	swait.ge [sflag:s30], $0x1000  }
0x248: {  	[sflag:s30] =	ssyncset.done $0x0  }
0x249: {  	s18 =	simm.s32 $0x16480;
	[sflag:s30] =	ssyncadd.s32 $0xFFFFF000  }
0x24a: {  	[tilespmem:s29], [sflag:$0x1] =	stream.indirect.gather [spmem:s2], $0x80, s18, s1, $0x2000b8;
	[tilespmem:$0x1C588] =	vst v63  }
0x24b: {  	_ =	swait.ge [sflag:s6], $0x1000  }
0x24c: {  	[sflag:s6] =	ssyncset.done $0x0;
	s11 =	rddreg [dreg:$0xd]  }
0x24d: {  	[sflag:s6] =	ssyncadd.s32 $0xFFFFF000;
	s10 =	sadd.s32 s9, s11  }
0x24e: {  	[hbm4b:s10+s3] =	stream.linear.scatter [tilespmem:s4], [sflag:$0x3], $0x1000, $0x200038;
	[tilespmem:$0x1C588] =	vst v63  }
0x24f: {  	_ =	swait.ge [sflag:s30], $0x1000  }
0x250: {  	[sflag:s30] =	ssyncset.done $0x0  }
0x251: {  	s12 =	simm.s32 $0x164A0;
	[sflag:s30] =	ssyncadd.s32 $0xFFFFF000  }
0x252: {  	[tilespmem:s4], [sflag:$0x2] =	stream.indirect.gather [spmem:s2], $0x80, s12, s1, $0x2000b8;
	[tilespmem:$0x1C588] =	vst v63  }
0x253: {  	_ =	swait.ge [sflag:s5], $0x1000  }
0x254: {  	[sflag:s5] =	ssyncset.done $0x0;
	s13 =	rddreg [dreg:$0xe]  }
0x255: {  	[sflag:s5] =	ssyncadd.s32 $0xFFFFF000;
	s10 =	sadd.s32 s9, s13  }
0x256: {  	[hbm4b:s10+s3] =	stream.linear.scatter [tilespmem:s29], [sflag:$0x3], $0x1000, $0x200038;
	[tilespmem:$0x1C588] =	vst v63  }
0x257: {  	_ =	swait.ge [sflag:s30], $0x1000  }
0x258: {  	[sflag:s30] =	ssyncset.done $0x0  }
0x259: {  	s14 =	simm.s32 $0x164C0;
	[sflag:s30] =	ssyncadd.s32 $0xFFFFF000  }
0x25a: {  	[tilespmem:s29], [sflag:$0x1] =	stream.indirect.gather [spmem:s2], $0x80, s14, s1, $0x2000b8;
	[tilespmem:$0x1C588] =	vst v63  }
0x25b: {  	_ =	swait.ge [sflag:s6], $0x1000  }
0x25c: {  	[sflag:s6] =	ssyncset.done $0x0;
	s15 =	rddreg [dreg:$0x10]  }
0x25d: {  	[sflag:s6] =	ssyncadd.s32 $0xFFFFF000;
	s10 =	sadd.s32 s9, s15  }
0x25e: {  	[hbm4b:s10+s3] =	stream.linear.scatter [tilespmem:s4], [sflag:$0x3], $0x1000, $0x200038;
	[tilespmem:$0x1C588] =	vst v63  }
0x25f: {  	_ =	swait.ge [sflag:s30], $0x1000  }
0x260: {  	[sflag:s30] =	ssyncset.done $0x0  }
0x261: {  	s16 =	simm.s32 $0x164E0;
	[sflag:s30] =	ssyncadd.s32 $0xFFFFF000  }
0x262: {  	[tilespmem:s4], [sflag:$0x2] =	stream.indirect.gather [spmem:s2], $0x80, s16, s1, $0x2000b8;
	[tilespmem:$0x1C588] =	vst v63  }
0x263: {  	_ =	swait.ge [sflag:s5], $0x1000  }
0x264: {  	[sflag:s5] =	ssyncset.done $0x0;
	s17 =	rddreg [dreg:$0x11]  }
0x265: {  	[sflag:s5] =	ssyncadd.s32 $0xFFFFF000;
	s10 =	sadd.s32 s9, s17  }
0x266: {  	[hbm4b:s10+s3] =	stream.linear.scatter [tilespmem:s29], [sflag:$0x3], $0x1000, $0x200038;
	[tilespmem:$0x1C588] =	vst v63  }
0x267: {  	_ =	swait.ge [sflag:s30], $0x1000  }
0x268: {  	[sflag:s30] =	ssyncset.done $0x0  }
0x269: {  	s18 =	simm.s32 $0x16500;
	[sflag:s30] =	ssyncadd.s32 $0xFFFFF000  }
0x26a: {  	[tilespmem:s29], [sflag:$0x1] =	stream.indirect.gather [spmem:s2], $0x80, s18, s1, $0x2000b8;
	[tilespmem:$0x1C588] =	vst v63  }
0x26b: {  	_ =	swait.ge [sflag:s6], $0x1000  }
0x26c: {  	[sflag:s6] =	ssyncset.done $0x0  }
0x26d: {  	s11 =	sadd.s32 s9, s19;
	[sflag:s6] =	ssyncadd.s32 $0xFFFFF000  }
0x26e: {  	[hbm4b:s11+s3] =	stream.linear.scatter [tilespmem:s4], [sflag:$0x3], $0x1000, $0x200038;
	[tilespmem:$0x1C588] =	vst v63  }
0x26f: {  	_ =	swait.ge [sflag:s30], $0x1000  }
0x270: {  	[sflag:s30] =	ssyncset.done $0x0  }
0x271: {  	s12 =	simm.s32 $0x16520;
	[sflag:s30] =	ssyncadd.s32 $0xFFFFF000  }
0x272: {  	[tilespmem:s4], [sflag:$0x2] =	stream.indirect.gather [spmem:s2], $0x80, s12, s1, $0x2000b8;
	[tilespmem:$0x1C588] =	vst v63  }
0x273: {  	_ =	swait.ge [sflag:s5], $0x1000  }
0x274: {  	[sflag:s5] =	ssyncset.done $0x0  }
0x275: {  	s13 =	sadd.s32 s9, s20;
	[sflag:s5] =	ssyncadd.s32 $0xFFFFF000  }
0x276: {  	[hbm4b:s13+s3] =	stream.linear.scatter [tilespmem:s29], [sflag:$0x3], $0x1000, $0x200038;
	[tilespmem:$0x1C588] =	vst v63  }
0x277: {  	_ =	swait.ge [sflag:s30], $0x1000  }
0x278: {  	[sflag:s30] =	ssyncset.done $0x0  }
0x279: {  	s14 =	simm.s32 $0x16540;
	[sflag:s30] =	ssyncadd.s32 $0xFFFFF000  }
0x27a: {  	[tilespmem:s29], [sflag:$0x1] =	stream.indirect.gather [spmem:s2], $0x80, s14, s1, $0x2000b8;
	[tilespmem:$0x1C588] =	vst v63  }
0x27b: {  	_ =	swait.ge [sflag:s6], $0x1000  }
0x27c: {  	[sflag:s6] =	ssyncset.done $0x0  }
0x27d: {  	s15 =	sadd.s32 s9, s22;
	[sflag:s6] =	ssyncadd.s32 $0xFFFFF000  }
0x27e: {  	[hbm4b:s15+s3] =	stream.linear.scatter [tilespmem:s4], [sflag:$0x3], $0x1000, $0x200038;
	[tilespmem:$0x1C588] =	vst v63  }
0x27f: {  	_ =	swait.ge [sflag:s30], $0x1000  }
0x280: {  	[sflag:s30] =	ssyncset.done $0x0  }
0x281: {  	s16 =	simm.s32 $0x16560;
	[sflag:s30] =	ssyncadd.s32 $0xFFFFF000  }
0x282: {  	[tilespmem:s4], [sflag:$0x2] =	stream.indirect.gather [spmem:s2], $0x80, s16, s1, $0x2000b8;
	[tilespmem:$0x1C588] =	vst v63  }
0x283: {  	_ =	swait.ge [sflag:s5], $0x1000  }
0x284: {  	[sflag:s5] =	ssyncset.done $0x0  }
0x285: {  	s17 =	sadd.s32 s9, s23;
	[sflag:s5] =	ssyncadd.s32 $0xFFFFF000  }
0x286: {  	[hbm4b:s17+s3] =	stream.linear.scatter [tilespmem:s29], [sflag:$0x3], $0x1000, $0x200038;
	[tilespmem:$0x1C588] =	vst v63  }
0x287: {  	_ =	swait.ge [sflag:s30], $0x1000  }
0x288: {  	[sflag:s30] =	ssyncset.done $0x0  }
0x289: {  	[sflag:s30] =	ssyncadd.s32 $0xFFFFF000  }
0x28a: {  	_ =	swait.ge [sflag:s6], $0x1000  }
0x28b: {  	[sflag:s6] =	ssyncset.done $0x0  }
0x28c: {  	s9 =	sadd.s32 s9, s24;
	[sflag:s6] =	ssyncadd.s32 $0xFFFFF000  }
0x28d: {  	[hbm4b:s9+s3] =	stream.linear.scatter [tilespmem:s4], [sflag:$0x3], $0x1000, $0x200038;
	[tilespmem:$0x1C588] =	vst v63  }
0x28e: {  	s7 =	sadd.s32 $0x1, s7;
	_ =	swait.ge [sflag:s30], $0x1000  }
0x28f: {  	s8 =	sshrl.u32 s8, $0x3;
	[sflag:s30] =	ssyncset.done $0x0;
	s18 =	rddreg [dreg:$0x6]  }
0x290: {  	p0 =	sne.s32 s7, $0x10;
	[sflag:s30] =	ssyncadd.s32 $0xFFFFF000;
	s8 =	sadd.s32 s18, s8  }
0x291: {  	[hbm4b:s8+s3] =	stream.linear.scatter [tilespmem:s25], [sflag:$0x3], $0x20, $0x200038;
	[tilespmem:$0x1C588] =	vst v63  }
.Ltmp5:
0x292: {  	_ = 	snop;
	(pc) =	sbr.rel @p0 .LBB2_4-.Ltmp5, $4  }
0x293: {  	_ =	swait.ge [sflag:s30], $0x20  }
0x294: {  	[sflag:s30] =	ssyncset.done $0x0  }
0x295: {  	[sflag:s30] =	ssyncadd.s32 $0xFFFFFFE0  }
0x296: {  	_ =	strace $0x9000004C  }
0x297: {  	s8 =	rddreg [dreg:$0x15]  }
0x298: {  	s7 =	rddreg [dreg:$0x13];
	s8 =	sadd.s32 $0x1, s8  }
0x299: {  	p0 =	sne.s32 s8, s7  }
.Ltmp6:
0x29a: {  	_ = 	snop;
	(pc) =	sbr.rel @p0 .LBB2_1-.Ltmp6, $1  }
0x29b: {  	_ =	sdelay $0x3  }
0x29c: {  	_ =	sfence.sel $0x180000  }
0x29d: {  	[bflag:$0x0] =	sbarrier.arrive $0xFFFF  }
0x29e: {  	_ =	strace $0x90000047  }
0x29f: {  	s0 =	stileid.u32;
	[bflag:$0x2] =	sbarrier.arrive $0xFFFF  }
0x2a0: {  	p0 =	sne.s32 s0, $0x0;
	s0 =	rddreg [dreg:$0x4]  }
0x2a1: {  	s0 =	sadd.s32 @!p0 $0x100000, s0  }
0x2a2: {  	[sflag:s0] =	ssyncadd.tile.s32 @!p0 $0x1;
	_ =	shalt  }
.Lfunc_end2:
_tile_overlayer_lowered:
.L_overlay_start_2:
0x2a3: {  	(tag) =	ssettag $0x2  }
0x2a4: {  	s0 =	rddreg [dreg:$0x0];
	s2 =	stileid.u32  }
0x2a5: {  	s1 =	rddreg [dreg:$0x1];
	p0 =	sne.s32 s2, $0x0  }
0x2a6: {  	s3 =	rddreg [dreg:$0x2];
	[bflag:$0x3] =	sbarrier.arrive $0xFFFF;
	s2 =	simm.s32 @!p0 $0x1C03  }
0x2a7: {  	[timem:s3], [sflag:s2] =	dma.local @!p0 [hbm:s0], s1  }
0x2a8: {  	s0 =	simm.s32 @!p0 $0x3  }
0x2a9: {  	_ =	swait.ge @!p0 [sflag:s0], s1  }
0x2aa: {  	s1 =	ssub.s32 @!p0 $0x0, s1;
	[sflag:s0] =	ssyncset.done @!p0 $0x0  }
0x2ab: {  	[sflag:s0] =	ssyncadd.s32 @!p0 s1  }
0x2ac: {  	[bflag:$0x3] =	sbarrier.arrive $0xFFFF  }
0x2ad: {  	_ =	shalt  }

</sc_bundles>
